<compile_context>
chip_gen: v7x
topology: tpu7x:2x2x1
jax: 0.10.2.dev20260603
libtpu: 0.0.44.dev20260713+nightly
codegen_flags: <defaults>
</compile_context>

<pallas_src>
import functools

import jax
import jax.numpy as jnp
from jax import lax
from jax.experimental import pallas as pl
from jax.experimental.pallas import tpu as pltpu
from jax.experimental.pallas import tpu_sc as plsc

E = 8
TOPK = 2
H = 768
I = 1536
T = 2048
S = T * TOPK
BT = 256
P = 6144
NBLK = P // BT
NBPAD = 128
NW = 32


def _router_body(x_ref, gw_ref, pos_ref, wtk_ref, emap_ref, evalid_ref):
    x = x_ref[...]
    gw = gw_ref[...]
    logits = lax.dot_general(x, gw, (((1,), (1,)), ((), ())),
                             preferred_element_type=jnp.float32)
    m = jnp.max(logits, axis=1, keepdims=True)
    p = jnp.exp(logits - m)
    p = p / jnp.sum(p, axis=1, keepdims=True)

    lane = lax.broadcasted_iota(jnp.int32, (T, E), 1)
    m1 = jnp.max(p, axis=1, keepdims=True)
    i1 = jnp.min(jnp.where(p == m1, lane, E), axis=1, keepdims=True)
    p2 = jnp.where(lane == i1, -jnp.inf, p)
    m2 = jnp.max(p2, axis=1, keepdims=True)
    i2 = jnp.min(jnp.where(p2 == m2, lane, E), axis=1, keepdims=True)
    ssum = m1 + m2
    wtk_ref[...] = jnp.concatenate([m1 / ssum, m2 / ssum], axis=1)

    oh1 = (lane == i1).astype(jnp.int32)
    oh2 = (lane == i2).astype(jnp.int32)
    cnt = oh1 + oh2
    c = cnt
    sh = 1
    while sh < T:
        c = c + jnp.concatenate(
            [jnp.zeros((sh, E), jnp.int32), c[: T - sh]], axis=0)
        sh *= 2
    counts = c[T - 1: T, :]
    cex = c - cnt
    pc = ((counts + BT - 1) // BT) * BT
    ic = pc
    for sh in (1, 2, 4):
        ic = ic + jnp.concatenate(
            [jnp.zeros((1, sh), jnp.int32), ic[:, : E - sh]], axis=1)
    off = ic - pc

    pos0 = jnp.sum(oh1 * (off + cex), axis=1, keepdims=True)
    pos1 = jnp.sum(oh2 * (off + cex), axis=1, keepdims=True)
    pos_ref[...] = jnp.concatenate([pos0, pos1], axis=1)

    blk = lax.broadcasted_iota(jnp.int32, (1, NBPAD), 1)
    emap = jnp.zeros((1, NBPAD), jnp.int32)
    valid = jnp.zeros((1, NBPAD), jnp.int32)
    for e in range(E):
        lo = off[0:1, e:e + 1] // BT
        hi = (off[0:1, e:e + 1] + pc[0:1, e:e + 1]) // BT
        ine = (blk >= lo) & (blk < hi)
        emap = jnp.where(ine, e, emap)
        valid = valid | ine.astype(jnp.int32)
    lane8 = lax.broadcasted_iota(jnp.int32, (1, E), 1)
    elast = jnp.max(jnp.where(pc > 0, lane8, 0))
    emap_ref[...] = jnp.where(valid == 1, emap, elast)
    evalid_ref[...] = jnp.where(valid == 1, emap, -1)


def _router_call(x, gate_w):
    return pl.pallas_call(
        _router_body,
        out_shape=[
            jax.ShapeDtypeStruct((T, TOPK), jnp.int32),
            jax.ShapeDtypeStruct((T, TOPK), jnp.float32),
            jax.ShapeDtypeStruct((1, NBPAD), jnp.int32),
            jax.ShapeDtypeStruct((1, NBPAD), jnp.int32),
        ],
    )(x, gate_w)


_RW = P // NW
_CH = 64


def _dispatch_body(pos_hbm, w_hbm, x_hbm, xs_hbm, wsc_hbm,
                   pos_v, w_v, st_v, wsc_v, ia_v, ib_v, ra_v, rb_v,
                   st_sh, sg, sw):
    cid = lax.axis_index("c")
    sid = lax.axis_index("s")

    @pl.when(sid == 0)
    def _():
        pltpu.sync_copy(pos_hbm, pos_v)
        pltpu.sync_copy(w_hbm, w_v)

        iota16 = lax.iota(jnp.int32, 16)

        def zero_body(i, carry):
            st_v[pl.ds(i * 16, 16)] = (i * 16 + iota16) & (T - 1)
            wsc_v[pl.ds(i * 16, 16)] = jnp.zeros((16,), jnp.float32)
            return carry

        lax.fori_loop(0, P // 16, zero_body, 0)

        def sc_body(i, carry):
            idx = pos_v[pl.ds(i * 16, 16)]
            tok = (i * 16 + iota16) // 2
            plsc.store_scatter(st_v, [idx], tok)
            wv = w_v[pl.ds(i * 16, 16)]
            plsc.store_scatter(wsc_v, [idx], wv)
            return carry

        lax.fori_loop(0, S // 16, sc_body, 0)
        pltpu.sync_copy(st_v, st_sh)

        @pl.when(cid == 0)
        def _():
            pltpu.sync_copy(wsc_v, wsc_hbm)

    plsc.subcore_barrier()

    wid = sid * 2 + cid
    base = wid * _RW
    pltpu.sync_copy(st_sh.at[pl.ds(base, _CH)], ia_v)
    g0 = pltpu.async_copy(x_hbm.at[ia_v], ra_v, sg)
    pltpu.sync_copy(st_sh.at[pl.ds(base + _CH, _CH)], ib_v)
    g1 = pltpu.async_copy(x_hbm.at[ib_v], rb_v, sg)
    g0.wait()
    w0 = pltpu.async_copy(ra_v, xs_hbm.at[pl.ds(base, _CH)], sw)
    g1.wait()
    w1 = pltpu.async_copy(rb_v, xs_hbm.at[pl.ds(base + _CH, _CH)], sw)
    w0.wait()
    pltpu.sync_copy(st_sh.at[pl.ds(base + 2 * _CH, _CH)], ia_v)
    g2 = pltpu.async_copy(x_hbm.at[ia_v], ra_v, sg)
    g2.wait()
    w2 = pltpu.async_copy(ra_v, xs_hbm.at[pl.ds(base + 2 * _CH, _CH)], sw)
    w1.wait()
    w2.wait()


def _mm_body(emap_ref, evalid_ref, xs_ref, ws_ref, w2_ref, wsc_ref, ys_ref):
    b = pl.program_id(0)

    @pl.when(evalid_ref[b] >= 0)
    def _():
        xs = xs_ref[...]
        wfull = ws_ref[0]
        gu = lax.dot_general(xs, wfull, (((1,), (1,)), ((), ())),
                             preferred_element_type=jnp.float32)
        g = gu[:, :I]
        u = gu[:, I:]
        h = (g * (1.0 / (1.0 + jnp.exp(-g)))) * u
        w2 = w2_ref[0]
        part = lax.dot_general(h, w2, (((1,), (1,)), ((), ())),
                               preferred_element_type=jnp.float32)
        ys_ref[...] = part * wsc_ref[...]


def _mm_call(emap, evalid, xs, ws, w2s, wsc):
    grid_spec = pltpu.PrefetchScalarGridSpec(
        num_scalar_prefetch=2,
        grid=(NBLK,),
        in_specs=[
            pl.BlockSpec((BT, H), lambda b, em, ev: (b, 0)),
            pl.BlockSpec((1, 2 * I, H), lambda b, em, ev: (em[b], 0, 0)),
            pl.BlockSpec((1, H, I), lambda b, em, ev: (em[b], 0, 0)),
            pl.BlockSpec((BT, 1), lambda b, em, ev: (b, 0)),
        ],
        out_specs=pl.BlockSpec((BT, H), lambda b, em, ev: (b, 0)),
    )
    return pl.pallas_call(
        _mm_body,
        grid_spec=grid_spec,
        out_shape=jax.ShapeDtypeStruct((P, H), jnp.float32),
    )(emap, evalid, xs, ws, w2s, wsc)


_TW = T // NW


def _combine_body(pos0_hbm, pos1_hbm, ys_hbm, out_hbm, i0_v, i1_v, a_v, b_v,
                  sem):
    wid = lax.axis_index("s") * 2 + lax.axis_index("c")
    base = wid * _TW
    pltpu.sync_copy(pos0_hbm.at[pl.ds(base, _TW)], i0_v)
    pltpu.sync_copy(pos1_hbm.at[pl.ds(base, _TW)], i1_v)
    cp0 = pltpu.async_copy(ys_hbm.at[i0_v], a_v, sem)
    cp1 = pltpu.async_copy(ys_hbm.at[i1_v], b_v, sem)
    cp0.wait()
    cp1.wait()

    def add_body(r, carry):
        for j in range(H // 16):
            sl = pl.ds(j * 16, 16)
            a_v[r, sl] = a_v[r, sl] + b_v[r, sl]
        return carry

    lax.fori_loop(0, _TW, add_body, 0)
    pltpu.sync_copy(a_v, out_hbm.at[pl.ds(base, _TW)])


@functools.lru_cache(maxsize=1)
def _sc_kernels():
    mesh = plsc.VectorSubcoreMesh(core_axis_name="c", subcore_axis_name="s")
    params = pltpu.CompilerParams(needs_layout_passes=False)
    dispatch = pl.kernel(
        _dispatch_body, mesh=mesh, compiler_params=params,
        out_type=[jax.ShapeDtypeStruct((P, H), jnp.float32),
                  jax.ShapeDtypeStruct((P,), jnp.float32)],
        scratch_types=[pltpu.VMEM((S,), jnp.int32),
                       pltpu.VMEM((S,), jnp.float32),
                       pltpu.VMEM((P,), jnp.int32),
                       pltpu.VMEM((P,), jnp.float32),
                       pltpu.VMEM((_CH,), jnp.int32),
                       pltpu.VMEM((_CH,), jnp.int32),
                       pltpu.VMEM((_CH, H), jnp.float32),
                       pltpu.VMEM((_CH, H), jnp.float32),
                       pltpu.VMEM_SHARED((P,), jnp.int32),
                       pltpu.SemaphoreType.DMA,
                       pltpu.SemaphoreType.DMA],
    )
    combine = pl.kernel(
        _combine_body, mesh=mesh, compiler_params=params,
        out_type=jax.ShapeDtypeStruct((T, H), jnp.float32),
        scratch_types=[pltpu.VMEM((_TW,), jnp.int32),
                       pltpu.VMEM((_TW,), jnp.int32),
                       pltpu.VMEM((_TW, H), jnp.float32),
                       pltpu.VMEM((_TW, H), jnp.float32),
                       pltpu.SemaphoreType.DMA],
    )
    return dispatch, combine


def kernel(hidden_states, gate_w, ws, w2s):
    dispatch, combine = _sc_kernels()
    x = hidden_states.reshape(T, H)
    pos, wtk, emap2d, evalid2d = _router_call(x, gate_w)
    emap = emap2d.reshape(NBPAD)
    evalid = evalid2d.reshape(NBPAD)
    xs, wsc = dispatch(pos.reshape(S), wtk.reshape(S), x)
    ys = _mm_call(emap, evalid, xs, ws, w2s, wsc.reshape(P, 1))
    out = combine(pos[:, 0], pos[:, 1], ys)
    return out.reshape(T, H)

# --- scband reference (transcript-rebuilt; emitter-appended) ---
"""Pipeline reference for scband-mini-cpmmo-e-66322884985035 (READ-ONLY COPY).

The authoritative reference and input builder live on the scoring server;
editing this copy changes nothing except your own understanding.
"""

import jax, jax.numpy as jnp
import numpy as np

NUM_EXPERTS = 8
TOP_K = 2
HIDDEN = 768
INTER = 1536  # intermediate_size // tp_size with tp_size=1
TOKENS = 2048


def setup_inputs(seed: int = 0) -> dict:
    key = jax.random.key(seed)
    k1, k2, k3, k4 = jax.random.split(key, 4)
    hidden_states = jax.random.normal(k1, (TOKENS, HIDDEN), dtype=jnp.float32)
    # gate: ReplicatedLinear(hidden_size, num_experts, bias=False) -> weight [E, H]
    gate_w = jax.random.normal(k2, (NUM_EXPERTS, HIDDEN), dtype=jnp.float32) * 0.02
    # ws: [E, 2*I, H] (fused w1 and w3), w2s: [E, H, I]
    ws = jax.random.normal(k3, (NUM_EXPERTS, 2 * INTER, HIDDEN), dtype=jnp.float32) * 0.02
    w2s = jax.random.normal(k4, (NUM_EXPERTS, HIDDEN, INTER), dtype=jnp.float32) * 0.02
    return {"hidden_states": hidden_states, "gate_w": gate_w, "ws": ws, "w2s": w2s}


def reference(hidden_states, gate_w, ws, w2s):
    x = hidden_states.reshape(-1, HIDDEN)
    # router logits via ReplicatedLinear (no bias)
    router_logits = x @ gate_w.T
    # fused_topk with renormalize=True: softmax (fp32) -> top-k -> renormalize
    probs = jax.nn.softmax(router_logits.astype(jnp.float32), axis=-1)
    topk_weights, topk_ids = jax.lax.top_k(probs, TOP_K)
    topk_weights = topk_weights / jnp.sum(topk_weights, axis=-1, keepdims=True)
    # fused_experts: SiLU-gated MLP per selected expert, weighted combine
    out = jnp.zeros_like(x)
    for e in range(NUM_EXPERTS):
        mask = topk_ids == e  # [T, top_k]
        w_e = jnp.sum(jnp.where(mask, topk_weights, 0.0), axis=-1)  # [T]
        gu = x @ ws[e].T                 # [T, 2*I]
        h = jax.nn.silu(gu[:, :INTER]) * gu[:, INTER:]
        ye = h @ w2s[e].T                # [T, H]
        out = out + ye * w_e[:, None]
    return out.reshape(TOKENS, HIDDEN)

if __name__ == "__main__":
    import jax
    _d = setup_inputs()
    print(jax.jit(kernel)(*tuple(_d.values())))

</pallas_src>

<mosaic_0001>
#map = affine_map<(d0, d1) -> (0)>
#map1 = affine_map<(d0, d1) -> (0, 0)>
module attributes {stable_mosaic.version = 14 : i64} {
  func.func @_combine_body(%arg0: i32, %arg1: i32, %arg2: memref<2048xi32, #tpu.memory_space<hbm>>, %arg3: memref<2048xi32, #tpu.memory_space<hbm>>, %arg4: memref<6144x768xf32, #tpu.memory_space<hbm>>, %arg5: memref<2048x768xf32, #tpu.memory_space<hbm>>, %arg6: memref<64xi32, #tpu.memory_space<vmem>>, %arg7: memref<64xi32, #tpu.memory_space<vmem>>, %arg8: memref<64x768xf32, #tpu.memory_space<vmem>>, %arg9: memref<64x768xf32, #tpu.memory_space<vmem>>, %arg10: memref<!tpu.dma_semaphore, #tpu.memory_space<semaphore_mem>>) attributes {dimension_semantics = [#tpu.dimension_semantics<core_parallel>, #tpu.dimension_semantics<subcore_parallel>], iteration_bounds = array<i64: 2, 16>, scalar_prefetch = 0 : i64, scratch_operands = 5 : i64, tpu.core_type = #tpu.core_type<sc_vector_subcore>, window_params = [{transform_indices = #map}, {transform_indices = #map}, {transform_indices = #map1}, {transform_indices = #map1}]} {
    %mul3A = arith.constant 2 : i32
    %mul3A_0 = arith.muli %arg1, %mul3A : i32
    %add3A = arith.addi %mul3A_0, %arg0 : i32
    %mul3A_1 = arith.constant 64 : i32
    %mul3A_2 = arith.muli %add3A, %mul3A_1 : i32
    "tpu.region"() ({
      %run_scoped3A = tpu.sem_alloc : memref<!tpu.dma_semaphore, #tpu.memory_space<semaphore_mem>>
      %dma_start3A_18 = tpu.memref_slice %arg2[%mul3A_2] : memref<2048xi32, #tpu.memory_space<hbm>> -> memref<64xi32, #tpu.memory_space<hbm>>
      %dma_start3A_19 = tpu.memref_slice %arg2[%mul3A_2] : memref<2048xi32, #tpu.memory_space<hbm>> -> memref<64xi32, #tpu.memory_space<hbm>>
      tpu.enqueue_dma source(%dma_start3A_19 : memref<64xi32, #tpu.memory_space<hbm>>) target(%arg6 : memref<64xi32, #tpu.memory_space<vmem>>) target_semaphore(%run_scoped3A : memref<!tpu.dma_semaphore, #tpu.memory_space<semaphore_mem>>)
      %dma_wait3A_20 = tpu.memref_slice %arg2[%mul3A_2] : memref<2048xi32, #tpu.memory_space<hbm>> -> memref<64xi32, #tpu.memory_space<hbm>>
      %dma_wait3A_21 = tpu.memref_slice %arg2[%mul3A_2] : memref<2048xi32, #tpu.memory_space<hbm>> -> memref<64xi32, #tpu.memory_space<hbm>>
      tpu.wait_dma2 semaphore(%run_scoped3A : memref<!tpu.dma_semaphore, #tpu.memory_space<semaphore_mem>>) src(%dma_wait3A_21 : memref<64xi32, #tpu.memory_space<hbm>>) dst(%arg6 : memref<64xi32, #tpu.memory_space<vmem>>)
      tpu.yield
    }) : () -> ()
    "tpu.region"() ({
      %run_scoped3A = tpu.sem_alloc : memref<!tpu.dma_semaphore, #tpu.memory_space<semaphore_mem>>
      %dma_start3A_18 = tpu.memref_slice %arg3[%mul3A_2] : memref<2048xi32, #tpu.memory_space<hbm>> -> memref<64xi32, #tpu.memory_space<hbm>>
      %dma_start3A_19 = tpu.memref_slice %arg3[%mul3A_2] : memref<2048xi32, #tpu.memory_space<hbm>> -> memref<64xi32, #tpu.memory_space<hbm>>
      tpu.enqueue_dma source(%dma_start3A_19 : memref<64xi32, #tpu.memory_space<hbm>>) target(%arg7 : memref<64xi32, #tpu.memory_space<vmem>>) target_semaphore(%run_scoped3A : memref<!tpu.dma_semaphore, #tpu.memory_space<semaphore_mem>>)
      %dma_wait3A_20 = tpu.memref_slice %arg3[%mul3A_2] : memref<2048xi32, #tpu.memory_space<hbm>> -> memref<64xi32, #tpu.memory_space<hbm>>
      %dma_wait3A_21 = tpu.memref_slice %arg3[%mul3A_2] : memref<2048xi32, #tpu.memory_space<hbm>> -> memref<64xi32, #tpu.memory_space<hbm>>
      tpu.wait_dma2 semaphore(%run_scoped3A : memref<!tpu.dma_semaphore, #tpu.memory_space<semaphore_mem>>) src(%dma_wait3A_21 : memref<64xi32, #tpu.memory_space<hbm>>) dst(%arg7 : memref<64xi32, #tpu.memory_space<vmem>>)
      tpu.yield
    }) : () -> ()
    %dma_start3A = arith.constant 0 : i32
    %dma_start3A_3 = arith.constant 0 : i32
    %dma_start3A_4 = tpu.memref_slice %arg4[%dma_start3A, %dma_start3A_3] : memref<6144x768xf32, #tpu.memory_space<hbm>> -> memref<6144x768xf32, #tpu.memory_space<hbm>>
    tpu.enqueue_indirect_dma source(%dma_start3A_4 : memref<6144x768xf32, #tpu.memory_space<hbm>>) target(%arg8 : memref<64x768xf32, #tpu.memory_space<vmem>>) offsets(%arg6 : memref<64xi32, #tpu.memory_space<vmem>>) semaphore(%arg10 : memref<!tpu.dma_semaphore, #tpu.memory_space<semaphore_mem>>)
    %dma_start3A_5 = arith.constant 0 : i32
    %dma_start3A_6 = arith.constant 0 : i32
    %dma_start3A_7 = tpu.memref_slice %arg4[%dma_start3A_5, %dma_start3A_6] : memref<6144x768xf32, #tpu.memory_space<hbm>> -> memref<6144x768xf32, #tpu.memory_space<hbm>>
    tpu.enqueue_indirect_dma source(%dma_start3A_7 : memref<6144x768xf32, #tpu.memory_space<hbm>>) target(%arg9 : memref<64x768xf32, #tpu.memory_space<vmem>>) offsets(%arg7 : memref<64xi32, #tpu.memory_space<vmem>>) semaphore(%arg10 : memref<!tpu.dma_semaphore, #tpu.memory_space<semaphore_mem>>)
    %dma_wait3A = arith.constant 0 : i32
    %dma_wait3A_8 = arith.constant 0 : i32
    %dma_wait3A_9 = tpu.memref_slice %arg4[%dma_wait3A, %dma_wait3A_8] : memref<6144x768xf32, #tpu.memory_space<hbm>> -> memref<6144x768xf32, #tpu.memory_space<hbm>>
    tpu.wait_indirect_dma semaphore(%arg10 : memref<!tpu.dma_semaphore, #tpu.memory_space<semaphore_mem>>) src(%dma_wait3A_9 : memref<6144x768xf32, #tpu.memory_space<hbm>>) dst(%arg8 : memref<64x768xf32, #tpu.memory_space<vmem>>)
    %dma_wait3A_10 = arith.constant 0 : i32
    %dma_wait3A_11 = arith.constant 0 : i32
    %dma_wait3A_12 = tpu.memref_slice %arg4[%dma_wait3A_10, %dma_wait3A_11] : memref<6144x768xf32, #tpu.memory_space<hbm>> -> memref<6144x768xf32, #tpu.memory_space<hbm>>
    tpu.wait_indirect_dma semaphore(%arg10 : memref<!tpu.dma_semaphore, #tpu.memory_space<semaphore_mem>>) src(%dma_wait3A_12 : memref<6144x768xf32, #tpu.memory_space<hbm>>) dst(%arg9 : memref<64x768xf32, #tpu.memory_space<vmem>>)
    %scan3A = arith.constant 0 : i32
    %scan3A_13 = arith.constant 0 : i32
    %scan3A_14 = arith.constant 64 : i32
    %scan3A_15 = arith.addi %scan3A_13, %scan3A_14 : i32
    %scan3A_16 = arith.constant 1 : i32
    scf.for %scan3A_18 = %scan3A_13 to %scan3A_15 step %scan3A_16  : i32 {
      %get3A = arith.index_cast %scan3A_18 : i32 to index
      %get3A_19 = arith.constant 0 : index
      %get3A_20 = tpu.vector_load %arg8[%get3A, %get3A_19] {strides = array<i32>} : memref<64x768xf32, #tpu.memory_space<vmem>>, vector<16xf32>,
      %get3A_21 = arith.index_cast %scan3A_18 : i32 to index
      %get3A_22 = arith.constant 0 : index
      %get3A_23 = tpu.vector_load %arg9[%get3A_21, %get3A_22] {strides = array<i32>} : memref<64x768xf32, #tpu.memory_space<vmem>>, vector<16xf32>,
      %add3A_24 = arith.addf %get3A_20, %get3A_23 : vector<16xf32>
      %swap3A = arith.index_cast %scan3A_18 : i32 to index
      %swap3A_25 = arith.constant 0 : index
      %swap3A_26 = tpu.vector_load %arg8[%swap3A, %swap3A_25] {strides = array<i32>} : memref<64x768xf32, #tpu.memory_space<vmem>>, vector<16xf32>,
      tpu.vector_store %arg8[%swap3A, %swap3A_25], %add3A_24 {strides = array<i32>} : memref<64x768xf32, #tpu.memory_space<vmem>>, vector<16xf32>,
      %get3A_27 = arith.index_cast %scan3A_18 : i32 to index
      %get3A_28 = arith.constant 16 : index
      %get3A_29 = tpu.vector_load %arg8[%get3A_27, %get3A_28] {strides = array<i32>} : memref<64x768xf32, #tpu.memory_space<vmem>>, vector<16xf32>,
      %get3A_30 = arith.index_cast %scan3A_18 : i32 to index
      %get3A_31 = arith.constant 16 : index
      %get3A_32 = tpu.vector_load %arg9[%get3A_30, %get3A_31] {strides = array<i32>} : memref<64x768xf32, #tpu.memory_space<vmem>>, vector<16xf32>,
      %add3A_33 = arith.addf %get3A_29, %get3A_32 : vector<16xf32>
      %swap3A_34 = arith.index_cast %scan3A_18 : i32 to index
      %swap3A_35 = arith.constant 16 : index
      %swap3A_36 = tpu.vector_load %arg8[%swap3A_34, %swap3A_35] {strides = array<i32>} : memref<64x768xf32, #tpu.memory_space<vmem>>, vector<16xf32>,
      tpu.vector_store %arg8[%swap3A_34, %swap3A_35], %add3A_33 {strides = array<i32>} : memref<64x768xf32, #tpu.memory_space<vmem>>, vector<16xf32>,
      %get3A_37 = arith.index_cast %scan3A_18 : i32 to index
      %get3A_38 = arith.constant 32 : index
      %get3A_39 = tpu.vector_load %arg8[%get3A_37, %get3A_38] {strides = array<i32>} : memref<64x768xf32, #tpu.memory_space<vmem>>, vector<16xf32>,
      %get3A_40 = arith.index_cast %scan3A_18 : i32 to index
      %get3A_41 = arith.constant 32 : index
      %get3A_42 = tpu.vector_load %arg9[%get3A_40, %get3A_41] {strides = array<i32>} : memref<64x768xf32, #tpu.memory_space<vmem>>, vector<16xf32>,
      %add3A_43 = arith.addf %get3A_39, %get3A_42 : vector<16xf32>
      %swap3A_44 = arith.index_cast %scan3A_18 : i32 to index
      %swap3A_45 = arith.constant 32 : index
      %swap3A_46 = tpu.vector_load %arg8[%swap3A_44, %swap3A_45] {strides = array<i32>} : memref<64x768xf32, #tpu.memory_space<vmem>>, vector<16xf32>,
      tpu.vector_store %arg8[%swap3A_44, %swap3A_45], %add3A_43 {strides = array<i32>} : memref<64x768xf32, #tpu.memory_space<vmem>>, vector<16xf32>,
      %get3A_47 = arith.index_cast %scan3A_18 : i32 to index
      %get3A_48 = arith.constant 48 : index
      %get3A_49 = tpu.vector_load %arg8[%get3A_47, %get3A_48] {strides = array<i32>} : memref<64x768xf32, #tpu.memory_space<vmem>>, vector<16xf32>,
      %get3A_50 = arith.index_cast %scan3A_18 : i32 to index
      %get3A_51 = arith.constant 48 : index
      %get3A_52 = tpu.vector_load %arg9[%get3A_50, %get3A_51] {strides = array<i32>} : memref<64x768xf32, #tpu.memory_space<vmem>>, vector<16xf32>,
      %add3A_53 = arith.addf %get3A_49, %get3A_52 : vector<16xf32>
      %swap3A_54 = arith.index_cast %scan3A_18 : i32 to index
      %swap3A_55 = arith.constant 48 : index
      %swap3A_56 = tpu.vector_load %arg8[%swap3A_54, %swap3A_55] {strides = array<i32>} : memref<64x768xf32, #tpu.memory_space<vmem>>, vector<16xf32>,
      tpu.vector_store %arg8[%swap3A_54, %swap3A_55], %add3A_53 {strides = array<i32>} : memref<64x768xf32, #tpu.memory_space<vmem>>, vector<16xf32>,
      %get3A_57 = arith.index_cast %scan3A_18 : i32 to index
      %get3A_58 = arith.constant 64 : index
      %get3A_59 = tpu.vector_load %arg8[%get3A_57, %get3A_58] {strides = array<i32>} : memref<64x768xf32, #tpu.memory_space<vmem>>, vector<16xf32>,
      %get3A_60 = arith.index_cast %scan3A_18 : i32 to index
      %get3A_61 = arith.constant 64 : index
      %get3A_62 = tpu.vector_load %arg9[%get3A_60, %get3A_61] {strides = array<i32>} : memref<64x768xf32, #tpu.memory_space<vmem>>, vector<16xf32>,
      %add3A_63 = arith.addf %get3A_59, %get3A_62 : vector<16xf32>
      %swap3A_64 = arith.index_cast %scan3A_18 : i32 to index
      %swap3A_65 = arith.constant 64 : index
      %swap3A_66 = tpu.vector_load %arg8[%swap3A_64, %swap3A_65] {strides = array<i32>} : memref<64x768xf32, #tpu.memory_space<vmem>>, vector<16xf32>,
      tpu.vector_store %arg8[%swap3A_64, %swap3A_65], %add3A_63 {strides = array<i32>} : memref<64x768xf32, #tpu.memory_space<vmem>>, vector<16xf32>,
      %get3A_67 = arith.index_cast %scan3A_18 : i32 to index
      %get3A_68 = arith.constant 80 : index
      %get3A_69 = tpu.vector_load %arg8[%get3A_67, %get3A_68] {strides = array<i32>} : memref<64x768xf32, #tpu.memory_space<vmem>>, vector<16xf32>,
      %get3A_70 = arith.index_cast %scan3A_18 : i32 to index
      %get3A_71 = arith.constant 80 : index
      %get3A_72 = tpu.vector_load %arg9[%get3A_70, %get3A_71] {strides = array<i32>} : memref<64x768xf32, #tpu.memory_space<vmem>>, vector<16xf32>,
      %add3A_73 = arith.addf %get3A_69, %get3A_72 : vector<16xf32>
      %swap3A_74 = arith.index_cast %scan3A_18 : i32 to index
      %swap3A_75 = arith.constant 80 : index
      %swap3A_76 = tpu.vector_load %arg8[%swap3A_74, %swap3A_75] {strides = array<i32>} : memref<64x768xf32, #tpu.memory_space<vmem>>, vector<16xf32>,
      tpu.vector_store %arg8[%swap3A_74, %swap3A_75], %add3A_73 {strides = array<i32>} : memref<64x768xf32, #tpu.memory_space<vmem>>, vector<16xf32>,
      %get3A_77 = arith.index_cast %scan3A_18 : i32 to index
      %get3A_78 = arith.constant 96 : index
      %get3A_79 = tpu.vector_load %arg8[%get3A_77, %get3A_78] {strides = array<i32>} : memref<64x768xf32, #tpu.memory_space<vmem>>, vector<16xf32>,
      %get3A_80 = arith.index_cast %scan3A_18 : i32 to index
      %get3A_81 = arith.constant 96 : index
      %get3A_82 = tpu.vector_load %arg9[%get3A_80, %get3A_81] {strides = array<i32>} : memref<64x768xf32, #tpu.memory_space<vmem>>, vector<16xf32>,
      %add3A_83 = arith.addf %get3A_79, %get3A_82 : vector<16xf32>
      %swap3A_84 = arith.index_cast %scan3A_18 : i32 to index
      %swap3A_85 = arith.constant 96 : index
      %swap3A_86 = tpu.vector_load %arg8[%swap3A_84, %swap3A_85] {strides = array<i32>} : memref<64x768xf32, #tpu.memory_space<vmem>>, vector<16xf32>,
      tpu.vector_store %arg8[%swap3A_84, %swap3A_85], %add3A_83 {strides = array<i32>} : memref<64x768xf32, #tpu.memory_space<vmem>>, vector<16xf32>,
      %get3A_87 = arith.index_cast %scan3A_18 : i32 to index
      %get3A_88 = arith.constant 112 : index
      %get3A_89 = tpu.vector_load %arg8[%get3A_87, %get3A_88] {strides = array<i32>} : memref<64x768xf32, #tpu.memory_space<vmem>>, vector<16xf32>,
      %get3A_90 = arith.index_cast %scan3A_18 : i32 to index
      %get3A_91 = arith.constant 112 : index
      %get3A_92 = tpu.vector_load %arg9[%get3A_90, %get3A_91] {strides = array<i32>} : memref<64x768xf32, #tpu.memory_space<vmem>>, vector<16xf32>,
      %add3A_93 = arith.addf %get3A_89, %get3A_92 : vector<16xf32>
      %swap3A_94 = arith.index_cast %scan3A_18 : i32 to index
      %swap3A_95 = arith.constant 112 : index
      %swap3A_96 = tpu.vector_load %arg8[%swap3A_94, %swap3A_95] {strides = array<i32>} : memref<64x768xf32, #tpu.memory_space<vmem>>, vector<16xf32>,
      tpu.vector_store %arg8[%swap3A_94, %swap3A_95], %add3A_93 {strides = array<i32>} : memref<64x768xf32, #tpu.memory_space<vmem>>, vector<16xf32>,
      %get3A_97 = arith.index_cast %scan3A_18 : i32 to index
      %get3A_98 = arith.constant 128 : index
      %get3A_99 = tpu.vector_load %arg8[%get3A_97, %get3A_98] {strides = array<i32>} : memref<64x768xf32, #tpu.memory_space<vmem>>, vector<16xf32>,
      %get3A_100 = arith.index_cast %scan3A_18 : i32 to index
      %get3A_101 = arith.constant 128 : index
      %get3A_102 = tpu.vector_load %arg9[%get3A_100, %get3A_101] {strides = array<i32>} : memref<64x768xf32, #tpu.memory_space<vmem>>, vector<16xf32>,
      %add3A_103 = arith.addf %get3A_99, %get3A_102 : vector<16xf32>
      %swap3A_104 = arith.index_cast %scan3A_18 : i32 to index
      %swap3A_105 = arith.constant 128 : index
      %swap3A_106 = tpu.vector_load %arg8[%swap3A_104, %swap3A_105] {strides = array<i32>} : memref<64x768xf32, #tpu.memory_space<vmem>>, vector<16xf32>,
      tpu.vector_store %arg8[%swap3A_104, %swap3A_105], %add3A_103 {strides = array<i32>} : memref<64x768xf32, #tpu.memory_space<vmem>>, vector<16xf32>,
      %get3A_107 = arith.index_cast %scan3A_18 : i32 to index
      %get3A_108 = arith.constant 144 : index
      %get3A_109 = tpu.vector_load %arg8[%get3A_107, %get3A_108] {strides = array<i32>} : memref<64x768xf32, #tpu.memory_space<vmem>>, vector<16xf32>,
      %get3A_110 = arith.index_cast %scan3A_18 : i32 to index
      %get3A_111 = arith.constant 144 : index
      %get3A_112 = tpu.vector_load %arg9[%get3A_110, %get3A_111] {strides = array<i32>} : memref<64x768xf32, #tpu.memory_space<vmem>>, vector<16xf32>,
      %add3A_113 = arith.addf %get3A_109, %get3A_112 : vector<16xf32>
      %swap3A_114 = arith.index_cast %scan3A_18 : i32 to index
      %swap3A_115 = arith.constant 144 : index
      %swap3A_116 = tpu.vector_load %arg8[%swap3A_114, %swap3A_115] {strides = array<i32>} : memref<64x768xf32, #tpu.memory_space<vmem>>, vector<16xf32>,
      tpu.vector_store %arg8[%swap3A_114, %swap3A_115], %add3A_113 {strides = array<i32>} : memref<64x768xf32, #tpu.memory_space<vmem>>, vector<16xf32>,
      %get3A_117 = arith.index_cast %scan3A_18 : i32 to index
      %get3A_118 = arith.constant 160 : index
      %get3A_119 = tpu.vector_load %arg8[%get3A_117, %get3A_118] {strides = array<i32>} : memref<64x768xf32, #tpu.memory_space<vmem>>, vector<16xf32>,
      %get3A_120 = arith.index_cast %scan3A_18 : i32 to index
      %get3A_121 = arith.constant 160 : index
      %get3A_122 = tpu.vector_load %arg9[%get3A_120, %get3A_121] {strides = array<i32>} : memref<64x768xf32, #tpu.memory_space<vmem>>, vector<16xf32>,
      %add3A_123 = arith.addf %get3A_119, %get3A_122 : vector<16xf32>
      %swap3A_124 = arith.index_cast %scan3A_18 : i32 to index
      %swap3A_125 = arith.constant 160 : index
      %swap3A_126 = tpu.vector_load %arg8[%swap3A_124, %swap3A_125] {strides = array<i32>} : memref<64x768xf32, #tpu.memory_space<vmem>>, vector<16xf32>,
      tpu.vector_store %arg8[%swap3A_124, %swap3A_125], %add3A_123 {strides = array<i32>} : memref<64x768xf32, #tpu.memory_space<vmem>>, vector<16xf32>,
      %get3A_127 = arith.index_cast %scan3A_18 : i32 to index
      %get3A_128 = arith.constant 176 : index
      %get3A_129 = tpu.vector_load %arg8[%get3A_127, %get3A_128] {strides = array<i32>} : memref<64x768xf32, #tpu.memory_space<vmem>>, vector<16xf32>,
      %get3A_130 = arith.index_cast %scan3A_18 : i32 to index
      %get3A_131 = arith.constant 176 : index
      %get3A_132 = tpu.vector_load %arg9[%get3A_130, %get3A_131] {strides = array<i32>} : memref<64x768xf32, #tpu.memory_space<vmem>>, vector<16xf32>,
      %add3A_133 = arith.addf %get3A_129, %get3A_132 : vector<16xf32>
      %swap3A_134 = arith.index_cast %scan3A_18 : i32 to index
      %swap3A_135 = arith.constant 176 : index
      %swap3A_136 = tpu.vector_load %arg8[%swap3A_134, %swap3A_135] {strides = array<i32>} : memref<64x768xf32, #tpu.memory_space<vmem>>, vector<16xf32>,
      tpu.vector_store %arg8[%swap3A_134, %swap3A_135], %add3A_133 {strides = array<i32>} : memref<64x768xf32, #tpu.memory_space<vmem>>, vector<16xf32>,
      %get3A_137 = arith.index_cast %scan3A_18 : i32 to index
      %get3A_138 = arith.constant 192 : index
      %get3A_139 = tpu.vector_load %arg8[%get3A_137, %get3A_138] {strides = array<i32>} : memref<64x768xf32, #tpu.memory_space<vmem>>, vector<16xf32>,
      %get3A_140 = arith.index_cast %scan3A_18 : i32 to index
      %get3A_141 = arith.constant 192 : index
      %get3A_142 = tpu.vector_load %arg9[%get3A_140, %get3A_141] {strides = array<i32>} : memref<64x768xf32, #tpu.memory_space<vmem>>, vector<16xf32>,
      %add3A_143 = arith.addf %get3A_139, %get3A_142 : vector<16xf32>
      %swap3A_144 = arith.index_cast %scan3A_18 : i32 to index
      %swap3A_145 = arith.constant 192 : index
      %swap3A_146 = tpu.vector_load %arg8[%swap3A_144, %swap3A_145] {strides = array<i32>} : memref<64x768xf32, #tpu.memory_space<vmem>>, vector<16xf32>,
      tpu.vector_store %arg8[%swap3A_144, %swap3A_145], %add3A_143 {strides = array<i32>} : memref<64x768xf32, #tpu.memory_space<vmem>>, vector<16xf32>,
      %get3A_147 = arith.index_cast %scan3A_18 : i32 to index
      %get3A_148 = arith.constant 208 : index
      %get3A_149 = tpu.vector_load %arg8[%get3A_147, %get3A_148] {strides = array<i32>} : memref<64x768xf32, #tpu.memory_space<vmem>>, vector<16xf32>,
      %get3A_150 = arith.index_cast %scan3A_18 : i32 to index
      %get3A_151 = arith.constant 208 : index
      %get3A_152 = tpu.vector_load %arg9[%get3A_150, %get3A_151] {strides = array<i32>} : memref<64x768xf32, #tpu.memory_space<vmem>>, vector<16xf32>,
      %add3A_153 = arith.addf %get3A_149, %get3A_152 : vector<16xf32>
      %swap3A_154 = arith.index_cast %scan3A_18 : i32 to index
      %swap3A_155 = arith.constant 208 : index
      %swap3A_156 = tpu.vector_load %arg8[%swap3A_154, %swap3A_155] {strides = array<i32>} : memref<64x768xf32, #tpu.memory_space<vmem>>, vector<16xf32>,
      tpu.vector_store %arg8[%swap3A_154, %swap3A_155], %add3A_153 {strides = array<i32>} : memref<64x768xf32, #tpu.memory_space<vmem>>, vector<16xf32>,
      %get3A_157 = arith.index_cast %scan3A_18 : i32 to index
      %get3A_158 = arith.constant 224 : index
      %get3A_159 = tpu.vector_load %arg8[%get3A_157, %get3A_158] {strides = array<i32>} : memref<64x768xf32, #tpu.memory_space<vmem>>, vector<16xf32>,
      %get3A_160 = arith.index_cast %scan3A_18 : i32 to index
      %get3A_161 = arith.constant 224 : index
      %get3A_162 = tpu.vector_load %arg9[%get3A_160, %get3A_161] {strides = array<i32>} : memref<64x768xf32, #tpu.memory_space<vmem>>, vector<16xf32>,
      %add3A_163 = arith.addf %get3A_159, %get3A_162 : vector<16xf32>
      %swap3A_164 = arith.index_cast %scan3A_18 : i32 to index
      %swap3A_165 = arith.constant 224 : index
      %swap3A_166 = tpu.vector_load %arg8[%swap3A_164, %swap3A_165] {strides = array<i32>} : memref<64x768xf32, #tpu.memory_space<vmem>>, vector<16xf32>,
      tpu.vector_store %arg8[%swap3A_164, %swap3A_165], %add3A_163 {strides = array<i32>} : memref<64x768xf32, #tpu.memory_space<vmem>>, vector<16xf32>,
      %get3A_167 = arith.index_cast %scan3A_18 : i32 to index
      %get3A_168 = arith.constant 240 : index
      %get3A_169 = tpu.vector_load %arg8[%get3A_167, %get3A_168] {strides = array<i32>} : memref<64x768xf32, #tpu.memory_space<vmem>>, vector<16xf32>,
      %get3A_170 = arith.index_cast %scan3A_18 : i32 to index
      %get3A_171 = arith.constant 240 : index
      %get3A_172 = tpu.vector_load %arg9[%get3A_170, %get3A_171] {strides = array<i32>} : memref<64x768xf32, #tpu.memory_space<vmem>>, vector<16xf32>,
      %add3A_173 = arith.addf %get3A_169, %get3A_172 : vector<16xf32>
      %swap3A_174 = arith.index_cast %scan3A_18 : i32 to index
      %swap3A_175 = arith.constant 240 : index
      %swap3A_176 = tpu.vector_load %arg8[%swap3A_174, %swap3A_175] {strides = array<i32>} : memref<64x768xf32, #tpu.memory_space<vmem>>, vector<16xf32>,
      tpu.vector_store %arg8[%swap3A_174, %swap3A_175], %add3A_173 {strides = array<i32>} : memref<64x768xf32, #tpu.memory_space<vmem>>, vector<16xf32>,
      %get3A_177 = arith.index_cast %scan3A_18 : i32 to index
      %get3A_178 = arith.constant 256 : index
      %get3A_179 = tpu.vector_load %arg8[%get3A_177, %get3A_178] {strides = array<i32>} : memref<64x768xf32, #tpu.memory_space<vmem>>, vector<16xf32>,
      %get3A_180 = arith.index_cast %scan3A_18 : i32 to index
      %get3A_181 = arith.constant 256 : index
      %get3A_182 = tpu.vector_load %arg9[%get3A_180, %get3A_181] {strides = array<i32>} : memref<64x768xf32, #tpu.memory_space<vmem>>, vector<16xf32>,
      %add3A_183 = arith.addf %get3A_179, %get3A_182 : vector<16xf32>
      %swap3A_184 = arith.index_cast %scan3A_18 : i32 to index
      %swap3A_185 = arith.constant 256 : index
      %swap3A_186 = tpu.vector_load %arg8[%swap3A_184, %swap3A_185] {strides = array<i32>} : memref<64x768xf32, #tpu.memory_space<vmem>>, vector<16xf32>,
      tpu.vector_store %arg8[%swap3A_184, %swap3A_185], %add3A_183 {strides = array<i32>} : memref<64x768xf32, #tpu.memory_space<vmem>>, vector<16xf32>,
      %get3A_187 = arith.index_cast %scan3A_18 : i32 to index
      %get3A_188 = arith.constant 272 : index
      %get3A_189 = tpu.vector_load %arg8[%get3A_187, %get3A_188] {strides = array<i32>} : memref<64x768xf32, #tpu.memory_space<vmem>>, vector<16xf32>,
      %get3A_190 = arith.index_cast %scan3A_18 : i32 to index
      %get3A_191 = arith.constant 272 : index
      %get3A_192 = tpu.vector_load %arg9[%get3A_190, %get3A_191] {strides = array<i32>} : memref<64x768xf32, #tpu.memory_space<vmem>>, vector<16xf32>,
      %add3A_193 = arith.addf %get3A_189, %get3A_192 : vector<16xf32>
      %swap3A_194 = arith.index_cast %scan3A_18 : i32 to index
      %swap3A_195 = arith.constant 272 : index
      %swap3A_196 = tpu.vector_load %arg8[%swap3A_194, %swap3A_195] {strides = array<i32>} : memref<64x768xf32, #tpu.memory_space<vmem>>, vector<16xf32>,
      tpu.vector_store %arg8[%swap3A_194, %swap3A_195], %add3A_193 {strides = array<i32>} : memref<64x768xf32, #tpu.memory_space<vmem>>, vector<16xf32>,
      %get3A_197 = arith.index_cast %scan3A_18 : i32 to index
      %get3A_198 = arith.constant 288 : index
      %get3A_199 = tpu.vector_load %arg8[%get3A_197, %get3A_198] {strides = array<i32>} : memref<64x768xf32, #tpu.memory_space<vmem>>, vector<16xf32>,
      %get3A_200 = arith.index_cast %scan3A_18 : i32 to index
      %get3A_201 = arith.constant 288 : index
      %get3A_202 = tpu.vector_load %arg9[%get3A_200, %get3A_201] {strides = array<i32>} : memref<64x768xf32, #tpu.memory_space<vmem>>, vector<16xf32>,
      %add3A_203 = arith.addf %get3A_199, %get3A_202 : vector<16xf32>
      %swap3A_204 = arith.index_cast %scan3A_18 : i32 to index
      %swap3A_205 = arith.constant 288 : index
      %swap3A_206 = tpu.vector_load %arg8[%swap3A_204, %swap3A_205] {strides = array<i32>} : memref<64x768xf32, #tpu.memory_space<vmem>>, vector<16xf32>,
      tpu.vector_store %arg8[%swap3A_204, %swap3A_205], %add3A_203 {strides = array<i32>} : memref<64x768xf32, #tpu.memory_space<vmem>>, vector<16xf32>,
      %get3A_207 = arith.index_cast %scan3A_18 : i32 to index
      %get3A_208 = arith.constant 304 : index
      %get3A_209 = tpu.vector_load %arg8[%get3A_207, %get3A_208] {strides = array<i32>} : memref<64x768xf32, #tpu.memory_space<vmem>>, vector<16xf32>,
      %get3A_210 = arith.index_cast %scan3A_18 : i32 to index
      %get3A_211 = arith.constant 304 : index
      %get3A_212 = tpu.vector_load %arg9[%get3A_210, %get3A_211] {strides = array<i32>} : memref<64x768xf32, #tpu.memory_space<vmem>>, vector<16xf32>,
      %add3A_213 = arith.addf %get3A_209, %get3A_212 : vector<16xf32>
      %swap3A_214 = arith.index_cast %scan3A_18 : i32 to index
      %swap3A_215 = arith.constant 304 : index
      %swap3A_216 = tpu.vector_load %arg8[%swap3A_214, %swap3A_215] {strides = array<i32>} : memref<64x768xf32, #tpu.memory_space<vmem>>, vector<16xf32>,
      tpu.vector_store %arg8[%swap3A_214, %swap3A_215], %add3A_213 {strides = array<i32>} : memref<64x768xf32, #tpu.memory_space<vmem>>, vector<16xf32>,
      %get3A_217 = arith.index_cast %scan3A_18 : i32 to index
      %get3A_218 = arith.constant 320 : index
      %get3A_219 = tpu.vector_load %arg8[%get3A_217, %get3A_218] {strides = array<i32>} : memref<64x768xf32, #tpu.memory_space<vmem>>, vector<16xf32>,
      %get3A_220 = arith.index_cast %scan3A_18 : i32 to index
      %get3A_221 = arith.constant 320 : index
      %get3A_222 = tpu.vector_load %arg9[%get3A_220, %get3A_221] {strides = array<i32>} : memref<64x768xf32, #tpu.memory_space<vmem>>, vector<16xf32>,
      %add3A_223 = arith.addf %get3A_219, %get3A_222 : vector<16xf32>
      %swap3A_224 = arith.index_cast %scan3A_18 : i32 to index
      %swap3A_225 = arith.constant 320 : index
      %swap3A_226 = tpu.vector_load %arg8[%swap3A_224, %swap3A_225] {strides = array<i32>} : memref<64x768xf32, #tpu.memory_space<vmem>>, vector<16xf32>,
      tpu.vector_store %arg8[%swap3A_224, %swap3A_225], %add3A_223 {strides = array<i32>} : memref<64x768xf32, #tpu.memory_space<vmem>>, vector<16xf32>,
      %get3A_227 = arith.index_cast %scan3A_18 : i32 to index
      %get3A_228 = arith.constant 336 : index
      %get3A_229 = tpu.vector_load %arg8[%get3A_227, %get3A_228] {strides = array<i32>} : memref<64x768xf32, #tpu.memory_space<vmem>>, vector<16xf32>,
      %get3A_230 = arith.index_cast %scan3A_18 : i32 to index
      %get3A_231 = arith.constant 336 : index
      %get3A_232 = tpu.vector_load %arg9[%get3A_230, %get3A_231] {strides = array<i32>} : memref<64x768xf32, #tpu.memory_space<vmem>>, vector<16xf32>,
      %add3A_233 = arith.addf %get3A_229, %get3A_232 : vector<16xf32>
      %swap3A_234 = arith.index_cast %scan3A_18 : i32 to index
      %swap3A_235 = arith.constant 336 : index
      %swap3A_236 = tpu.vector_load %arg8[%swap3A_234, %swap3A_235] {strides = array<i32>} : memref<64x768xf32, #tpu.memory_space<vmem>>, vector<16xf32>,
      tpu.vector_store %arg8[%swap3A_234, %swap3A_235], %add3A_233 {strides = array<i32>} : memref<64x768xf32, #tpu.memory_space<vmem>>, vector<16xf32>,
      %get3A_237 = arith.index_cast %scan3A_18 : i32 to index
      %get3A_238 = arith.constant 352 : index
      %get3A_239 = tpu.vector_load %arg8[%get3A_237, %get3A_238] {strides = array<i32>} : memref<64x768xf32, #tpu.memory_space<vmem>>, vector<16xf32>,
      %get3A_240 = arith.index_cast %scan3A_18 : i32 to index
      %get3A_241 = arith.constant 352 : index
      %get3A_242 = tpu.vector_load %arg9[%get3A_240, %get3A_241] {strides = array<i32>} : memref<64x768xf32, #tpu.memory_space<vmem>>, vector<16xf32>,
      %add3A_243 = arith.addf %get3A_239, %get3A_242 : vector<16xf32>
      %swap3A_244 = arith.index_cast %scan3A_18 : i32 to index
      %swap3A_245 = arith.constant 352 : index
      %swap3A_246 = tpu.vector_load %arg8[%swap3A_244, %swap3A_245] {strides = array<i32>} : memref<64x768xf32, #tpu.memory_space<vmem>>, vector<16xf32>,
      tpu.vector_store %arg8[%swap3A_244, %swap3A_245], %add3A_243 {strides = array<i32>} : memref<64x768xf32, #tpu.memory_space<vmem>>, vector<16xf32>,
      %get3A_247 = arith.index_cast %scan3A_18 : i32 to index
      %get3A_248 = arith.constant 368 : index
      %get3A_249 = tpu.vector_load %arg8[%get3A_247, %get3A_248] {strides = array<i32>} : memref<64x768xf32, #tpu.memory_space<vmem>>, vector<16xf32>,
      %get3A_250 = arith.index_cast %scan3A_18 : i32 to index
      %get3A_251 = arith.constant 368 : index
      %get3A_252 = tpu.vector_load %arg9[%get3A_250, %get3A_251] {strides = array<i32>} : memref<64x768xf32, #tpu.memory_space<vmem>>, vector<16xf32>,
      %add3A_253 = arith.addf %get3A_249, %get3A_252 : vector<16xf32>
      %swap3A_254 = arith.index_cast %scan3A_18 : i32 to index
      %swap3A_255 = arith.constant 368 : index
      %swap3A_256 = tpu.vector_load %arg8[%swap3A_254, %swap3A_255] {strides = array<i32>} : memref<64x768xf32, #tpu.memory_space<vmem>>, vector<16xf32>,
      tpu.vector_store %arg8[%swap3A_254, %swap3A_255], %add3A_253 {strides = array<i32>} : memref<64x768xf32, #tpu.memory_space<vmem>>, vector<16xf32>,
      %get3A_257 = arith.index_cast %scan3A_18 : i32 to index
      %get3A_258 = arith.constant 384 : index
      %get3A_259 = tpu.vector_load %arg8[%get3A_257, %get3A_258] {strides = array<i32>} : memref<64x768xf32, #tpu.memory_space<vmem>>, vector<16xf32>,
      %get3A_260 = arith.index_cast %scan3A_18 : i32 to index
      %get3A_261 = arith.constant 384 : index
      %get3A_262 = tpu.vector_load %arg9[%get3A_260, %get3A_261] {strides = array<i32>} : memref<64x768xf32, #tpu.memory_space<vmem>>, vector<16xf32>,
      %add3A_263 = arith.addf %get3A_259, %get3A_262 : vector<16xf32>
      %swap3A_264 = arith.index_cast %scan3A_18 : i32 to index
      %swap3A_265 = arith.constant 384 : index
      %swap3A_266 = tpu.vector_load %arg8[%swap3A_264, %swap3A_265] {strides = array<i32>} : memref<64x768xf32, #tpu.memory_space<vmem>>, vector<16xf32>,
      tpu.vector_store %arg8[%swap3A_264, %swap3A_265], %add3A_263 {strides = array<i32>} : memref<64x768xf32, #tpu.memory_space<vmem>>, vector<16xf32>,
      %get3A_267 = arith.index_cast %scan3A_18 : i32 to index
      %get3A_268 = arith.constant 400 : index
      %get3A_269 = tpu.vector_load %arg8[%get3A_267, %get3A_268] {strides = array<i32>} : memref<64x768xf32, #tpu.memory_space<vmem>>, vector<16xf32>,
      %get3A_270 = arith.index_cast %scan3A_18 : i32 to index
      %get3A_271 = arith.constant 400 : index
      %get3A_272 = tpu.vector_load %arg9[%get3A_270, %get3A_271] {strides = array<i32>} : memref<64x768xf32, #tpu.memory_space<vmem>>, vector<16xf32>,
      %add3A_273 = arith.addf %get3A_269, %get3A_272 : vector<16xf32>
      %swap3A_274 = arith.index_cast %scan3A_18 : i32 to index
      %swap3A_275 = arith.constant 400 : index
      %swap3A_276 = tpu.vector_load %arg8[%swap3A_274, %swap3A_275] {strides = array<i32>} : memref<64x768xf32, #tpu.memory_space<vmem>>, vector<16xf32>,
      tpu.vector_store %arg8[%swap3A_274, %swap3A_275], %add3A_273 {strides = array<i32>} : memref<64x768xf32, #tpu.memory_space<vmem>>, vector<16xf32>,
      %get3A_277 = arith.index_cast %scan3A_18 : i32 to index
      %get3A_278 = arith.constant 416 : index
      %get3A_279 = tpu.vector_load %arg8[%get3A_277, %get3A_278] {strides = array<i32>} : memref<64x768xf32, #tpu.memory_space<vmem>>, vector<16xf32>,
      %get3A_280 = arith.index_cast %scan3A_18 : i32 to index
      %get3A_281 = arith.constant 416 : index
      %get3A_282 = tpu.vector_load %arg9[%get3A_280, %get3A_281] {strides = array<i32>} : memref<64x768xf32, #tpu.memory_space<vmem>>, vector<16xf32>,
      %add3A_283 = arith.addf %get3A_279, %get3A_282 : vector<16xf32>
      %swap3A_284 = arith.index_cast %scan3A_18 : i32 to index
      %swap3A_285 = arith.constant 416 : index
      %swap3A_286 = tpu.vector_load %arg8[%swap3A_284, %swap3A_285] {strides = array<i32>} : memref<64x768xf32, #tpu.memory_space<vmem>>, vector<16xf32>,
      tpu.vector_store %arg8[%swap3A_284, %swap3A_285], %add3A_283 {strides = array<i32>} : memref<64x768xf32, #tpu.memory_space<vmem>>, vector<16xf32>,
      %get3A_287 = arith.index_cast %scan3A_18 : i32 to index
      %get3A_288 = arith.constant 432 : index
      %get3A_289 = tpu.vector_load %arg8[%get3A_287, %get3A_288] {strides = array<i32>} : memref<64x768xf32, #tpu.memory_space<vmem>>, vector<16xf32>,
      %get3A_290 = arith.index_cast %scan3A_18 : i32 to index
      %get3A_291 = arith.constant 432 : index
      %get3A_292 = tpu.vector_load %arg9[%get3A_290, %get3A_291] {strides = array<i32>} : memref<64x768xf32, #tpu.memory_space<vmem>>, vector<16xf32>,
      %add3A_293 = arith.addf %get3A_289, %get3A_292 : vector<16xf32>
      %swap3A_294 = arith.index_cast %scan3A_18 : i32 to index
      %swap3A_295 = arith.constant 432 : index
      %swap3A_296 = tpu.vector_load %arg8[%swap3A_294, %swap3A_295] {strides = array<i32>} : memref<64x768xf32, #tpu.memory_space<vmem>>, vector<16xf32>,
      tpu.vector_store %arg8[%swap3A_294, %swap3A_295], %add3A_293 {strides = array<i32>} : memref<64x768xf32, #tpu.memory_space<vmem>>, vector<16xf32>,
      %get3A_297 = arith.index_cast %scan3A_18 : i32 to index
      %get3A_298 = arith.constant 448 : index
      %get3A_299 = tpu.vector_load %arg8[%get3A_297, %get3A_298] {strides = array<i32>} : memref<64x768xf32, #tpu.memory_space<vmem>>, vector<16xf32>,
      %get3A_300 = arith.index_cast %scan3A_18 : i32 to index
      %get3A_301 = arith.constant 448 : index
      %get3A_302 = tpu.vector_load %arg9[%get3A_300, %get3A_301] {strides = array<i32>} : memref<64x768xf32, #tpu.memory_space<vmem>>, vector<16xf32>,
      %add3A_303 = arith.addf %get3A_299, %get3A_302 : vector<16xf32>
      %swap3A_304 = arith.index_cast %scan3A_18 : i32 to index
      %swap3A_305 = arith.constant 448 : index
      %swap3A_306 = tpu.vector_load %arg8[%swap3A_304, %swap3A_305] {strides = array<i32>} : memref<64x768xf32, #tpu.memory_space<vmem>>, vector<16xf32>,
      tpu.vector_store %arg8[%swap3A_304, %swap3A_305], %add3A_303 {strides = array<i32>} : memref<64x768xf32, #tpu.memory_space<vmem>>, vector<16xf32>,
      %get3A_307 = arith.index_cast %scan3A_18 : i32 to index
      %get3A_308 = arith.constant 464 : index
      %get3A_309 = tpu.vector_load %arg8[%get3A_307, %get3A_308] {strides = array<i32>} : memref<64x768xf32, #tpu.memory_space<vmem>>, vector<16xf32>,
      %get3A_310 = arith.index_cast %scan3A_18 : i32 to index
      %get3A_311 = arith.constant 464 : index
      %get3A_312 = tpu.vector_load %arg9[%get3A_310, %get3A_311] {strides = array<i32>} : memref<64x768xf32, #tpu.memory_space<vmem>>, vector<16xf32>,
      %add3A_313 = arith.addf %get3A_309, %get3A_312 : vector<16xf32>
      %swap3A_314 = arith.index_cast %scan3A_18 : i32 to index
      %swap3A_315 = arith.constant 464 : index
      %swap3A_316 = tpu.vector_load %arg8[%swap3A_314, %swap3A_315] {strides = array<i32>} : memref<64x768xf32, #tpu.memory_space<vmem>>, vector<16xf32>,
      tpu.vector_store %arg8[%swap3A_314, %swap3A_315], %add3A_313 {strides = array<i32>} : memref<64x768xf32, #tpu.memory_space<vmem>>, vector<16xf32>,
      %get3A_317 = arith.index_cast %scan3A_18 : i32 to index
      %get3A_318 = arith.constant 480 : index
      %get3A_319 = tpu.vector_load %arg8[%get3A_317, %get3A_318] {strides = array<i32>} : memref<64x768xf32, #tpu.memory_space<vmem>>, vector<16xf32>,
      %get3A_320 = arith.index_cast %scan3A_18 : i32 to index
      %get3A_321 = arith.constant 480 : index
      %get3A_322 = tpu.vector_load %arg9[%get3A_320, %get3A_321] {strides = array<i32>} : memref<64x768xf32, #tpu.memory_space<vmem>>, vector<16xf32>,
      %add3A_323 = arith.addf %get3A_319, %get3A_322 : vector<16xf32>
      %swap3A_324 = arith.index_cast %scan3A_18 : i32 to index
      %swap3A_325 = arith.constant 480 : index
      %swap3A_326 = tpu.vector_load %arg8[%swap3A_324, %swap3A_325] {strides = array<i32>} : memref<64x768xf32, #tpu.memory_space<vmem>>, vector<16xf32>,
      tpu.vector_store %arg8[%swap3A_324, %swap3A_325], %add3A_323 {strides = array<i32>} : memref<64x768xf32, #tpu.memory_space<vmem>>, vector<16xf32>,
      %get3A_327 = arith.index_cast %scan3A_18 : i32 to index
      %get3A_328 = arith.constant 496 : index
      %get3A_329 = tpu.vector_load %arg8[%get3A_327, %get3A_328] {strides = array<i32>} : memref<64x768xf32, #tpu.memory_space<vmem>>, vector<16xf32>,
      %get3A_330 = arith.index_cast %scan3A_18 : i32 to index
      %get3A_331 = arith.constant 496 : index
      %get3A_332 = tpu.vector_load %arg9[%get3A_330, %get3A_331] {strides = array<i32>} : memref<64x768xf32, #tpu.memory_space<vmem>>, vector<16xf32>,
      %add3A_333 = arith.addf %get3A_329, %get3A_332 : vector<16xf32>
      %swap3A_334 = arith.index_cast %scan3A_18 : i32 to index
      %swap3A_335 = arith.constant 496 : index
      %swap3A_336 = tpu.vector_load %arg8[%swap3A_334, %swap3A_335] {strides = array<i32>} : memref<64x768xf32, #tpu.memory_space<vmem>>, vector<16xf32>,
      tpu.vector_store %arg8[%swap3A_334, %swap3A_335], %add3A_333 {strides = array<i32>} : memref<64x768xf32, #tpu.memory_space<vmem>>, vector<16xf32>,
      %get3A_337 = arith.index_cast %scan3A_18 : i32 to index
      %get3A_338 = arith.constant 512 : index
      %get3A_339 = tpu.vector_load %arg8[%get3A_337, %get3A_338] {strides = array<i32>} : memref<64x768xf32, #tpu.memory_space<vmem>>, vector<16xf32>,
      %get3A_340 = arith.index_cast %scan3A_18 : i32 to index
      %get3A_341 = arith.constant 512 : index
      %get3A_342 = tpu.vector_load %arg9[%get3A_340, %get3A_341] {strides = array<i32>} : memref<64x768xf32, #tpu.memory_space<vmem>>, vector<16xf32>,
      %add3A_343 = arith.addf %get3A_339, %get3A_342 : vector<16xf32>
      %swap3A_344 = arith.index_cast %scan3A_18 : i32 to index
      %swap3A_345 = arith.constant 512 : index
      %swap3A_346 = tpu.vector_load %arg8[%swap3A_344, %swap3A_345] {strides = array<i32>} : memref<64x768xf32, #tpu.memory_space<vmem>>, vector<16xf32>,
      tpu.vector_store %arg8[%swap3A_344, %swap3A_345], %add3A_343 {strides = array<i32>} : memref<64x768xf32, #tpu.memory_space<vmem>>, vector<16xf32>,
      %get3A_347 = arith.index_cast %scan3A_18 : i32 to index
      %get3A_348 = arith.constant 528 : index
      %get3A_349 = tpu.vector_load %arg8[%get3A_347, %get3A_348] {strides = array<i32>} : memref<64x768xf32, #tpu.memory_space<vmem>>, vector<16xf32>,
      %get3A_350 = arith.index_cast %scan3A_18 : i32 to index
      %get3A_351 = arith.constant 528 : index
      %get3A_352 = tpu.vector_load %arg9[%get3A_350, %get3A_351] {strides = array<i32>} : memref<64x768xf32, #tpu.memory_space<vmem>>, vector<16xf32>,
      %add3A_353 = arith.addf %get3A_349, %get3A_352 : vector<16xf32>
      %swap3A_354 = arith.index_cast %scan3A_18 : i32 to index
      %swap3A_355 = arith.constant 528 : index
      %swap3A_356 = tpu.vector_load %arg8[%swap3A_354, %swap3A_355] {strides = array<i32>} : memref<64x768xf32, #tpu.memory_space<vmem>>, vector<16xf32>,
      tpu.vector_store %arg8[%swap3A_354, %swap3A_355], %add3A_353 {strides = array<i32>} : memref<64x768xf32, #tpu.memory_space<vmem>>, vector<16xf32>,
      %get3A_357 = arith.index_cast %scan3A_18 : i32 to index
      %get3A_358 = arith.constant 544 : index
      %get3A_359 = tpu.vector_load %arg8[%get3A_357, %get3A_358] {strides = array<i32>} : memref<64x768xf32, #tpu.memory_space<vmem>>, vector<16xf32>,
      %get3A_360 = arith.index_cast %scan3A_18 : i32 to index
      %get3A_361 = arith.constant 544 : index
      %get3A_362 = tpu.vector_load %arg9[%get3A_360, %get3A_361] {strides = array<i32>} : memref<64x768xf32, #tpu.memory_space<vmem>>, vector<16xf32>,
      %add3A_363 = arith.addf %get3A_359, %get3A_362 : vector<16xf32>
      %swap3A_364 = arith.index_cast %scan3A_18 : i32 to index
      %swap3A_365 = arith.constant 544 : index
      %swap3A_366 = tpu.vector_load %arg8[%swap3A_364, %swap3A_365] {strides = array<i32>} : memref<64x768xf32, #tpu.memory_space<vmem>>, vector<16xf32>,
      tpu.vector_store %arg8[%swap3A_364, %swap3A_365], %add3A_363 {strides = array<i32>} : memref<64x768xf32, #tpu.memory_space<vmem>>, vector<16xf32>,
      %get3A_367 = arith.index_cast %scan3A_18 : i32 to index
      %get3A_368 = arith.constant 560 : index
      %get3A_369 = tpu.vector_load %arg8[%get3A_367, %get3A_368] {strides = array<i32>} : memref<64x768xf32, #tpu.memory_space<vmem>>, vector<16xf32>,
      %get3A_370 = arith.index_cast %scan3A_18 : i32 to index
      %get3A_371 = arith.constant 560 : index
      %get3A_372 = tpu.vector_load %arg9[%get3A_370, %get3A_371] {strides = array<i32>} : memref<64x768xf32, #tpu.memory_space<vmem>>, vector<16xf32>,
      %add3A_373 = arith.addf %get3A_369, %get3A_372 : vector<16xf32>
      %swap3A_374 = arith.index_cast %scan3A_18 : i32 to index
      %swap3A_375 = arith.constant 560 : index
      %swap3A_376 = tpu.vector_load %arg8[%swap3A_374, %swap3A_375] {strides = array<i32>} : memref<64x768xf32, #tpu.memory_space<vmem>>, vector<16xf32>,
      tpu.vector_store %arg8[%swap3A_374, %swap3A_375], %add3A_373 {strides = array<i32>} : memref<64x768xf32, #tpu.memory_space<vmem>>, vector<16xf32>,
      %get3A_377 = arith.index_cast %scan3A_18 : i32 to index
      %get3A_378 = arith.constant 576 : index
      %get3A_379 = tpu.vector_load %arg8[%get3A_377, %get3A_378] {strides = array<i32>} : memref<64x768xf32, #tpu.memory_space<vmem>>, vector<16xf32>,
      %get3A_380 = arith.index_cast %scan3A_18 : i32 to index
      %get3A_381 = arith.constant 576 : index
      %get3A_382 = tpu.vector_load %arg9[%get3A_380, %get3A_381] {strides = array<i32>} : memref<64x768xf32, #tpu.memory_space<vmem>>, vector<16xf32>,
      %add3A_383 = arith.addf %get3A_379, %get3A_382 : vector<16xf32>
      %swap3A_384 = arith.index_cast %scan3A_18 : i32 to index
      %swap3A_385 = arith.constant 576 : index
      %swap3A_386 = tpu.vector_load %arg8[%swap3A_384, %swap3A_385] {strides = array<i32>} : memref<64x768xf32, #tpu.memory_space<vmem>>, vector<16xf32>,
      tpu.vector_store %arg8[%swap3A_384, %swap3A_385], %add3A_383 {strides = array<i32>} : memref<64x768xf32, #tpu.memory_space<vmem>>, vector<16xf32>,
      %get3A_387 = arith.index_cast %scan3A_18 : i32 to index
      %get3A_388 = arith.constant 592 : index
      %get3A_389 = tpu.vector_load %arg8[%get3A_387, %get3A_388] {strides = array<i32>} : memref<64x768xf32, #tpu.memory_space<vmem>>, vector<16xf32>,
      %get3A_390 = arith.index_cast %scan3A_18 : i32 to index
      %get3A_391 = arith.constant 592 : index
      %get3A_392 = tpu.vector_load %arg9[%get3A_390, %get3A_391] {strides = array<i32>} : memref<64x768xf32, #tpu.memory_space<vmem>>, vector<16xf32>,
      %add3A_393 = arith.addf %get3A_389, %get3A_392 : vector<16xf32>
      %swap3A_394 = arith.index_cast %scan3A_18 : i32 to index
      %swap3A_395 = arith.constant 592 : index
      %swap3A_396 = tpu.vector_load %arg8[%swap3A_394, %swap3A_395] {strides = array<i32>} : memref<64x768xf32, #tpu.memory_space<vmem>>, vector<16xf32>,
      tpu.vector_store %arg8[%swap3A_394, %swap3A_395], %add3A_393 {strides = array<i32>} : memref<64x768xf32, #tpu.memory_space<vmem>>, vector<16xf32>,
      %get3A_397 = arith.index_cast %scan3A_18 : i32 to index
      %get3A_398 = arith.constant 608 : index
      %get3A_399 = tpu.vector_load %arg8[%get3A_397, %get3A_398] {strides = array<i32>} : memref<64x768xf32, #tpu.memory_space<vmem>>, vector<16xf32>,
      %get3A_400 = arith.index_cast %scan3A_18 : i32 to index
      %get3A_401 = arith.constant 608 : index
      %get3A_402 = tpu.vector_load %arg9[%get3A_400, %get3A_401] {strides = array<i32>} : memref<64x768xf32, #tpu.memory_space<vmem>>, vector<16xf32>,
      %add3A_403 = arith.addf %get3A_399, %get3A_402 : vector<16xf32>
      %swap3A_404 = arith.index_cast %scan3A_18 : i32 to index
      %swap3A_405 = arith.constant 608 : index
      %swap3A_406 = tpu.vector_load %arg8[%swap3A_404, %swap3A_405] {strides = array<i32>} : memref<64x768xf32, #tpu.memory_space<vmem>>, vector<16xf32>,
      tpu.vector_store %arg8[%swap3A_404, %swap3A_405], %add3A_403 {strides = array<i32>} : memref<64x768xf32, #tpu.memory_space<vmem>>, vector<16xf32>,
      %get3A_407 = arith.index_cast %scan3A_18 : i32 to index
      %get3A_408 = arith.constant 624 : index
      %get3A_409 = tpu.vector_load %arg8[%get3A_407, %get3A_408] {strides = array<i32>} : memref<64x768xf32, #tpu.memory_space<vmem>>, vector<16xf32>,
      %get3A_410 = arith.index_cast %scan3A_18 : i32 to index
      %get3A_411 = arith.constant 624 : index
      %get3A_412 = tpu.vector_load %arg9[%get3A_410, %get3A_411] {strides = array<i32>} : memref<64x768xf32, #tpu.memory_space<vmem>>, vector<16xf32>,
      %add3A_413 = arith.addf %get3A_409, %get3A_412 : vector<16xf32>
      %swap3A_414 = arith.index_cast %scan3A_18 : i32 to index
      %swap3A_415 = arith.constant 624 : index
      %swap3A_416 = tpu.vector_load %arg8[%swap3A_414, %swap3A_415] {strides = array<i32>} : memref<64x768xf32, #tpu.memory_space<vmem>>, vector<16xf32>,
      tpu.vector_store %arg8[%swap3A_414, %swap3A_415], %add3A_413 {strides = array<i32>} : memref<64x768xf32, #tpu.memory_space<vmem>>, vector<16xf32>,
      %get3A_417 = arith.index_cast %scan3A_18 : i32 to index
      %get3A_418 = arith.constant 640 : index
      %get3A_419 = tpu.vector_load %arg8[%get3A_417, %get3A_418] {strides = array<i32>} : memref<64x768xf32, #tpu.memory_space<vmem>>, vector<16xf32>,
      %get3A_420 = arith.index_cast %scan3A_18 : i32 to index
      %get3A_421 = arith.constant 640 : index
      %get3A_422 = tpu.vector_load %arg9[%get3A_420, %get3A_421] {strides = array<i32>} : memref<64x768xf32, #tpu.memory_space<vmem>>, vector<16xf32>,
      %add3A_423 = arith.addf %get3A_419, %get3A_422 : vector<16xf32>
      %swap3A_424 = arith.index_cast %scan3A_18 : i32 to index
      %swap3A_425 = arith.constant 640 : index
      %swap3A_426 = tpu.vector_load %arg8[%swap3A_424, %swap3A_425] {strides = array<i32>} : memref<64x768xf32, #tpu.memory_space<vmem>>, vector<16xf32>,
      tpu.vector_store %arg8[%swap3A_424, %swap3A_425], %add3A_423 {strides = array<i32>} : memref<64x768xf32, #tpu.memory_space<vmem>>, vector<16xf32>,
      %get3A_427 = arith.index_cast %scan3A_18 : i32 to index
      %get3A_428 = arith.constant 656 : index
      %get3A_429 = tpu.vector_load %arg8[%get3A_427, %get3A_428] {strides = array<i32>} : memref<64x768xf32, #tpu.memory_space<vmem>>, vector<16xf32>,
      %get3A_430 = arith.index_cast %scan3A_18 : i32 to index
      %get3A_431 = arith.constant 656 : index
      %get3A_432 = tpu.vector_load %arg9[%get3A_430, %get3A_431] {strides = array<i32>} : memref<64x768xf32, #tpu.memory_space<vmem>>, vector<16xf32>,
      %add3A_433 = arith.addf %get3A_429, %get3A_432 : vector<16xf32>
      %swap3A_434 = arith.index_cast %scan3A_18 : i32 to index
      %swap3A_435 = arith.constant 656 : index
      %swap3A_436 = tpu.vector_load %arg8[%swap3A_434, %swap3A_435] {strides = array<i32>} : memref<64x768xf32, #tpu.memory_space<vmem>>, vector<16xf32>,
      tpu.vector_store %arg8[%swap3A_434, %swap3A_435], %add3A_433 {strides = array<i32>} : memref<64x768xf32, #tpu.memory_space<vmem>>, vector<16xf32>,
      %get3A_437 = arith.index_cast %scan3A_18 : i32 to index
      %get3A_438 = arith.constant 672 : index
      %get3A_439 = tpu.vector_load %arg8[%get3A_437, %get3A_438] {strides = array<i32>} : memref<64x768xf32, #tpu.memory_space<vmem>>, vector<16xf32>,
      %get3A_440 = arith.index_cast %scan3A_18 : i32 to index
      %get3A_441 = arith.constant 672 : index
      %get3A_442 = tpu.vector_load %arg9[%get3A_440, %get3A_441] {strides = array<i32>} : memref<64x768xf32, #tpu.memory_space<vmem>>, vector<16xf32>,
      %add3A_443 = arith.addf %get3A_439, %get3A_442 : vector<16xf32>
      %swap3A_444 = arith.index_cast %scan3A_18 : i32 to index
      %swap3A_445 = arith.constant 672 : index
      %swap3A_446 = tpu.vector_load %arg8[%swap3A_444, %swap3A_445] {strides = array<i32>} : memref<64x768xf32, #tpu.memory_space<vmem>>, vector<16xf32>,
      tpu.vector_store %arg8[%swap3A_444, %swap3A_445], %add3A_443 {strides = array<i32>} : memref<64x768xf32, #tpu.memory_space<vmem>>, vector<16xf32>,
      %get3A_447 = arith.index_cast %scan3A_18 : i32 to index
      %get3A_448 = arith.constant 688 : index
      %get3A_449 = tpu.vector_load %arg8[%get3A_447, %get3A_448] {strides = array<i32>} : memref<64x768xf32, #tpu.memory_space<vmem>>, vector<16xf32>,
      %get3A_450 = arith.index_cast %scan3A_18 : i32 to index
      %get3A_451 = arith.constant 688 : index
      %get3A_452 = tpu.vector_load %arg9[%get3A_450, %get3A_451] {strides = array<i32>} : memref<64x768xf32, #tpu.memory_space<vmem>>, vector<16xf32>,
      %add3A_453 = arith.addf %get3A_449, %get3A_452 : vector<16xf32>
      %swap3A_454 = arith.index_cast %scan3A_18 : i32 to index
      %swap3A_455 = arith.constant 688 : index
      %swap3A_456 = tpu.vector_load %arg8[%swap3A_454, %swap3A_455] {strides = array<i32>} : memref<64x768xf32, #tpu.memory_space<vmem>>, vector<16xf32>,
      tpu.vector_store %arg8[%swap3A_454, %swap3A_455], %add3A_453 {strides = array<i32>} : memref<64x768xf32, #tpu.memory_space<vmem>>, vector<16xf32>,
      %get3A_457 = arith.index_cast %scan3A_18 : i32 to index
      %get3A_458 = arith.constant 704 : index
      %get3A_459 = tpu.vector_load %arg8[%get3A_457, %get3A_458] {strides = array<i32>} : memref<64x768xf32, #tpu.memory_space<vmem>>, vector<16xf32>,
      %get3A_460 = arith.index_cast %scan3A_18 : i32 to index
      %get3A_461 = arith.constant 704 : index
      %get3A_462 = tpu.vector_load %arg9[%get3A_460, %get3A_461] {strides = array<i32>} : memref<64x768xf32, #tpu.memory_space<vmem>>, vector<16xf32>,
      %add3A_463 = arith.addf %get3A_459, %get3A_462 : vector<16xf32>
      %swap3A_464 = arith.index_cast %scan3A_18 : i32 to index
      %swap3A_465 = arith.constant 704 : index
      %swap3A_466 = tpu.vector_load %arg8[%swap3A_464, %swap3A_465] {strides = array<i32>} : memref<64x768xf32, #tpu.memory_space<vmem>>, vector<16xf32>,
      tpu.vector_store %arg8[%swap3A_464, %swap3A_465], %add3A_463 {strides = array<i32>} : memref<64x768xf32, #tpu.memory_space<vmem>>, vector<16xf32>,
      %get3A_467 = arith.index_cast %scan3A_18 : i32 to index
      %get3A_468 = arith.constant 720 : index
      %get3A_469 = tpu.vector_load %arg8[%get3A_467, %get3A_468] {strides = array<i32>} : memref<64x768xf32, #tpu.memory_space<vmem>>, vector<16xf32>,
      %get3A_470 = arith.index_cast %scan3A_18 : i32 to index
      %get3A_471 = arith.constant 720 : index
      %get3A_472 = tpu.vector_load %arg9[%get3A_470, %get3A_471] {strides = array<i32>} : memref<64x768xf32, #tpu.memory_space<vmem>>, vector<16xf32>,
      %add3A_473 = arith.addf %get3A_469, %get3A_472 : vector<16xf32>
      %swap3A_474 = arith.index_cast %scan3A_18 : i32 to index
      %swap3A_475 = arith.constant 720 : index
      %swap3A_476 = tpu.vector_load %arg8[%swap3A_474, %swap3A_475] {strides = array<i32>} : memref<64x768xf32, #tpu.memory_space<vmem>>, vector<16xf32>,
      tpu.vector_store %arg8[%swap3A_474, %swap3A_475], %add3A_473 {strides = array<i32>} : memref<64x768xf32, #tpu.memory_space<vmem>>, vector<16xf32>,
      %get3A_477 = arith.index_cast %scan3A_18 : i32 to index
      %get3A_478 = arith.constant 736 : index
      %get3A_479 = tpu.vector_load %arg8[%get3A_477, %get3A_478] {strides = array<i32>} : memref<64x768xf32, #tpu.memory_space<vmem>>, vector<16xf32>,
      %get3A_480 = arith.index_cast %scan3A_18 : i32 to index
      %get3A_481 = arith.constant 736 : index
      %get3A_482 = tpu.vector_load %arg9[%get3A_480, %get3A_481] {strides = array<i32>} : memref<64x768xf32, #tpu.memory_space<vmem>>, vector<16xf32>,
      %add3A_483 = arith.addf %get3A_479, %get3A_482 : vector<16xf32>
      %swap3A_484 = arith.index_cast %scan3A_18 : i32 to index
      %swap3A_485 = arith.constant 736 : index
      %swap3A_486 = tpu.vector_load %arg8[%swap3A_484, %swap3A_485] {strides = array<i32>} : memref<64x768xf32, #tpu.memory_space<vmem>>, vector<16xf32>,
      tpu.vector_store %arg8[%swap3A_484, %swap3A_485], %add3A_483 {strides = array<i32>} : memref<64x768xf32, #tpu.memory_space<vmem>>, vector<16xf32>,
      %get3A_487 = arith.index_cast %scan3A_18 : i32 to index
      %get3A_488 = arith.constant 752 : index
      %get3A_489 = tpu.vector_load %arg8[%get3A_487, %get3A_488] {strides = array<i32>} : memref<64x768xf32, #tpu.memory_space<vmem>>, vector<16xf32>,
      %get3A_490 = arith.index_cast %scan3A_18 : i32 to index
      %get3A_491 = arith.constant 752 : index
      %get3A_492 = tpu.vector_load %arg9[%get3A_490, %get3A_491] {strides = array<i32>} : memref<64x768xf32, #tpu.memory_space<vmem>>, vector<16xf32>,
      %add3A_493 = arith.addf %get3A_489, %get3A_492 : vector<16xf32>
      %swap3A_494 = arith.index_cast %scan3A_18 : i32 to index
      %swap3A_495 = arith.constant 752 : index
      %swap3A_496 = tpu.vector_load %arg8[%swap3A_494, %swap3A_495] {strides = array<i32>} : memref<64x768xf32, #tpu.memory_space<vmem>>, vector<16xf32>,
      tpu.vector_store %arg8[%swap3A_494, %swap3A_495], %add3A_493 {strides = array<i32>} : memref<64x768xf32, #tpu.memory_space<vmem>>, vector<16xf32>,
    }
    %scan3A_17 = arith.constant 64 : i32
    "tpu.region"() ({
      %run_scoped3A = tpu.sem_alloc : memref<!tpu.dma_semaphore, #tpu.memory_space<semaphore_mem>>
      %dma_start3A_18 = arith.constant 0 : i32
      %dma_start3A_19 = tpu.memref_slice %arg5[%mul3A_2, %dma_start3A_18] : memref<2048x768xf32, #tpu.memory_space<hbm>> -> memref<64x768xf32, #tpu.memory_space<hbm>>
      %dma_start3A_20 = arith.constant 0 : i32
      %dma_start3A_21 = tpu.memref_slice %arg5[%mul3A_2, %dma_start3A_20] : memref<2048x768xf32, #tpu.memory_space<hbm>> -> memref<64x768xf32, #tpu.memory_space<hbm>>
      tpu.enqueue_dma source(%arg8 : memref<64x768xf32, #tpu.memory_space<vmem>>) target(%dma_start3A_21 : memref<64x768xf32, #tpu.memory_space<hbm>>) target_semaphore(%run_scoped3A : memref<!tpu.dma_semaphore, #tpu.memory_space<semaphore_mem>>)
      %dma_wait3A_22 = arith.constant 0 : i32
      %dma_wait3A_23 = tpu.memref_slice %arg5[%mul3A_2, %dma_wait3A_22] : memref<2048x768xf32, #tpu.memory_space<hbm>> -> memref<64x768xf32, #tpu.memory_space<hbm>>
      %dma_wait3A_24 = arith.constant 0 : i32
      %dma_wait3A_25 = tpu.memref_slice %arg5[%mul3A_2, %dma_wait3A_24] : memref<2048x768xf32, #tpu.memory_space<hbm>> -> memref<64x768xf32, #tpu.memory_space<hbm>>
      tpu.wait_dma2 semaphore(%run_scoped3A : memref<!tpu.dma_semaphore, #tpu.memory_space<semaphore_mem>>) src(%arg8 : memref<64x768xf32, #tpu.memory_space<vmem>>) dst(%dma_wait3A_25 : memref<64x768xf32, #tpu.memory_space<hbm>>)
      tpu.yield
    }) : () -> ()
    return
  }
}

#map = affine_map<(d0, d1) -> (0)>
#map1 = affine_map<(d0, d1) -> (0, 0)>
module attributes {stable_mosaic.version = 14 : i64} {
  func.func @_dispatch_body(%arg0: i32, %arg1: i32, %arg2: memref<4096xi32, #tpu.memory_space<hbm>>, %arg3: memref<4096xf32, #tpu.memory_space<hbm>>, %arg4: memref<2048x768xf32, #tpu.memory_space<hbm>>, %arg5: memref<6144x768xf32, #tpu.memory_space<hbm>>, %arg6: memref<6144xf32, #tpu.memory_space<hbm>>, %arg7: memref<4096xi32, #tpu.memory_space<vmem>>, %arg8: memref<4096xf32, #tpu.memory_space<vmem>>, %arg9: memref<6144xi32, #tpu.memory_space<vmem>>, %arg10: memref<6144xf32, #tpu.memory_space<vmem>>, %arg11: memref<64xi32, #tpu.memory_space<vmem>>, %arg12: memref<64xi32, #tpu.memory_space<vmem>>, %arg13: memref<64x768xf32, #tpu.memory_space<vmem>>, %arg14: memref<64x768xf32, #tpu.memory_space<vmem>>, %arg15: memref<6144xi32, #tpu.memory_space<vmem_shared>>, %arg16: memref<!tpu.dma_semaphore, #tpu.memory_space<semaphore_mem>>, %arg17: memref<!tpu.dma_semaphore, #tpu.memory_space<semaphore_mem>>) attributes {dimension_semantics = [#tpu.dimension_semantics<core_parallel>, #tpu.dimension_semantics<subcore_parallel>], iteration_bounds = array<i64: 2, 16>, scalar_prefetch = 0 : i64, scratch_operands = 11 : i64, tpu.core_type = #tpu.core_type<sc_vector_subcore>, window_params = [{transform_indices = #map}, {transform_indices = #map}, {transform_indices = #map1}, {transform_indices = #map1}, {transform_indices = #map}]} {
    %eq3A = arith.constant 0 : i32
    %eq3A_0 = arith.cmpi eq, %arg1, %eq3A : i32
    %convert_element_type3A = arith.extui %eq3A_0 : i1 to i32
    %cond3A = arith.constant 0 : i32
    %cond3A_1 = arith.cmpi ne, %convert_element_type3A, %cond3A : i32
    scf.if %cond3A_1 {
      "tpu.region"() ({
        %run_scoped3A = tpu.sem_alloc : memref<!tpu.dma_semaphore, #tpu.memory_space<semaphore_mem>>
        tpu.enqueue_dma source(%arg2 : memref<4096xi32, #tpu.memory_space<hbm>>) target(%arg7 : memref<4096xi32, #tpu.memory_space<vmem>>) target_semaphore(%run_scoped3A : memref<!tpu.dma_semaphore, #tpu.memory_space<semaphore_mem>>)
        tpu.wait_dma2 semaphore(%run_scoped3A : memref<!tpu.dma_semaphore, #tpu.memory_space<semaphore_mem>>) src(%arg2 : memref<4096xi32, #tpu.memory_space<hbm>>) dst(%arg7 : memref<4096xi32, #tpu.memory_space<vmem>>)
        tpu.yield
      }) : () -> ()
      "tpu.region"() ({
        %run_scoped3A = tpu.sem_alloc : memref<!tpu.dma_semaphore, #tpu.memory_space<semaphore_mem>>
        tpu.enqueue_dma source(%arg3 : memref<4096xf32, #tpu.memory_space<hbm>>) target(%arg8 : memref<4096xf32, #tpu.memory_space<vmem>>) target_semaphore(%run_scoped3A : memref<!tpu.dma_semaphore, #tpu.memory_space<semaphore_mem>>)
        tpu.wait_dma2 semaphore(%run_scoped3A : memref<!tpu.dma_semaphore, #tpu.memory_space<semaphore_mem>>) src(%arg3 : memref<4096xf32, #tpu.memory_space<hbm>>) dst(%arg8 : memref<4096xf32, #tpu.memory_space<vmem>>)
        tpu.yield
      }) : () -> ()
      %iota3A = tpu.iota {dimensions = array<i32: 0>} : vector<16xi32>
      %scan3A = arith.constant 0 : i32
      %scan3A_53 = arith.constant 0 : i32
      %scan3A_54 = arith.constant 384 : i32
      %scan3A_55 = arith.addi %scan3A_53, %scan3A_54 : i32
      %scan3A_56 = arith.constant 1 : i32
      scf.for %scan3A_69 = %scan3A_53 to %scan3A_55 step %scan3A_56  : i32 {
        %mul3A_70 = arith.constant 16 : i32
        %mul3A_71 = arith.muli %scan3A_69, %mul3A_70 : i32
        %add3A_72 = vector.broadcast %mul3A_71 : i32 to vector<16xi32>
        %add3A_73 = arith.addi %add3A_72, %iota3A : vector<16xi32>
        %and3A = arith.constant 2047 : i32
        %and3A_74 = vector.broadcast %and3A : i32 to vector<16xi32>
        %and3A_75 = arith.andi %add3A_73, %and3A_74 : vector<16xi32>
        %mul3A_76 = arith.constant 16 : i32
        %mul3A_77 = arith.muli %scan3A_69, %mul3A_76 : i32
        %swap3A = arith.index_cast %mul3A_77 : i32 to index
        %swap3A_78 = tpu.vector_load %arg9[%swap3A] {strides = array<i32>} : memref<6144xi32, #tpu.memory_space<vmem>>, vector<16xi32>,
        tpu.vector_store %arg9[%swap3A], %and3A_75 {strides = array<i32>} : memref<6144xi32, #tpu.memory_space<vmem>>, vector<16xi32>,
        %broadcast_in_dim3A = arith.constant 0.000000e+00 : f32
        %broadcast_in_dim3A_79 = vector.broadcast %broadcast_in_dim3A : f32 to vector<16xf32>
        %mul3A_80 = arith.constant 16 : i32
        %mul3A_81 = arith.muli %scan3A_69, %mul3A_80 : i32
        %swap3A_82 = arith.index_cast %mul3A_81 : i32 to index
        %swap3A_83 = tpu.vector_load %arg10[%swap3A_82] {strides = array<i32>} : memref<6144xf32, #tpu.memory_space<vmem>>, vector<16xf32>,
        tpu.vector_store %arg10[%swap3A_82], %broadcast_in_dim3A_79 {strides = array<i32>} : memref<6144xf32, #tpu.memory_space<vmem>>, vector<16xf32>,
      }
      %scan3A_57 = arith.constant 384 : i32
      %scan3A_58 = arith.constant 0 : i32
      %scan3A_59 = arith.constant 0 : i32
      %scan3A_60 = arith.constant 256 : i32
      %scan3A_61 = arith.addi %scan3A_59, %scan3A_60 : i32
      %scan3A_62 = arith.constant 1 : i32
      scf.for %scan3A_69 = %scan3A_59 to %scan3A_61 step %scan3A_62  : i32 {
        %mul3A_70 = arith.constant 16 : i32
        %mul3A_71 = arith.muli %scan3A_69, %mul3A_70 : i32
        %get3A = arith.index_cast %mul3A_71 : i32 to index
        %get3A_72 = tpu.vector_load %arg7[%get3A] {strides = array<i32>} : memref<4096xi32, #tpu.memory_space<vmem>>, vector<16xi32>,
        %mul3A_73 = arith.constant 16 : i32
        %mul3A_74 = arith.muli %scan3A_69, %mul3A_73 : i32
        %add3A_75 = vector.broadcast %mul3A_74 : i32 to vector<16xi32>
        %add3A_76 = arith.addi %add3A_75, %iota3A : vector<16xi32>
        %jit3A = arith.constant 2 : i32
        %div3A = vector.broadcast %jit3A : i32 to vector<16xi32>
        %div3A_77 = arith.divsi %add3A_76, %div3A : vector<16xi32>
        %sign3A = arith.constant 0 : i32
        %sign3A_78 = vector.broadcast %sign3A : i32 to vector<16xi32>
        %sign3A_79 = arith.cmpi sgt, %add3A_76, %sign3A_78 : vector<16xi32>
        %sign3A_80 = arith.extui %sign3A_79 : vector<16xi1> to vector<16xi32>
        %sign3A_81 = arith.constant 0 : i32
        %sign3A_82 = vector.broadcast %sign3A_81 : i32 to vector<16xi32>
        %sign3A_83 = arith.cmpi slt, %add3A_76, %sign3A_82 : vector<16xi32>
        %sign3A_84 = arith.extui %sign3A_83 : vector<16xi1> to vector<16xi32>
        %sign3A_85 = arith.subi %sign3A_80, %sign3A_84 : vector<16xi32>
        %sign3A_86 = arith.constant 0 : i32
        %sign3A_87 = arith.cmpi sgt, %jit3A, %sign3A_86 : i32
        %sign3A_88 = arith.extui %sign3A_87 : i1 to i32
        %sign3A_89 = arith.constant 0 : i32
        %sign3A_90 = arith.cmpi slt, %jit3A, %sign3A_89 : i32
        %sign3A_91 = arith.extui %sign3A_90 : i1 to i32
        %sign3A_92 = arith.subi %sign3A_88, %sign3A_91 : i32
        %ne3A = vector.broadcast %sign3A_92 : i32 to vector<16xi32>
        %ne3A_93 = arith.cmpi ne, %sign3A_85, %ne3A : vector<16xi32>
        %rem3A = vector.broadcast %jit3A : i32 to vector<16xi32>
        %rem3A_94 = arith.remsi %add3A_76, %rem3A : vector<16xi32>
        %ne3A_95 = arith.constant 0 : i32
        %ne3A_96 = vector.broadcast %ne3A_95 : i32 to vector<16xi32>
        %ne3A_97 = arith.cmpi ne, %rem3A_94, %ne3A_96 : vector<16xi32>
        %and3A = arith.andi %ne3A_93, %ne3A_97 : vector<16xi1>
        %sub3A = arith.constant 1 : i32
        %sub3A_98 = vector.broadcast %sub3A : i32 to vector<16xi32>
        %sub3A_99 = arith.subi %div3A_77, %sub3A_98 : vector<16xi32>
        %select_n3A = arith.select %and3A, %sub3A_99, %div3A_77 : vector<16xi1>, vector<16xi32>
        tpu.vector_store_idx %arg9[%get3A_72], %select_n3A : memref<6144xi32, #tpu.memory_space<vmem>>[vector<16xi32>], vector<16xi32>,
        %mul3A_100 = arith.constant 16 : i32
        %mul3A_101 = arith.muli %scan3A_69, %mul3A_100 : i32
        %get3A_102 = arith.index_cast %mul3A_101 : i32 to index
        %get3A_103 = tpu.vector_load %arg8[%get3A_102] {strides = array<i32>} : memref<4096xf32, #tpu.memory_space<vmem>>, vector<16xf32>,
        tpu.vector_store_idx %arg10[%get3A_72], %get3A_103 : memref<6144xf32, #tpu.memory_space<vmem>>[vector<16xi32>], vector<16xf32>,
      }
      %scan3A_63 = arith.constant 256 : i32
      "tpu.region"() ({
        %run_scoped3A = tpu.sem_alloc : memref<!tpu.dma_semaphore, #tpu.memory_space<semaphore_mem>>
        tpu.enqueue_dma source(%arg9 : memref<6144xi32, #tpu.memory_space<vmem>>) target(%arg15 : memref<6144xi32, #tpu.memory_space<vmem_shared>>) target_semaphore(%run_scoped3A : memref<!tpu.dma_semaphore, #tpu.memory_space<semaphore_mem>>)
        tpu.wait_dma2 semaphore(%run_scoped3A : memref<!tpu.dma_semaphore, #tpu.memory_space<semaphore_mem>>) src(%arg9 : memref<6144xi32, #tpu.memory_space<vmem>>) dst(%arg15 : memref<6144xi32, #tpu.memory_space<vmem_shared>>)
        tpu.yield
      }) : () -> ()
      %eq3A_64 = arith.constant 0 : i32
      %eq3A_65 = arith.cmpi eq, %arg0, %eq3A_64 : i32
      %convert_element_type3A_66 = arith.extui %eq3A_65 : i1 to i32
      %cond3A_67 = arith.constant 0 : i32
      %cond3A_68 = arith.cmpi ne, %convert_element_type3A_66, %cond3A_67 : i32
      scf.if %cond3A_68 {
        "tpu.region"() ({
          %run_scoped3A = tpu.sem_alloc : memref<!tpu.dma_semaphore, #tpu.memory_space<semaphore_mem>>
          tpu.enqueue_dma source(%arg10 : memref<6144xf32, #tpu.memory_space<vmem>>) target(%arg6 : memref<6144xf32, #tpu.memory_space<hbm>>) target_semaphore(%run_scoped3A : memref<!tpu.dma_semaphore, #tpu.memory_space<semaphore_mem>>)
          tpu.wait_dma2 semaphore(%run_scoped3A : memref<!tpu.dma_semaphore, #tpu.memory_space<semaphore_mem>>) src(%arg10 : memref<6144xf32, #tpu.memory_space<vmem>>) dst(%arg6 : memref<6144xf32, #tpu.memory_space<hbm>>)
          tpu.yield
        }) : () -> ()
      } else {
      }
    } else {
    }
    %barrier3A = arith.constant 0 : index
    tpu.barrier barrier_id(%barrier3A)
    %mul3A = arith.constant 2 : i32
    %mul3A_2 = arith.muli %arg1, %mul3A : i32
    %add3A = arith.addi %mul3A_2, %arg0 : i32
    %mul3A_3 = arith.constant 192 : i32
    %mul3A_4 = arith.muli %add3A, %mul3A_3 : i32
    "tpu.region"() ({
      %run_scoped3A = tpu.sem_alloc : memref<!tpu.dma_semaphore, #tpu.memory_space<semaphore_mem>>
      %dma_start3A_53 = tpu.memref_slice %arg15[%mul3A_4] : memref<6144xi32, #tpu.memory_space<vmem_shared>> -> memref<64xi32, #tpu.memory_space<vmem_shared>>
      %dma_start3A_54 = tpu.memref_slice %arg15[%mul3A_4] : memref<6144xi32, #tpu.memory_space<vmem_shared>> -> memref<64xi32, #tpu.memory_space<vmem_shared>>
      tpu.enqueue_dma source(%dma_start3A_54 : memref<64xi32, #tpu.memory_space<vmem_shared>>) target(%arg11 : memref<64xi32, #tpu.memory_space<vmem>>) target_semaphore(%run_scoped3A : memref<!tpu.dma_semaphore, #tpu.memory_space<semaphore_mem>>)
      %dma_wait3A_55 = tpu.memref_slice %arg15[%mul3A_4] : memref<6144xi32, #tpu.memory_space<vmem_shared>> -> memref<64xi32, #tpu.memory_space<vmem_shared>>
      %dma_wait3A_56 = tpu.memref_slice %arg15[%mul3A_4] : memref<6144xi32, #tpu.memory_space<vmem_shared>> -> memref<64xi32, #tpu.memory_space<vmem_shared>>
      tpu.wait_dma2 semaphore(%run_scoped3A : memref<!tpu.dma_semaphore, #tpu.memory_space<semaphore_mem>>) src(%dma_wait3A_56 : memref<64xi32, #tpu.memory_space<vmem_shared>>) dst(%arg11 : memref<64xi32, #tpu.memory_space<vmem>>)
      tpu.yield
    }) : () -> ()
    %dma_start3A = arith.constant 0 : i32
    %dma_start3A_5 = arith.constant 0 : i32
    %dma_start3A_6 = tpu.memref_slice %arg4[%dma_start3A, %dma_start3A_5] : memref<2048x768xf32, #tpu.memory_space<hbm>> -> memref<2048x768xf32, #tpu.memory_space<hbm>>
    tpu.enqueue_indirect_dma source(%dma_start3A_6 : memref<2048x768xf32, #tpu.memory_space<hbm>>) target(%arg13 : memref<64x768xf32, #tpu.memory_space<vmem>>) offsets(%arg11 : memref<64xi32, #tpu.memory_space<vmem>>) semaphore(%arg16 : memref<!tpu.dma_semaphore, #tpu.memory_space<semaphore_mem>>)
    %add3A_7 = arith.constant 64 : i32
    %add3A_8 = arith.addi %mul3A_4, %add3A_7 : i32
    "tpu.region"() ({
      %run_scoped3A = tpu.sem_alloc : memref<!tpu.dma_semaphore, #tpu.memory_space<semaphore_mem>>
      %dma_start3A_53 = tpu.memref_slice %arg15[%add3A_8] : memref<6144xi32, #tpu.memory_space<vmem_shared>> -> memref<64xi32, #tpu.memory_space<vmem_shared>>
      %dma_start3A_54 = tpu.memref_slice %arg15[%add3A_8] : memref<6144xi32, #tpu.memory_space<vmem_shared>> -> memref<64xi32, #tpu.memory_space<vmem_shared>>
      tpu.enqueue_dma source(%dma_start3A_54 : memref<64xi32, #tpu.memory_space<vmem_shared>>) target(%arg12 : memref<64xi32, #tpu.memory_space<vmem>>) target_semaphore(%run_scoped3A : memref<!tpu.dma_semaphore, #tpu.memory_space<semaphore_mem>>)
      %dma_wait3A_55 = tpu.memref_slice %arg15[%add3A_8] : memref<6144xi32, #tpu.memory_space<vmem_shared>> -> memref<64xi32, #tpu.memory_space<vmem_shared>>
      %dma_wait3A_56 = tpu.memref_slice %arg15[%add3A_8] : memref<6144xi32, #tpu.memory_space<vmem_shared>> -> memref<64xi32, #tpu.memory_space<vmem_shared>>
      tpu.wait_dma2 semaphore(%run_scoped3A : memref<!tpu.dma_semaphore, #tpu.memory_space<semaphore_mem>>) src(%dma_wait3A_56 : memref<64xi32, #tpu.memory_space<vmem_shared>>) dst(%arg12 : memref<64xi32, #tpu.memory_space<vmem>>)
      tpu.yield
    }) : () -> ()
    %dma_start3A_9 = arith.constant 0 : i32
    %dma_start3A_10 = arith.constant 0 : i32
    %dma_start3A_11 = tpu.memref_slice %arg4[%dma_start3A_9, %dma_start3A_10] : memref<2048x768xf32, #tpu.memory_space<hbm>> -> memref<2048x768xf32, #tpu.memory_space<hbm>>
    tpu.enqueue_indirect_dma source(%dma_start3A_11 : memref<2048x768xf32, #tpu.memory_space<hbm>>) target(%arg14 : memref<64x768xf32, #tpu.memory_space<vmem>>) offsets(%arg12 : memref<64xi32, #tpu.memory_space<vmem>>) semaphore(%arg16 : memref<!tpu.dma_semaphore, #tpu.memory_space<semaphore_mem>>)
    %dma_wait3A = arith.constant 0 : i32
    %dma_wait3A_12 = arith.constant 0 : i32
    %dma_wait3A_13 = tpu.memref_slice %arg4[%dma_wait3A, %dma_wait3A_12] : memref<2048x768xf32, #tpu.memory_space<hbm>> -> memref<2048x768xf32, #tpu.memory_space<hbm>>
    tpu.wait_indirect_dma semaphore(%arg16 : memref<!tpu.dma_semaphore, #tpu.memory_space<semaphore_mem>>) src(%dma_wait3A_13 : memref<2048x768xf32, #tpu.memory_space<hbm>>) dst(%arg13 : memref<64x768xf32, #tpu.memory_space<vmem>>)
    %dma_start3A_14 = arith.constant 0 : i32
    %dma_start3A_15 = tpu.memref_slice %arg5[%mul3A_4, %dma_start3A_14] : memref<6144x768xf32, #tpu.memory_space<hbm>> -> memref<64x768xf32, #tpu.memory_space<hbm>>
    %dma_start3A_16 = arith.constant 0 : i32
    %dma_start3A_17 = tpu.memref_slice %arg5[%mul3A_4, %dma_start3A_16] : memref<6144x768xf32, #tpu.memory_space<hbm>> -> memref<64x768xf32, #tpu.memory_space<hbm>>
    tpu.enqueue_dma source(%arg13 : memref<64x768xf32, #tpu.memory_space<vmem>>) target(%dma_start3A_17 : memref<64x768xf32, #tpu.memory_space<hbm>>) target_semaphore(%arg17 : memref<!tpu.dma_semaphore, #tpu.memory_space<semaphore_mem>>)
    %dma_wait3A_18 = arith.constant 0 : i32
    %dma_wait3A_19 = arith.constant 0 : i32
    %dma_wait3A_20 = tpu.memref_slice %arg4[%dma_wait3A_18, %dma_wait3A_19] : memref<2048x768xf32, #tpu.memory_space<hbm>> -> memref<2048x768xf32, #tpu.memory_space<hbm>>
    tpu.wait_indirect_dma semaphore(%arg16 : memref<!tpu.dma_semaphore, #tpu.memory_space<semaphore_mem>>) src(%dma_wait3A_20 : memref<2048x768xf32, #tpu.memory_space<hbm>>) dst(%arg14 : memref<64x768xf32, #tpu.memory_space<vmem>>)
    %add3A_21 = arith.constant 64 : i32
    %add3A_22 = arith.addi %mul3A_4, %add3A_21 : i32
    %dma_start3A_23 = arith.constant 0 : i32
    %dma_start3A_24 = tpu.memref_slice %arg5[%add3A_22, %dma_start3A_23] : memref<6144x768xf32, #tpu.memory_space<hbm>> -> memref<64x768xf32, #tpu.memory_space<hbm>>
    %dma_start3A_25 = arith.constant 0 : i32
    %dma_start3A_26 = tpu.memref_slice %arg5[%add3A_22, %dma_start3A_25] : memref<6144x768xf32, #tpu.memory_space<hbm>> -> memref<64x768xf32, #tpu.memory_space<hbm>>
    tpu.enqueue_dma source(%arg14 : memref<64x768xf32, #tpu.memory_space<vmem>>) target(%dma_start3A_26 : memref<64x768xf32, #tpu.memory_space<hbm>>) target_semaphore(%arg17 : memref<!tpu.dma_semaphore, #tpu.memory_space<semaphore_mem>>)
    %dma_wait3A_27 = arith.constant 0 : i32
    %dma_wait3A_28 = tpu.memref_slice %arg5[%mul3A_4, %dma_wait3A_27] : memref<6144x768xf32, #tpu.memory_space<hbm>> -> memref<64x768xf32, #tpu.memory_space<hbm>>
    %dma_wait3A_29 = arith.constant 0 : i32
    %dma_wait3A_30 = tpu.memref_slice %arg5[%mul3A_4, %dma_wait3A_29] : memref<6144x768xf32, #tpu.memory_space<hbm>> -> memref<64x768xf32, #tpu.memory_space<hbm>>
    tpu.wait_dma2 semaphore(%arg17 : memref<!tpu.dma_semaphore, #tpu.memory_space<semaphore_mem>>) src(%arg13 : memref<64x768xf32, #tpu.memory_space<vmem>>) dst(%dma_wait3A_30 : memref<64x768xf32, #tpu.memory_space<hbm>>)
    %add3A_31 = arith.constant 128 : i32
    %add3A_32 = arith.addi %mul3A_4, %add3A_31 : i32
    "tpu.region"() ({
      %run_scoped3A = tpu.sem_alloc : memref<!tpu.dma_semaphore, #tpu.memory_space<semaphore_mem>>
      %dma_start3A_53 = tpu.memref_slice %arg15[%add3A_32] : memref<6144xi32, #tpu.memory_space<vmem_shared>> -> memref<64xi32, #tpu.memory_space<vmem_shared>>
      %dma_start3A_54 = tpu.memref_slice %arg15[%add3A_32] : memref<6144xi32, #tpu.memory_space<vmem_shared>> -> memref<64xi32, #tpu.memory_space<vmem_shared>>
      tpu.enqueue_dma source(%dma_start3A_54 : memref<64xi32, #tpu.memory_space<vmem_shared>>) target(%arg11 : memref<64xi32, #tpu.memory_space<vmem>>) target_semaphore(%run_scoped3A : memref<!tpu.dma_semaphore, #tpu.memory_space<semaphore_mem>>)
      %dma_wait3A_55 = tpu.memref_slice %arg15[%add3A_32] : memref<6144xi32, #tpu.memory_space<vmem_shared>> -> memref<64xi32, #tpu.memory_space<vmem_shared>>
      %dma_wait3A_56 = tpu.memref_slice %arg15[%add3A_32] : memref<6144xi32, #tpu.memory_space<vmem_shared>> -> memref<64xi32, #tpu.memory_space<vmem_shared>>
      tpu.wait_dma2 semaphore(%run_scoped3A : memref<!tpu.dma_semaphore, #tpu.memory_space<semaphore_mem>>) src(%dma_wait3A_56 : memref<64xi32, #tpu.memory_space<vmem_shared>>) dst(%arg11 : memref<64xi32, #tpu.memory_space<vmem>>)
      tpu.yield
    }) : () -> ()
    %dma_start3A_33 = arith.constant 0 : i32
    %dma_start3A_34 = arith.constant 0 : i32
    %dma_start3A_35 = tpu.memref_slice %arg4[%dma_start3A_33, %dma_start3A_34] : memref<2048x768xf32, #tpu.memory_space<hbm>> -> memref<2048x768xf32, #tpu.memory_space<hbm>>
    tpu.enqueue_indirect_dma source(%dma_start3A_35 : memref<2048x768xf32, #tpu.memory_space<hbm>>) target(%arg13 : memref<64x768xf32, #tpu.memory_space<vmem>>) offsets(%arg11 : memref<64xi32, #tpu.memory_space<vmem>>) semaphore(%arg16 : memref<!tpu.dma_semaphore, #tpu.memory_space<semaphore_mem>>)
    %dma_wait3A_36 = arith.constant 0 : i32
    %dma_wait3A_37 = arith.constant 0 : i32
    %dma_wait3A_38 = tpu.memref_slice %arg4[%dma_wait3A_36, %dma_wait3A_37] : memref<2048x768xf32, #tpu.memory_space<hbm>> -> memref<2048x768xf32, #tpu.memory_space<hbm>>
    tpu.wait_indirect_dma semaphore(%arg16 : memref<!tpu.dma_semaphore, #tpu.memory_space<semaphore_mem>>) src(%dma_wait3A_38 : memref<2048x768xf32, #tpu.memory_space<hbm>>) dst(%arg13 : memref<64x768xf32, #tpu.memory_space<vmem>>)
    %add3A_39 = arith.constant 128 : i32
    %add3A_40 = arith.addi %mul3A_4, %add3A_39 : i32
    %dma_start3A_41 = arith.constant 0 : i32
    %dma_start3A_42 = tpu.memref_slice %arg5[%add3A_40, %dma_start3A_41] : memref<6144x768xf32, #tpu.memory_space<hbm>> -> memref<64x768xf32, #tpu.memory_space<hbm>>
    %dma_start3A_43 = arith.constant 0 : i32
    %dma_start3A_44 = tpu.memref_slice %arg5[%add3A_40, %dma_start3A_43] : memref<6144x768xf32, #tpu.memory_space<hbm>> -> memref<64x768xf32, #tpu.memory_space<hbm>>
    tpu.enqueue_dma source(%arg13 : memref<64x768xf32, #tpu.memory_space<vmem>>) target(%dma_start3A_44 : memref<64x768xf32, #tpu.memory_space<hbm>>) target_semaphore(%arg17 : memref<!tpu.dma_semaphore, #tpu.memory_space<semaphore_mem>>)
    %dma_wait3A_45 = arith.constant 0 : i32
    %dma_wait3A_46 = tpu.memref_slice %arg5[%add3A_22, %dma_wait3A_45] : memref<6144x768xf32, #tpu.memory_space<hbm>> -> memref<64x768xf32, #tpu.memory_space<hbm>>
    %dma_wait3A_47 = arith.constant 0 : i32
    %dma_wait3A_48 = tpu.memref_slice %arg5[%add3A_22, %dma_wait3A_47] : memref<6144x768xf32, #tpu.memory_space<hbm>> -> memref<64x768xf32, #tpu.memory_space<hbm>>
    tpu.wait_dma2 semaphore(%arg17 : memref<!tpu.dma_semaphore, #tpu.memory_space<semaphore_mem>>) src(%arg14 : memref<64x768xf32, #tpu.memory_space<vmem>>) dst(%dma_wait3A_48 : memref<64x768xf32, #tpu.memory_space<hbm>>)
    %dma_wait3A_49 = arith.constant 0 : i32
    %dma_wait3A_50 = tpu.memref_slice %arg5[%add3A_40, %dma_wait3A_49] : memref<6144x768xf32, #tpu.memory_space<hbm>> -> memref<64x768xf32, #tpu.memory_space<hbm>>
    %dma_wait3A_51 = arith.constant 0 : i32
    %dma_wait3A_52 = tpu.memref_slice %arg5[%add3A_40, %dma_wait3A_51] : memref<6144x768xf32, #tpu.memory_space<hbm>> -> memref<64x768xf32, #tpu.memory_space<hbm>>
    tpu.wait_dma2 semaphore(%arg17 : memref<!tpu.dma_semaphore, #tpu.memory_space<semaphore_mem>>) src(%arg13 : memref<64x768xf32, #tpu.memory_space<vmem>>) dst(%dma_wait3A_52 : memref<64x768xf32, #tpu.memory_space<hbm>>)
    return
  }
}

module attributes {stable_mosaic.version = 14 : i64} {
  func.func @_router_body(%arg0: memref<2048x768xf32, #tpu.memory_space<vmem>>, %arg1: memref<8x768xf32, #tpu.memory_space<vmem>>, %arg2: memref<2048x2xi32, #tpu.memory_space<vmem>>, %arg3: memref<2048x2xf32, #tpu.memory_space<vmem>>, %arg4: memref<1x128xi32, #tpu.memory_space<vmem>>, %arg5: memref<1x128xi32, #tpu.memory_space<vmem>>) attributes {dimension_semantics = [], scalar_prefetch = 0 : i64, scratch_operands = 0 : i64, tpu.core_type = #tpu.core_type<tc>} {
    %get3A = arith.constant 0 : index
    %get3A_0 = arith.constant 0 : index
    %get3A_1 = vector.load %arg0[%get3A, %get3A_0] : memref<2048x768xf32, #tpu.memory_space<vmem>>, vector<2048x768xf32>
    %get3A_2 = arith.constant 0 : index
    %get3A_3 = arith.constant 0 : index
    %get3A_4 = vector.load %arg1[%get3A_2, %get3A_3] : memref<8x768xf32, #tpu.memory_space<vmem>>, vector<8x768xf32>
    %dot_general3A = arith.constant dense<0.000000e+00> : vector<2048x8xf32>
    %dot_general3A_5 = tpu.matmul %get3A_1, %get3A_4, %dot_general3A {dimension_numbers = #tpu.dot_dimension_numbers<[1], [1], [0], [0], [0, 0, 1, 0], [], []>, transpose_lhs_hint = false} : vector<2048x768xf32>, vector<8x768xf32>, vector<2048x8xf32> -> vector<2048x8xf32>
    %reduce_max3A = arith.constant dense<0xFF800000> : vector<2048xf32>
    %reduce_max3A_6 = vector.multi_reduction <maximumf>, %dot_general3A_5, %reduce_max3A [1] : vector<2048x8xf32> to vector<2048xf32>
    %broadcast_in_dim3A = vector.shape_cast %reduce_max3A_6 : vector<2048xf32> to vector<2048x1xf32>
    %sub3A = vector.broadcast %broadcast_in_dim3A : vector<2048x1xf32> to vector<2048x8xf32>
    %sub3A_7 = arith.subf %dot_general3A_5, %sub3A : vector<2048x8xf32>
    %exp3A = math.exp %sub3A_7 : vector<2048x8xf32>
    %reduce_sum3A = arith.constant dense<0.000000e+00> : vector<2048xf32>
    %reduce_sum3A_8 = vector.multi_reduction <add>, %exp3A, %reduce_sum3A [1] : vector<2048x8xf32> to vector<2048xf32>
    %broadcast_in_dim3A_9 = vector.shape_cast %reduce_sum3A_8 : vector<2048xf32> to vector<2048x1xf32>
    %div3A = vector.broadcast %broadcast_in_dim3A_9 : vector<2048x1xf32> to vector<2048x8xf32>
    %div3A_10 = arith.divf %exp3A, %div3A : vector<2048x8xf32>
    %iota3A = tpu.iota {dimensions = array<i32: 1>} : vector<2048x8xi32>
    %reduce_max3A_11 = arith.constant dense<0xFF800000> : vector<2048xf32>
    %reduce_max3A_12 = vector.multi_reduction <maximumf>, %div3A_10, %reduce_max3A_11 [1] : vector<2048x8xf32> to vector<2048xf32>
    %broadcast_in_dim3A_13 = vector.shape_cast %reduce_max3A_12 : vector<2048xf32> to vector<2048x1xf32>
    %eq3A = vector.broadcast %broadcast_in_dim3A_13 : vector<2048x1xf32> to vector<2048x8xf32>
    %eq3A_14 = arith.cmpf oeq, %div3A_10, %eq3A : vector<2048x8xf32>
    %jit3A = arith.constant 8 : i32
    %broadcast_in_dim3A_15 = vector.broadcast %jit3A : i32 to vector<2048x8xi32>
    %select_n3A = arith.select %eq3A_14, %iota3A, %broadcast_in_dim3A_15 : vector<2048x8xi1>, vector<2048x8xi32>
    %reduce_min3A = arith.constant dense<2147483647> : vector<2048xi32>
    %reduce_min3A_16 = vector.multi_reduction <minsi>, %select_n3A, %reduce_min3A [1] : vector<2048x8xi32> to vector<2048xi32>
    %broadcast_in_dim3A_17 = vector.shape_cast %reduce_min3A_16 : vector<2048xi32> to vector<2048x1xi32>
    %eq3A_18 = vector.broadcast %broadcast_in_dim3A_17 : vector<2048x1xi32> to vector<2048x8xi32>
    %eq3A_19 = arith.cmpi eq, %iota3A, %eq3A_18 : vector<2048x8xi32>
    %jit3A_20 = arith.constant 0xFF800000 : f32
    %broadcast_in_dim3A_21 = vector.broadcast %jit3A_20 : f32 to vector<2048x8xf32>
    %select_n3A_22 = arith.select %eq3A_19, %broadcast_in_dim3A_21, %div3A_10 : vector<2048x8xi1>, vector<2048x8xf32>
    %reduce_max3A_23 = arith.constant dense<0xFF800000> : vector<2048xf32>
    %reduce_max3A_24 = vector.multi_reduction <maximumf>, %select_n3A_22, %reduce_max3A_23 [1] : vector<2048x8xf32> to vector<2048xf32>
    %broadcast_in_dim3A_25 = vector.shape_cast %reduce_max3A_24 : vector<2048xf32> to vector<2048x1xf32>
    %eq3A_26 = vector.broadcast %broadcast_in_dim3A_25 : vector<2048x1xf32> to vector<2048x8xf32>
    %eq3A_27 = arith.cmpf oeq, %select_n3A_22, %eq3A_26 : vector<2048x8xf32>
    %jit3A_28 = arith.constant 8 : i32
    %broadcast_in_dim3A_29 = vector.broadcast %jit3A_28 : i32 to vector<2048x8xi32>
    %select_n3A_30 = arith.select %eq3A_27, %iota3A, %broadcast_in_dim3A_29 : vector<2048x8xi1>, vector<2048x8xi32>
    %reduce_min3A_31 = arith.constant dense<2147483647> : vector<2048xi32>
    %reduce_min3A_32 = vector.multi_reduction <minsi>, %select_n3A_30, %reduce_min3A_31 [1] : vector<2048x8xi32> to vector<2048xi32>
    %broadcast_in_dim3A_33 = vector.shape_cast %reduce_min3A_32 : vector<2048xi32> to vector<2048x1xi32>
    %add3A = arith.addf %broadcast_in_dim3A_13, %broadcast_in_dim3A_25 : vector<2048x1xf32>
    %div3A_34 = arith.divf %broadcast_in_dim3A_13, %add3A : vector<2048x1xf32>
    %div3A_35 = arith.divf %broadcast_in_dim3A_25, %add3A : vector<2048x1xf32>
    %concatenate3A = tpu.concatenate %div3A_34, %div3A_35 in 1 : vector<2048x1xf32>, vector<2048x1xf32> -> vector<2048x2xf32>
    %swap3A = arith.constant 0 : index
    %swap3A_36 = arith.constant 0 : index
    %swap3A_37 = vector.load %arg3[%swap3A, %swap3A_36] : memref<2048x2xf32, #tpu.memory_space<vmem>>, vector<2048x2xf32>
    tpu.vector_store %arg3[%swap3A, %swap3A_36], %concatenate3A {strides = array<i32>} : memref<2048x2xf32, #tpu.memory_space<vmem>>, vector<2048x2xf32>,
    %eq3A_38 = vector.broadcast %broadcast_in_dim3A_17 : vector<2048x1xi32> to vector<2048x8xi32>
    %eq3A_39 = arith.cmpi eq, %iota3A, %eq3A_38 : vector<2048x8xi32>
    %convert_element_type3A = arith.extui %eq3A_39 : vector<2048x8xi1> to vector<2048x8xi32>
    %eq3A_40 = vector.broadcast %broadcast_in_dim3A_33 : vector<2048x1xi32> to vector<2048x8xi32>
    %eq3A_41 = arith.cmpi eq, %iota3A, %eq3A_40 : vector<2048x8xi32>
    %convert_element_type3A_42 = arith.extui %eq3A_41 : vector<2048x8xi1> to vector<2048x8xi32>
    %add3A_43 = arith.addi %convert_element_type3A, %convert_element_type3A_42 : vector<2048x8xi32>
    %broadcast_in_dim3A_44 = arith.constant 0 : i32
    %broadcast_in_dim3A_45 = vector.broadcast %broadcast_in_dim3A_44 : i32 to vector<1x8xi32>
    %slice3A = vector.extract_strided_slice %add3A_43 {offsets = [0, 0], sizes = [2047, 8], strides = [1, 1]} : vector<2048x8xi32> to vector<2047x8xi32>
    %concatenate3A_46 = tpu.concatenate %broadcast_in_dim3A_45, %slice3A in 0 : vector<1x8xi32>, vector<2047x8xi32> -> vector<2048x8xi32>
    %add3A_47 = arith.addi %add3A_43, %concatenate3A_46 : vector<2048x8xi32>
    %broadcast_in_dim3A_48 = arith.constant 0 : i32
    %broadcast_in_dim3A_49 = vector.broadcast %broadcast_in_dim3A_48 : i32 to vector<2x8xi32>
    %slice3A_50 = vector.extract_strided_slice %add3A_47 {offsets = [0, 0], sizes = [2046, 8], strides = [1, 1]} : vector<2048x8xi32> to vector<2046x8xi32>
    %concatenate3A_51 = tpu.concatenate %broadcast_in_dim3A_49, %slice3A_50 in 0 : vector<2x8xi32>, vector<2046x8xi32> -> vector<2048x8xi32>
    %add3A_52 = arith.addi %add3A_47, %concatenate3A_51 : vector<2048x8xi32>
    %broadcast_in_dim3A_53 = arith.constant 0 : i32
    %broadcast_in_dim3A_54 = vector.broadcast %broadcast_in_dim3A_53 : i32 to vector<4x8xi32>
    %slice3A_55 = vector.extract_strided_slice %add3A_52 {offsets = [0, 0], sizes = [2044, 8], strides = [1, 1]} : vector<2048x8xi32> to vector<2044x8xi32>
    %concatenate3A_56 = tpu.concatenate %broadcast_in_dim3A_54, %slice3A_55 in 0 : vector<4x8xi32>, vector<2044x8xi32> -> vector<2048x8xi32>
    %add3A_57 = arith.addi %add3A_52, %concatenate3A_56 : vector<2048x8xi32>
    %broadcast_in_dim3A_58 = arith.constant 0 : i32
    %broadcast_in_dim3A_59 = vector.broadcast %broadcast_in_dim3A_58 : i32 to vector<8x8xi32>
    %slice3A_60 = vector.extract_strided_slice %add3A_57 {offsets = [0, 0], sizes = [2040, 8], strides = [1, 1]} : vector<2048x8xi32> to vector<2040x8xi32>
    %concatenate3A_61 = tpu.concatenate %broadcast_in_dim3A_59, %slice3A_60 in 0 : vector<8x8xi32>, vector<2040x8xi32> -> vector<2048x8xi32>
    %add3A_62 = arith.addi %add3A_57, %concatenate3A_61 : vector<2048x8xi32>
    %broadcast_in_dim3A_63 = arith.constant 0 : i32
    %broadcast_in_dim3A_64 = vector.broadcast %broadcast_in_dim3A_63 : i32 to vector<16x8xi32>
    %slice3A_65 = vector.extract_strided_slice %add3A_62 {offsets = [0, 0], sizes = [2032, 8], strides = [1, 1]} : vector<2048x8xi32> to vector<2032x8xi32>
    %concatenate3A_66 = tpu.concatenate %broadcast_in_dim3A_64, %slice3A_65 in 0 : vector<16x8xi32>, vector<2032x8xi32> -> vector<2048x8xi32>
    %add3A_67 = arith.addi %add3A_62, %concatenate3A_66 : vector<2048x8xi32>
    %broadcast_in_dim3A_68 = arith.constant 0 : i32
    %broadcast_in_dim3A_69 = vector.broadcast %broadcast_in_dim3A_68 : i32 to vector<32x8xi32>
    %slice3A_70 = vector.extract_strided_slice %add3A_67 {offsets = [0, 0], sizes = [2016, 8], strides = [1, 1]} : vector<2048x8xi32> to vector<2016x8xi32>
    %concatenate3A_71 = tpu.concatenate %broadcast_in_dim3A_69, %slice3A_70 in 0 : vector<32x8xi32>, vector<2016x8xi32> -> vector<2048x8xi32>
    %add3A_72 = arith.addi %add3A_67, %concatenate3A_71 : vector<2048x8xi32>
    %broadcast_in_dim3A_73 = arith.constant 0 : i32
    %broadcast_in_dim3A_74 = vector.broadcast %broadcast_in_dim3A_73 : i32 to vector<64x8xi32>
    %slice3A_75 = vector.extract_strided_slice %add3A_72 {offsets = [0, 0], sizes = [1984, 8], strides = [1, 1]} : vector<2048x8xi32> to vector<1984x8xi32>
    %concatenate3A_76 = tpu.concatenate %broadcast_in_dim3A_74, %slice3A_75 in 0 : vector<64x8xi32>, vector<1984x8xi32> -> vector<2048x8xi32>
    %add3A_77 = arith.addi %add3A_72, %concatenate3A_76 : vector<2048x8xi32>
    %broadcast_in_dim3A_78 = arith.constant 0 : i32
    %broadcast_in_dim3A_79 = vector.broadcast %broadcast_in_dim3A_78 : i32 to vector<128x8xi32>
    %slice3A_80 = vector.extract_strided_slice %add3A_77 {offsets = [0, 0], sizes = [1920, 8], strides = [1, 1]} : vector<2048x8xi32> to vector<1920x8xi32>
    %concatenate3A_81 = tpu.concatenate %broadcast_in_dim3A_79, %slice3A_80 in 0 : vector<128x8xi32>, vector<1920x8xi32> -> vector<2048x8xi32>
    %add3A_82 = arith.addi %add3A_77, %concatenate3A_81 : vector<2048x8xi32>
    %broadcast_in_dim3A_83 = arith.constant 0 : i32
    %broadcast_in_dim3A_84 = vector.broadcast %broadcast_in_dim3A_83 : i32 to vector<256x8xi32>
    %slice3A_85 = vector.extract_strided_slice %add3A_82 {offsets = [0, 0], sizes = [1792, 8], strides = [1, 1]} : vector<2048x8xi32> to vector<1792x8xi32>
    %concatenate3A_86 = tpu.concatenate %broadcast_in_dim3A_84, %slice3A_85 in 0 : vector<256x8xi32>, vector<1792x8xi32> -> vector<2048x8xi32>
    %add3A_87 = arith.addi %add3A_82, %concatenate3A_86 : vector<2048x8xi32>
    %broadcast_in_dim3A_88 = arith.constant 0 : i32
    %broadcast_in_dim3A_89 = vector.broadcast %broadcast_in_dim3A_88 : i32 to vector<512x8xi32>
    %slice3A_90 = vector.extract_strided_slice %add3A_87 {offsets = [0, 0], sizes = [1536, 8], strides = [1, 1]} : vector<2048x8xi32> to vector<1536x8xi32>
    %concatenate3A_91 = tpu.concatenate %broadcast_in_dim3A_89, %slice3A_90 in 0 : vector<512x8xi32>, vector<1536x8xi32> -> vector<2048x8xi32>
    %add3A_92 = arith.addi %add3A_87, %concatenate3A_91 : vector<2048x8xi32>
    %broadcast_in_dim3A_93 = arith.constant 0 : i32
    %broadcast_in_dim3A_94 = vector.broadcast %broadcast_in_dim3A_93 : i32 to vector<1024x8xi32>
    %slice3A_95 = vector.extract_strided_slice %add3A_92 {offsets = [0, 0], sizes = [1024, 8], strides = [1, 1]} : vector<2048x8xi32> to vector<1024x8xi32>
    %concatenate3A_96 = tpu.concatenate %broadcast_in_dim3A_94, %slice3A_95 in 0 : vector<1024x8xi32>, vector<1024x8xi32> -> vector<2048x8xi32>
    %add3A_97 = arith.addi %add3A_92, %concatenate3A_96 : vector<2048x8xi32>
    %slice3A_98 = vector.extract_strided_slice %add3A_97 {offsets = [2047, 0], sizes = [1, 8], strides = [1, 1]} : vector<2048x8xi32> to vector<1x8xi32>
    %sub3A_99 = arith.subi %add3A_97, %add3A_43 : vector<2048x8xi32>
    %add3A_100 = arith.constant 256 : i32
    %add3A_101 = vector.broadcast %add3A_100 : i32 to vector<1x8xi32>
    %add3A_102 = arith.addi %slice3A_98, %add3A_101 : vector<1x8xi32>
    %sub3A_103 = arith.constant 1 : i32
    %sub3A_104 = vector.broadcast %sub3A_103 : i32 to vector<1x8xi32>
    %sub3A_105 = arith.subi %add3A_102, %sub3A_104 : vector<1x8xi32>
    %jit3A_106 = arith.constant 256 : i32
    %div3A_107 = vector.broadcast %jit3A_106 : i32 to vector<1x8xi32>
    %div3A_108 = arith.divsi %sub3A_105, %div3A_107 : vector<1x8xi32>
    %sign3A = arith.constant 0 : i32
    %sign3A_109 = vector.broadcast %sign3A : i32 to vector<1x8xi32>
    %sign3A_110 = arith.cmpi sgt, %sub3A_105, %sign3A_109 : vector<1x8xi32>
    %sign3A_111 = arith.extui %sign3A_110 : vector<1x8xi1> to vector<1x8xi32>
    %sign3A_112 = arith.constant 0 : i32
    %sign3A_113 = vector.broadcast %sign3A_112 : i32 to vector<1x8xi32>
    %sign3A_114 = arith.cmpi slt, %sub3A_105, %sign3A_113 : vector<1x8xi32>
    %sign3A_115 = arith.extui %sign3A_114 : vector<1x8xi1> to vector<1x8xi32>
    %sign3A_116 = arith.subi %sign3A_111, %sign3A_115 : vector<1x8xi32>
    %sign3A_117 = arith.constant 0 : i32
    %sign3A_118 = arith.cmpi sgt, %jit3A_106, %sign3A_117 : i32
    %sign3A_119 = arith.extui %sign3A_118 : i1 to i32
    %sign3A_120 = arith.constant 0 : i32
    %sign3A_121 = arith.cmpi slt, %jit3A_106, %sign3A_120 : i32
    %sign3A_122 = arith.extui %sign3A_121 : i1 to i32
    %sign3A_123 = arith.subi %sign3A_119, %sign3A_122 : i32
    %ne3A = vector.broadcast %sign3A_123 : i32 to vector<1x8xi32>
    %ne3A_124 = arith.cmpi ne, %sign3A_116, %ne3A : vector<1x8xi32>
    %rem3A = vector.broadcast %jit3A_106 : i32 to vector<1x8xi32>
    %rem3A_125 = arith.remsi %sub3A_105, %rem3A : vector<1x8xi32>
    %ne3A_126 = arith.constant 0 : i32
    %ne3A_127 = vector.broadcast %ne3A_126 : i32 to vector<1x8xi32>
    %ne3A_128 = arith.cmpi ne, %rem3A_125, %ne3A_127 : vector<1x8xi32>
    %and3A = arith.andi %ne3A_124, %ne3A_128 : vector<1x8xi1>
    %sub3A_129 = arith.constant 1 : i32
    %sub3A_130 = vector.broadcast %sub3A_129 : i32 to vector<1x8xi32>
    %sub3A_131 = arith.subi %div3A_108, %sub3A_130 : vector<1x8xi32>
    %select_n3A_132 = arith.select %and3A, %sub3A_131, %div3A_108 : vector<1x8xi1>, vector<1x8xi32>
    %mul3A = arith.constant 256 : i32
    %mul3A_133 = vector.broadcast %mul3A : i32 to vector<1x8xi32>
    %mul3A_134 = arith.muli %select_n3A_132, %mul3A_133 : vector<1x8xi32>
    %broadcast_in_dim3A_135 = arith.constant 0 : i32
    %broadcast_in_dim3A_136 = vector.broadcast %broadcast_in_dim3A_135 : i32 to vector<1x1xi32>
    %slice3A_137 = vector.extract_strided_slice %mul3A_134 {offsets = [0, 0], sizes = [1, 7], strides = [1, 1]} : vector<1x8xi32> to vector<1x7xi32>
    %concatenate3A_138 = tpu.concatenate %broadcast_in_dim3A_136, %slice3A_137 in 1 : vector<1x1xi32>, vector<1x7xi32> -> vector<1x8xi32>
    %add3A_139 = arith.addi %mul3A_134, %concatenate3A_138 : vector<1x8xi32>
    %broadcast_in_dim3A_140 = arith.constant 0 : i32
    %broadcast_in_dim3A_141 = vector.broadcast %broadcast_in_dim3A_140 : i32 to vector<1x2xi32>
    %slice3A_142 = vector.extract_strided_slice %add3A_139 {offsets = [0, 0], sizes = [1, 6], strides = [1, 1]} : vector<1x8xi32> to vector<1x6xi32>
    %concatenate3A_143 = tpu.concatenate %broadcast_in_dim3A_141, %slice3A_142 in 1 : vector<1x2xi32>, vector<1x6xi32> -> vector<1x8xi32>
    %add3A_144 = arith.addi %add3A_139, %concatenate3A_143 : vector<1x8xi32>
    %broadcast_in_dim3A_145 = arith.constant 0 : i32
    %broadcast_in_dim3A_146 = vector.broadcast %broadcast_in_dim3A_145 : i32 to vector<1x4xi32>
    %slice3A_147 = vector.extract_strided_slice %add3A_144 {offsets = [0, 0], sizes = [1, 4], strides = [1, 1]} : vector<1x8xi32> to vector<1x4xi32>
    %concatenate3A_148 = tpu.concatenate %broadcast_in_dim3A_146, %slice3A_147 in 1 : vector<1x4xi32>, vector<1x4xi32> -> vector<1x8xi32>
    %add3A_149 = arith.addi %add3A_144, %concatenate3A_148 : vector<1x8xi32>
    %sub3A_150 = arith.subi %add3A_149, %mul3A_134 : vector<1x8xi32>
    %add3A_151 = vector.broadcast %sub3A_150 : vector<1x8xi32> to vector<2048x8xi32>
    %add3A_152 = arith.addi %add3A_151, %sub3A_99 : vector<2048x8xi32>
    %mul3A_153 = arith.muli %convert_element_type3A, %add3A_152 : vector<2048x8xi32>
    %reduce_sum3A_154 = arith.constant dense<0> : vector<2048xi32>
    %reduce_sum3A_155 = vector.multi_reduction <add>, %mul3A_153, %reduce_sum3A_154 [1] : vector<2048x8xi32> to vector<2048xi32>
    %broadcast_in_dim3A_156 = vector.shape_cast %reduce_sum3A_155 : vector<2048xi32> to vector<2048x1xi32>
    %add3A_157 = vector.broadcast %sub3A_150 : vector<1x8xi32> to vector<2048x8xi32>
    %add3A_158 = arith.addi %add3A_157, %sub3A_99 : vector<2048x8xi32>
    %mul3A_159 = arith.muli %convert_element_type3A_42, %add3A_158 : vector<2048x8xi32>
    %reduce_sum3A_160 = arith.constant dense<0> : vector<2048xi32>
    %reduce_sum3A_161 = vector.multi_reduction <add>, %mul3A_159, %reduce_sum3A_160 [1] : vector<2048x8xi32> to vector<2048xi32>
    %broadcast_in_dim3A_162 = vector.shape_cast %reduce_sum3A_161 : vector<2048xi32> to vector<2048x1xi32>
    %concatenate3A_163 = tpu.concatenate %broadcast_in_dim3A_156, %broadcast_in_dim3A_162 in 1 : vector<2048x1xi32>, vector<2048x1xi32> -> vector<2048x2xi32>
    %swap3A_164 = arith.constant 0 : index
    %swap3A_165 = arith.constant 0 : index
    %swap3A_166 = vector.load %arg2[%swap3A_164, %swap3A_165] : memref<2048x2xi32, #tpu.memory_space<vmem>>, vector<2048x2xi32>
    tpu.vector_store %arg2[%swap3A_164, %swap3A_165], %concatenate3A_163 {strides = array<i32>} : memref<2048x2xi32, #tpu.memory_space<vmem>>, vector<2048x2xi32>,
    %iota3A_167 = tpu.iota {dimensions = array<i32: 1>} : vector<1x128xi32>
    %broadcast_in_dim3A_168 = arith.constant 0 : i32
    %broadcast_in_dim3A_169 = vector.broadcast %broadcast_in_dim3A_168 : i32 to vector<1x128xi32>
    %broadcast_in_dim3A_170 = arith.constant 0 : i32
    %broadcast_in_dim3A_171 = vector.broadcast %broadcast_in_dim3A_170 : i32 to vector<1x128xi32>
    %slice3A_172 = vector.extract_strided_slice %sub3A_150 {offsets = [0, 0], sizes = [1, 1], strides = [1, 1]} : vector<1x8xi32> to vector<1x1xi32>
    %jit3A_173 = arith.constant 256 : i32
    %div3A_174 = vector.broadcast %jit3A_173 : i32 to vector<1x1xi32>
    %div3A_175 = arith.divsi %slice3A_172, %div3A_174 : vector<1x1xi32>
    %sign3A_176 = arith.constant 0 : i32
    %sign3A_177 = vector.broadcast %sign3A_176 : i32 to vector<1x1xi32>
    %sign3A_178 = arith.cmpi sgt, %slice3A_172, %sign3A_177 : vector<1x1xi32>
    %sign3A_179 = arith.extui %sign3A_178 : vector<1x1xi1> to vector<1x1xi32>
    %sign3A_180 = arith.constant 0 : i32
    %sign3A_181 = vector.broadcast %sign3A_180 : i32 to vector<1x1xi32>
    %sign3A_182 = arith.cmpi slt, %slice3A_172, %sign3A_181 : vector<1x1xi32>
    %sign3A_183 = arith.extui %sign3A_182 : vector<1x1xi1> to vector<1x1xi32>
    %sign3A_184 = arith.subi %sign3A_179, %sign3A_183 : vector<1x1xi32>
    %sign3A_185 = arith.constant 0 : i32
    %sign3A_186 = arith.cmpi sgt, %jit3A_173, %sign3A_185 : i32
    %sign3A_187 = arith.extui %sign3A_186 : i1 to i32
    %sign3A_188 = arith.constant 0 : i32
    %sign3A_189 = arith.cmpi slt, %jit3A_173, %sign3A_188 : i32
    %sign3A_190 = arith.extui %sign3A_189 : i1 to i32
    %sign3A_191 = arith.subi %sign3A_187, %sign3A_190 : i32
    %ne3A_192 = vector.broadcast %sign3A_191 : i32 to vector<1x1xi32>
    %ne3A_193 = arith.cmpi ne, %sign3A_184, %ne3A_192 : vector<1x1xi32>
    %rem3A_194 = vector.broadcast %jit3A_173 : i32 to vector<1x1xi32>
    %rem3A_195 = arith.remsi %slice3A_172, %rem3A_194 : vector<1x1xi32>
    %ne3A_196 = arith.constant 0 : i32
    %ne3A_197 = vector.broadcast %ne3A_196 : i32 to vector<1x1xi32>
    %ne3A_198 = arith.cmpi ne, %rem3A_195, %ne3A_197 : vector<1x1xi32>
    %and3A_199 = arith.andi %ne3A_193, %ne3A_198 : vector<1x1xi1>
    %sub3A_200 = arith.constant 1 : i32
    %sub3A_201 = vector.broadcast %sub3A_200 : i32 to vector<1x1xi32>
    %sub3A_202 = arith.subi %div3A_175, %sub3A_201 : vector<1x1xi32>
    %select_n3A_203 = arith.select %and3A_199, %sub3A_202, %div3A_175 : vector<1x1xi1>, vector<1x1xi32>
    %slice3A_204 = vector.extract_strided_slice %sub3A_150 {offsets = [0, 0], sizes = [1, 1], strides = [1, 1]} : vector<1x8xi32> to vector<1x1xi32>
    %slice3A_205 = vector.extract_strided_slice %mul3A_134 {offsets = [0, 0], sizes = [1, 1], strides = [1, 1]} : vector<1x8xi32> to vector<1x1xi32>
    %add3A_206 = arith.addi %slice3A_204, %slice3A_205 : vector<1x1xi32>
    %jit3A_207 = arith.constant 256 : i32
    %div3A_208 = vector.broadcast %jit3A_207 : i32 to vector<1x1xi32>
    %div3A_209 = arith.divsi %add3A_206, %div3A_208 : vector<1x1xi32>
    %sign3A_210 = arith.constant 0 : i32
    %sign3A_211 = vector.broadcast %sign3A_210 : i32 to vector<1x1xi32>
    %sign3A_212 = arith.cmpi sgt, %add3A_206, %sign3A_211 : vector<1x1xi32>
    %sign3A_213 = arith.extui %sign3A_212 : vector<1x1xi1> to vector<1x1xi32>
    %sign3A_214 = arith.constant 0 : i32
    %sign3A_215 = vector.broadcast %sign3A_214 : i32 to vector<1x1xi32>
    %sign3A_216 = arith.cmpi slt, %add3A_206, %sign3A_215 : vector<1x1xi32>
    %sign3A_217 = arith.extui %sign3A_216 : vector<1x1xi1> to vector<1x1xi32>
    %sign3A_218 = arith.subi %sign3A_213, %sign3A_217 : vector<1x1xi32>
    %sign3A_219 = arith.constant 0 : i32
    %sign3A_220 = arith.cmpi sgt, %jit3A_207, %sign3A_219 : i32
    %sign3A_221 = arith.extui %sign3A_220 : i1 to i32
    %sign3A_222 = arith.constant 0 : i32
    %sign3A_223 = arith.cmpi slt, %jit3A_207, %sign3A_222 : i32
    %sign3A_224 = arith.extui %sign3A_223 : i1 to i32
    %sign3A_225 = arith.subi %sign3A_221, %sign3A_224 : i32
    %ne3A_226 = vector.broadcast %sign3A_225 : i32 to vector<1x1xi32>
    %ne3A_227 = arith.cmpi ne, %sign3A_218, %ne3A_226 : vector<1x1xi32>
    %rem3A_228 = vector.broadcast %jit3A_207 : i32 to vector<1x1xi32>
    %rem3A_229 = arith.remsi %add3A_206, %rem3A_228 : vector<1x1xi32>
    %ne3A_230 = arith.constant 0 : i32
    %ne3A_231 = vector.broadcast %ne3A_230 : i32 to vector<1x1xi32>
    %ne3A_232 = arith.cmpi ne, %rem3A_229, %ne3A_231 : vector<1x1xi32>
    %and3A_233 = arith.andi %ne3A_227, %ne3A_232 : vector<1x1xi1>
    %sub3A_234 = arith.constant 1 : i32
    %sub3A_235 = vector.broadcast %sub3A_234 : i32 to vector<1x1xi32>
    %sub3A_236 = arith.subi %div3A_209, %sub3A_235 : vector<1x1xi32>
    %select_n3A_237 = arith.select %and3A_233, %sub3A_236, %div3A_209 : vector<1x1xi1>, vector<1x1xi32>
    %ge3A = vector.broadcast %select_n3A_203 : vector<1x1xi32> to vector<1x128xi32>
    %ge3A_238 = arith.cmpi sge, %iota3A_167, %ge3A : vector<1x128xi32>
    %lt3A = vector.broadcast %select_n3A_237 : vector<1x1xi32> to vector<1x128xi32>
    %lt3A_239 = arith.cmpi slt, %iota3A_167, %lt3A : vector<1x128xi32>
    %and3A_240 = arith.andi %ge3A_238, %lt3A_239 : vector<1x128xi1>
    %jit3A_241 = arith.constant 0 : i32
    %broadcast_in_dim3A_242 = vector.broadcast %jit3A_241 : i32 to vector<1x128xi32>
    %select_n3A_243 = arith.select %and3A_240, %broadcast_in_dim3A_242, %broadcast_in_dim3A_169 : vector<1x128xi1>, vector<1x128xi32>
    %convert_element_type3A_244 = arith.extui %and3A_240 : vector<1x128xi1> to vector<1x128xi32>
    %or3A = arith.ori %broadcast_in_dim3A_171, %convert_element_type3A_244 : vector<1x128xi32>
    %slice3A_245 = vector.extract_strided_slice %sub3A_150 {offsets = [0, 1], sizes = [1, 1], strides = [1, 1]} : vector<1x8xi32> to vector<1x1xi32>
    %jit3A_246 = arith.constant 256 : i32
    %div3A_247 = vector.broadcast %jit3A_246 : i32 to vector<1x1xi32>
    %div3A_248 = arith.divsi %slice3A_245, %div3A_247 : vector<1x1xi32>
    %sign3A_249 = arith.constant 0 : i32
    %sign3A_250 = vector.broadcast %sign3A_249 : i32 to vector<1x1xi32>
    %sign3A_251 = arith.cmpi sgt, %slice3A_245, %sign3A_250 : vector<1x1xi32>
    %sign3A_252 = arith.extui %sign3A_251 : vector<1x1xi1> to vector<1x1xi32>
    %sign3A_253 = arith.constant 0 : i32
    %sign3A_254 = vector.broadcast %sign3A_253 : i32 to vector<1x1xi32>
    %sign3A_255 = arith.cmpi slt, %slice3A_245, %sign3A_254 : vector<1x1xi32>
    %sign3A_256 = arith.extui %sign3A_255 : vector<1x1xi1> to vector<1x1xi32>
    %sign3A_257 = arith.subi %sign3A_252, %sign3A_256 : vector<1x1xi32>
    %sign3A_258 = arith.constant 0 : i32
    %sign3A_259 = arith.cmpi sgt, %jit3A_246, %sign3A_258 : i32
    %sign3A_260 = arith.extui %sign3A_259 : i1 to i32
    %sign3A_261 = arith.constant 0 : i32
    %sign3A_262 = arith.cmpi slt, %jit3A_246, %sign3A_261 : i32
    %sign3A_263 = arith.extui %sign3A_262 : i1 to i32
    %sign3A_264 = arith.subi %sign3A_260, %sign3A_263 : i32
    %ne3A_265 = vector.broadcast %sign3A_264 : i32 to vector<1x1xi32>
    %ne3A_266 = arith.cmpi ne, %sign3A_257, %ne3A_265 : vector<1x1xi32>
    %rem3A_267 = vector.broadcast %jit3A_246 : i32 to vector<1x1xi32>
    %rem3A_268 = arith.remsi %slice3A_245, %rem3A_267 : vector<1x1xi32>
    %ne3A_269 = arith.constant 0 : i32
    %ne3A_270 = vector.broadcast %ne3A_269 : i32 to vector<1x1xi32>
    %ne3A_271 = arith.cmpi ne, %rem3A_268, %ne3A_270 : vector<1x1xi32>
    %and3A_272 = arith.andi %ne3A_266, %ne3A_271 : vector<1x1xi1>
    %sub3A_273 = arith.constant 1 : i32
    %sub3A_274 = vector.broadcast %sub3A_273 : i32 to vector<1x1xi32>
    %sub3A_275 = arith.subi %div3A_248, %sub3A_274 : vector<1x1xi32>
    %select_n3A_276 = arith.select %and3A_272, %sub3A_275, %div3A_248 : vector<1x1xi1>, vector<1x1xi32>
    %slice3A_277 = vector.extract_strided_slice %sub3A_150 {offsets = [0, 1], sizes = [1, 1], strides = [1, 1]} : vector<1x8xi32> to vector<1x1xi32>
    %slice3A_278 = vector.extract_strided_slice %mul3A_134 {offsets = [0, 1], sizes = [1, 1], strides = [1, 1]} : vector<1x8xi32> to vector<1x1xi32>
    %add3A_279 = arith.addi %slice3A_277, %slice3A_278 : vector<1x1xi32>
    %jit3A_280 = arith.constant 256 : i32
    %div3A_281 = vector.broadcast %jit3A_280 : i32 to vector<1x1xi32>
    %div3A_282 = arith.divsi %add3A_279, %div3A_281 : vector<1x1xi32>
    %sign3A_283 = arith.constant 0 : i32
    %sign3A_284 = vector.broadcast %sign3A_283 : i32 to vector<1x1xi32>
    %sign3A_285 = arith.cmpi sgt, %add3A_279, %sign3A_284 : vector<1x1xi32>
    %sign3A_286 = arith.extui %sign3A_285 : vector<1x1xi1> to vector<1x1xi32>
    %sign3A_287 = arith.constant 0 : i32
    %sign3A_288 = vector.broadcast %sign3A_287 : i32 to vector<1x1xi32>
    %sign3A_289 = arith.cmpi slt, %add3A_279, %sign3A_288 : vector<1x1xi32>
    %sign3A_290 = arith.extui %sign3A_289 : vector<1x1xi1> to vector<1x1xi32>
    %sign3A_291 = arith.subi %sign3A_286, %sign3A_290 : vector<1x1xi32>
    %sign3A_292 = arith.constant 0 : i32
    %sign3A_293 = arith.cmpi sgt, %jit3A_280, %sign3A_292 : i32
    %sign3A_294 = arith.extui %sign3A_293 : i1 to i32
    %sign3A_295 = arith.constant 0 : i32
    %sign3A_296 = arith.cmpi slt, %jit3A_280, %sign3A_295 : i32
    %sign3A_297 = arith.extui %sign3A_296 : i1 to i32
    %sign3A_298 = arith.subi %sign3A_294, %sign3A_297 : i32
    %ne3A_299 = vector.broadcast %sign3A_298 : i32 to vector<1x1xi32>
    %ne3A_300 = arith.cmpi ne, %sign3A_291, %ne3A_299 : vector<1x1xi32>
    %rem3A_301 = vector.broadcast %jit3A_280 : i32 to vector<1x1xi32>
    %rem3A_302 = arith.remsi %add3A_279, %rem3A_301 : vector<1x1xi32>
    %ne3A_303 = arith.constant 0 : i32
    %ne3A_304 = vector.broadcast %ne3A_303 : i32 to vector<1x1xi32>
    %ne3A_305 = arith.cmpi ne, %rem3A_302, %ne3A_304 : vector<1x1xi32>
    %and3A_306 = arith.andi %ne3A_300, %ne3A_305 : vector<1x1xi1>
    %sub3A_307 = arith.constant 1 : i32
    %sub3A_308 = vector.broadcast %sub3A_307 : i32 to vector<1x1xi32>
    %sub3A_309 = arith.subi %div3A_282, %sub3A_308 : vector<1x1xi32>
    %select_n3A_310 = arith.select %and3A_306, %sub3A_309, %div3A_282 : vector<1x1xi1>, vector<1x1xi32>
    %ge3A_311 = vector.broadcast %select_n3A_276 : vector<1x1xi32> to vector<1x128xi32>
    %ge3A_312 = arith.cmpi sge, %iota3A_167, %ge3A_311 : vector<1x128xi32>
    %lt3A_313 = vector.broadcast %select_n3A_310 : vector<1x1xi32> to vector<1x128xi32>
    %lt3A_314 = arith.cmpi slt, %iota3A_167, %lt3A_313 : vector<1x128xi32>
    %and3A_315 = arith.andi %ge3A_312, %lt3A_314 : vector<1x128xi1>
    %jit3A_316 = arith.constant 1 : i32
    %broadcast_in_dim3A_317 = vector.broadcast %jit3A_316 : i32 to vector<1x128xi32>
    %select_n3A_318 = arith.select %and3A_315, %broadcast_in_dim3A_317, %select_n3A_243 : vector<1x128xi1>, vector<1x128xi32>
    %convert_element_type3A_319 = arith.extui %and3A_315 : vector<1x128xi1> to vector<1x128xi32>
    %or3A_320 = arith.ori %or3A, %convert_element_type3A_319 : vector<1x128xi32>
    %slice3A_321 = vector.extract_strided_slice %sub3A_150 {offsets = [0, 2], sizes = [1, 1], strides = [1, 1]} : vector<1x8xi32> to vector<1x1xi32>
    %jit3A_322 = arith.constant 256 : i32
    %div3A_323 = vector.broadcast %jit3A_322 : i32 to vector<1x1xi32>
    %div3A_324 = arith.divsi %slice3A_321, %div3A_323 : vector<1x1xi32>
    %sign3A_325 = arith.constant 0 : i32
    %sign3A_326 = vector.broadcast %sign3A_325 : i32 to vector<1x1xi32>
    %sign3A_327 = arith.cmpi sgt, %slice3A_321, %sign3A_326 : vector<1x1xi32>
    %sign3A_328 = arith.extui %sign3A_327 : vector<1x1xi1> to vector<1x1xi32>
    %sign3A_329 = arith.constant 0 : i32
    %sign3A_330 = vector.broadcast %sign3A_329 : i32 to vector<1x1xi32>
    %sign3A_331 = arith.cmpi slt, %slice3A_321, %sign3A_330 : vector<1x1xi32>
    %sign3A_332 = arith.extui %sign3A_331 : vector<1x1xi1> to vector<1x1xi32>
    %sign3A_333 = arith.subi %sign3A_328, %sign3A_332 : vector<1x1xi32>
    %sign3A_334 = arith.constant 0 : i32
    %sign3A_335 = arith.cmpi sgt, %jit3A_322, %sign3A_334 : i32
    %sign3A_336 = arith.extui %sign3A_335 : i1 to i32
    %sign3A_337 = arith.constant 0 : i32
    %sign3A_338 = arith.cmpi slt, %jit3A_322, %sign3A_337 : i32
    %sign3A_339 = arith.extui %sign3A_338 : i1 to i32
    %sign3A_340 = arith.subi %sign3A_336, %sign3A_339 : i32
    %ne3A_341 = vector.broadcast %sign3A_340 : i32 to vector<1x1xi32>
    %ne3A_342 = arith.cmpi ne, %sign3A_333, %ne3A_341 : vector<1x1xi32>
    %rem3A_343 = vector.broadcast %jit3A_322 : i32 to vector<1x1xi32>
    %rem3A_344 = arith.remsi %slice3A_321, %rem3A_343 : vector<1x1xi32>
    %ne3A_345 = arith.constant 0 : i32
    %ne3A_346 = vector.broadcast %ne3A_345 : i32 to vector<1x1xi32>
    %ne3A_347 = arith.cmpi ne, %rem3A_344, %ne3A_346 : vector<1x1xi32>
    %and3A_348 = arith.andi %ne3A_342, %ne3A_347 : vector<1x1xi1>
    %sub3A_349 = arith.constant 1 : i32
    %sub3A_350 = vector.broadcast %sub3A_349 : i32 to vector<1x1xi32>
    %sub3A_351 = arith.subi %div3A_324, %sub3A_350 : vector<1x1xi32>
    %select_n3A_352 = arith.select %and3A_348, %sub3A_351, %div3A_324 : vector<1x1xi1>, vector<1x1xi32>
    %slice3A_353 = vector.extract_strided_slice %sub3A_150 {offsets = [0, 2], sizes = [1, 1], strides = [1, 1]} : vector<1x8xi32> to vector<1x1xi32>
    %slice3A_354 = vector.extract_strided_slice %mul3A_134 {offsets = [0, 2], sizes = [1, 1], strides = [1, 1]} : vector<1x8xi32> to vector<1x1xi32>
    %add3A_355 = arith.addi %slice3A_353, %slice3A_354 : vector<1x1xi32>
    %jit3A_356 = arith.constant 256 : i32
    %div3A_357 = vector.broadcast %jit3A_356 : i32 to vector<1x1xi32>
    %div3A_358 = arith.divsi %add3A_355, %div3A_357 : vector<1x1xi32>
    %sign3A_359 = arith.constant 0 : i32
    %sign3A_360 = vector.broadcast %sign3A_359 : i32 to vector<1x1xi32>
    %sign3A_361 = arith.cmpi sgt, %add3A_355, %sign3A_360 : vector<1x1xi32>
    %sign3A_362 = arith.extui %sign3A_361 : vector<1x1xi1> to vector<1x1xi32>
    %sign3A_363 = arith.constant 0 : i32
    %sign3A_364 = vector.broadcast %sign3A_363 : i32 to vector<1x1xi32>
    %sign3A_365 = arith.cmpi slt, %add3A_355, %sign3A_364 : vector<1x1xi32>
    %sign3A_366 = arith.extui %sign3A_365 : vector<1x1xi1> to vector<1x1xi32>
    %sign3A_367 = arith.subi %sign3A_362, %sign3A_366 : vector<1x1xi32>
    %sign3A_368 = arith.constant 0 : i32
    %sign3A_369 = arith.cmpi sgt, %jit3A_356, %sign3A_368 : i32
    %sign3A_370 = arith.extui %sign3A_369 : i1 to i32
    %sign3A_371 = arith.constant 0 : i32
    %sign3A_372 = arith.cmpi slt, %jit3A_356, %sign3A_371 : i32
    %sign3A_373 = arith.extui %sign3A_372 : i1 to i32
    %sign3A_374 = arith.subi %sign3A_370, %sign3A_373 : i32
    %ne3A_375 = vector.broadcast %sign3A_374 : i32 to vector<1x1xi32>
    %ne3A_376 = arith.cmpi ne, %sign3A_367, %ne3A_375 : vector<1x1xi32>
    %rem3A_377 = vector.broadcast %jit3A_356 : i32 to vector<1x1xi32>
    %rem3A_378 = arith.remsi %add3A_355, %rem3A_377 : vector<1x1xi32>
    %ne3A_379 = arith.constant 0 : i32
    %ne3A_380 = vector.broadcast %ne3A_379 : i32 to vector<1x1xi32>
    %ne3A_381 = arith.cmpi ne, %rem3A_378, %ne3A_380 : vector<1x1xi32>
    %and3A_382 = arith.andi %ne3A_376, %ne3A_381 : vector<1x1xi1>
    %sub3A_383 = arith.constant 1 : i32
    %sub3A_384 = vector.broadcast %sub3A_383 : i32 to vector<1x1xi32>
    %sub3A_385 = arith.subi %div3A_358, %sub3A_384 : vector<1x1xi32>
    %select_n3A_386 = arith.select %and3A_382, %sub3A_385, %div3A_358 : vector<1x1xi1>, vector<1x1xi32>
    %ge3A_387 = vector.broadcast %select_n3A_352 : vector<1x1xi32> to vector<1x128xi32>
    %ge3A_388 = arith.cmpi sge, %iota3A_167, %ge3A_387 : vector<1x128xi32>
    %lt3A_389 = vector.broadcast %select_n3A_386 : vector<1x1xi32> to vector<1x128xi32>
    %lt3A_390 = arith.cmpi slt, %iota3A_167, %lt3A_389 : vector<1x128xi32>
    %and3A_391 = arith.andi %ge3A_388, %lt3A_390 : vector<1x128xi1>
    %jit3A_392 = arith.constant 2 : i32
    %broadcast_in_dim3A_393 = vector.broadcast %jit3A_392 : i32 to vector<1x128xi32>
    %select_n3A_394 = arith.select %and3A_391, %broadcast_in_dim3A_393, %select_n3A_318 : vector<1x128xi1>, vector<1x128xi32>
    %convert_element_type3A_395 = arith.extui %and3A_391 : vector<1x128xi1> to vector<1x128xi32>
    %or3A_396 = arith.ori %or3A_320, %convert_element_type3A_395 : vector<1x128xi32>
    %slice3A_397 = vector.extract_strided_slice %sub3A_150 {offsets = [0, 3], sizes = [1, 1], strides = [1, 1]} : vector<1x8xi32> to vector<1x1xi32>
    %jit3A_398 = arith.constant 256 : i32
    %div3A_399 = vector.broadcast %jit3A_398 : i32 to vector<1x1xi32>
    %div3A_400 = arith.divsi %slice3A_397, %div3A_399 : vector<1x1xi32>
    %sign3A_401 = arith.constant 0 : i32
    %sign3A_402 = vector.broadcast %sign3A_401 : i32 to vector<1x1xi32>
    %sign3A_403 = arith.cmpi sgt, %slice3A_397, %sign3A_402 : vector<1x1xi32>
    %sign3A_404 = arith.extui %sign3A_403 : vector<1x1xi1> to vector<1x1xi32>
    %sign3A_405 = arith.constant 0 : i32
    %sign3A_406 = vector.broadcast %sign3A_405 : i32 to vector<1x1xi32>
    %sign3A_407 = arith.cmpi slt, %slice3A_397, %sign3A_406 : vector<1x1xi32>
    %sign3A_408 = arith.extui %sign3A_407 : vector<1x1xi1> to vector<1x1xi32>
    %sign3A_409 = arith.subi %sign3A_404, %sign3A_408 : vector<1x1xi32>
    %sign3A_410 = arith.constant 0 : i32
    %sign3A_411 = arith.cmpi sgt, %jit3A_398, %sign3A_410 : i32
    %sign3A_412 = arith.extui %sign3A_411 : i1 to i32
    %sign3A_413 = arith.constant 0 : i32
    %sign3A_414 = arith.cmpi slt, %jit3A_398, %sign3A_413 : i32
    %sign3A_415 = arith.extui %sign3A_414 : i1 to i32
    %sign3A_416 = arith.subi %sign3A_412, %sign3A_415 : i32
    %ne3A_417 = vector.broadcast %sign3A_416 : i32 to vector<1x1xi32>
    %ne3A_418 = arith.cmpi ne, %sign3A_409, %ne3A_417 : vector<1x1xi32>
    %rem3A_419 = vector.broadcast %jit3A_398 : i32 to vector<1x1xi32>
    %rem3A_420 = arith.remsi %slice3A_397, %rem3A_419 : vector<1x1xi32>
    %ne3A_421 = arith.constant 0 : i32
    %ne3A_422 = vector.broadcast %ne3A_421 : i32 to vector<1x1xi32>
    %ne3A_423 = arith.cmpi ne, %rem3A_420, %ne3A_422 : vector<1x1xi32>
    %and3A_424 = arith.andi %ne3A_418, %ne3A_423 : vector<1x1xi1>
    %sub3A_425 = arith.constant 1 : i32
    %sub3A_426 = vector.broadcast %sub3A_425 : i32 to vector<1x1xi32>
    %sub3A_427 = arith.subi %div3A_400, %sub3A_426 : vector<1x1xi32>
    %select_n3A_428 = arith.select %and3A_424, %sub3A_427, %div3A_400 : vector<1x1xi1>, vector<1x1xi32>
    %slice3A_429 = vector.extract_strided_slice %sub3A_150 {offsets = [0, 3], sizes = [1, 1], strides = [1, 1]} : vector<1x8xi32> to vector<1x1xi32>
    %slice3A_430 = vector.extract_strided_slice %mul3A_134 {offsets = [0, 3], sizes = [1, 1], strides = [1, 1]} : vector<1x8xi32> to vector<1x1xi32>
    %add3A_431 = arith.addi %slice3A_429, %slice3A_430 : vector<1x1xi32>
    %jit3A_432 = arith.constant 256 : i32
    %div3A_433 = vector.broadcast %jit3A_432 : i32 to vector<1x1xi32>
    %div3A_434 = arith.divsi %add3A_431, %div3A_433 : vector<1x1xi32>
    %sign3A_435 = arith.constant 0 : i32
    %sign3A_436 = vector.broadcast %sign3A_435 : i32 to vector<1x1xi32>
    %sign3A_437 = arith.cmpi sgt, %add3A_431, %sign3A_436 : vector<1x1xi32>
    %sign3A_438 = arith.extui %sign3A_437 : vector<1x1xi1> to vector<1x1xi32>
    %sign3A_439 = arith.constant 0 : i32
    %sign3A_440 = vector.broadcast %sign3A_439 : i32 to vector<1x1xi32>
    %sign3A_441 = arith.cmpi slt, %add3A_431, %sign3A_440 : vector<1x1xi32>
    %sign3A_442 = arith.extui %sign3A_441 : vector<1x1xi1> to vector<1x1xi32>
    %sign3A_443 = arith.subi %sign3A_438, %sign3A_442 : vector<1x1xi32>
    %sign3A_444 = arith.constant 0 : i32
    %sign3A_445 = arith.cmpi sgt, %jit3A_432, %sign3A_444 : i32
    %sign3A_446 = arith.extui %sign3A_445 : i1 to i32
    %sign3A_447 = arith.constant 0 : i32
    %sign3A_448 = arith.cmpi slt, %jit3A_432, %sign3A_447 : i32
    %sign3A_449 = arith.extui %sign3A_448 : i1 to i32
    %sign3A_450 = arith.subi %sign3A_446, %sign3A_449 : i32
    %ne3A_451 = vector.broadcast %sign3A_450 : i32 to vector<1x1xi32>
    %ne3A_452 = arith.cmpi ne, %sign3A_443, %ne3A_451 : vector<1x1xi32>
    %rem3A_453 = vector.broadcast %jit3A_432 : i32 to vector<1x1xi32>
    %rem3A_454 = arith.remsi %add3A_431, %rem3A_453 : vector<1x1xi32>
    %ne3A_455 = arith.constant 0 : i32
    %ne3A_456 = vector.broadcast %ne3A_455 : i32 to vector<1x1xi32>
    %ne3A_457 = arith.cmpi ne, %rem3A_454, %ne3A_456 : vector<1x1xi32>
    %and3A_458 = arith.andi %ne3A_452, %ne3A_457 : vector<1x1xi1>
    %sub3A_459 = arith.constant 1 : i32
    %sub3A_460 = vector.broadcast %sub3A_459 : i32 to vector<1x1xi32>
    %sub3A_461 = arith.subi %div3A_434, %sub3A_460 : vector<1x1xi32>
    %select_n3A_462 = arith.select %and3A_458, %sub3A_461, %div3A_434 : vector<1x1xi1>, vector<1x1xi32>
    %ge3A_463 = vector.broadcast %select_n3A_428 : vector<1x1xi32> to vector<1x128xi32>
    %ge3A_464 = arith.cmpi sge, %iota3A_167, %ge3A_463 : vector<1x128xi32>
    %lt3A_465 = vector.broadcast %select_n3A_462 : vector<1x1xi32> to vector<1x128xi32>
    %lt3A_466 = arith.cmpi slt, %iota3A_167, %lt3A_465 : vector<1x128xi32>
    %and3A_467 = arith.andi %ge3A_464, %lt3A_466 : vector<1x128xi1>
    %jit3A_468 = arith.constant 3 : i32
    %broadcast_in_dim3A_469 = vector.broadcast %jit3A_468 : i32 to vector<1x128xi32>
    %select_n3A_470 = arith.select %and3A_467, %broadcast_in_dim3A_469, %select_n3A_394 : vector<1x128xi1>, vector<1x128xi32>
    %convert_element_type3A_471 = arith.extui %and3A_467 : vector<1x128xi1> to vector<1x128xi32>
    %or3A_472 = arith.ori %or3A_396, %convert_element_type3A_471 : vector<1x128xi32>
    %slice3A_473 = vector.extract_strided_slice %sub3A_150 {offsets = [0, 4], sizes = [1, 1], strides = [1, 1]} : vector<1x8xi32> to vector<1x1xi32>
    %jit3A_474 = arith.constant 256 : i32
    %div3A_475 = vector.broadcast %jit3A_474 : i32 to vector<1x1xi32>
    %div3A_476 = arith.divsi %slice3A_473, %div3A_475 : vector<1x1xi32>
    %sign3A_477 = arith.constant 0 : i32
    %sign3A_478 = vector.broadcast %sign3A_477 : i32 to vector<1x1xi32>
    %sign3A_479 = arith.cmpi sgt, %slice3A_473, %sign3A_478 : vector<1x1xi32>
    %sign3A_480 = arith.extui %sign3A_479 : vector<1x1xi1> to vector<1x1xi32>
    %sign3A_481 = arith.constant 0 : i32
    %sign3A_482 = vector.broadcast %sign3A_481 : i32 to vector<1x1xi32>
    %sign3A_483 = arith.cmpi slt, %slice3A_473, %sign3A_482 : vector<1x1xi32>
    %sign3A_484 = arith.extui %sign3A_483 : vector<1x1xi1> to vector<1x1xi32>
    %sign3A_485 = arith.subi %sign3A_480, %sign3A_484 : vector<1x1xi32>
    %sign3A_486 = arith.constant 0 : i32
    %sign3A_487 = arith.cmpi sgt, %jit3A_474, %sign3A_486 : i32
    %sign3A_488 = arith.extui %sign3A_487 : i1 to i32
    %sign3A_489 = arith.constant 0 : i32
    %sign3A_490 = arith.cmpi slt, %jit3A_474, %sign3A_489 : i32
    %sign3A_491 = arith.extui %sign3A_490 : i1 to i32
    %sign3A_492 = arith.subi %sign3A_488, %sign3A_491 : i32
    %ne3A_493 = vector.broadcast %sign3A_492 : i32 to vector<1x1xi32>
    %ne3A_494 = arith.cmpi ne, %sign3A_485, %ne3A_493 : vector<1x1xi32>
    %rem3A_495 = vector.broadcast %jit3A_474 : i32 to vector<1x1xi32>
    %rem3A_496 = arith.remsi %slice3A_473, %rem3A_495 : vector<1x1xi32>
    %ne3A_497 = arith.constant 0 : i32
    %ne3A_498 = vector.broadcast %ne3A_497 : i32 to vector<1x1xi32>
    %ne3A_499 = arith.cmpi ne, %rem3A_496, %ne3A_498 : vector<1x1xi32>
    %and3A_500 = arith.andi %ne3A_494, %ne3A_499 : vector<1x1xi1>
    %sub3A_501 = arith.constant 1 : i32
    %sub3A_502 = vector.broadcast %sub3A_501 : i32 to vector<1x1xi32>
    %sub3A_503 = arith.subi %div3A_476, %sub3A_502 : vector<1x1xi32>
    %select_n3A_504 = arith.select %and3A_500, %sub3A_503, %div3A_476 : vector<1x1xi1>, vector<1x1xi32>
    %slice3A_505 = vector.extract_strided_slice %sub3A_150 {offsets = [0, 4], sizes = [1, 1], strides = [1, 1]} : vector<1x8xi32> to vector<1x1xi32>
    %slice3A_506 = vector.extract_strided_slice %mul3A_134 {offsets = [0, 4], sizes = [1, 1], strides = [1, 1]} : vector<1x8xi32> to vector<1x1xi32>
    %add3A_507 = arith.addi %slice3A_505, %slice3A_506 : vector<1x1xi32>
    %jit3A_508 = arith.constant 256 : i32
    %div3A_509 = vector.broadcast %jit3A_508 : i32 to vector<1x1xi32>
    %div3A_510 = arith.divsi %add3A_507, %div3A_509 : vector<1x1xi32>
    %sign3A_511 = arith.constant 0 : i32
    %sign3A_512 = vector.broadcast %sign3A_511 : i32 to vector<1x1xi32>
    %sign3A_513 = arith.cmpi sgt, %add3A_507, %sign3A_512 : vector<1x1xi32>
    %sign3A_514 = arith.extui %sign3A_513 : vector<1x1xi1> to vector<1x1xi32>
    %sign3A_515 = arith.constant 0 : i32
    %sign3A_516 = vector.broadcast %sign3A_515 : i32 to vector<1x1xi32>
    %sign3A_517 = arith.cmpi slt, %add3A_507, %sign3A_516 : vector<1x1xi32>
    %sign3A_518 = arith.extui %sign3A_517 : vector<1x1xi1> to vector<1x1xi32>
    %sign3A_519 = arith.subi %sign3A_514, %sign3A_518 : vector<1x1xi32>
    %sign3A_520 = arith.constant 0 : i32
    %sign3A_521 = arith.cmpi sgt, %jit3A_508, %sign3A_520 : i32
    %sign3A_522 = arith.extui %sign3A_521 : i1 to i32
    %sign3A_523 = arith.constant 0 : i32
    %sign3A_524 = arith.cmpi slt, %jit3A_508, %sign3A_523 : i32
    %sign3A_525 = arith.extui %sign3A_524 : i1 to i32
    %sign3A_526 = arith.subi %sign3A_522, %sign3A_525 : i32
    %ne3A_527 = vector.broadcast %sign3A_526 : i32 to vector<1x1xi32>
    %ne3A_528 = arith.cmpi ne, %sign3A_519, %ne3A_527 : vector<1x1xi32>
    %rem3A_529 = vector.broadcast %jit3A_508 : i32 to vector<1x1xi32>
    %rem3A_530 = arith.remsi %add3A_507, %rem3A_529 : vector<1x1xi32>
    %ne3A_531 = arith.constant 0 : i32
    %ne3A_532 = vector.broadcast %ne3A_531 : i32 to vector<1x1xi32>
    %ne3A_533 = arith.cmpi ne, %rem3A_530, %ne3A_532 : vector<1x1xi32>
    %and3A_534 = arith.andi %ne3A_528, %ne3A_533 : vector<1x1xi1>
    %sub3A_535 = arith.constant 1 : i32
    %sub3A_536 = vector.broadcast %sub3A_535 : i32 to vector<1x1xi32>
    %sub3A_537 = arith.subi %div3A_510, %sub3A_536 : vector<1x1xi32>
    %select_n3A_538 = arith.select %and3A_534, %sub3A_537, %div3A_510 : vector<1x1xi1>, vector<1x1xi32>
    %ge3A_539 = vector.broadcast %select_n3A_504 : vector<1x1xi32> to vector<1x128xi32>
    %ge3A_540 = arith.cmpi sge, %iota3A_167, %ge3A_539 : vector<1x128xi32>
    %lt3A_541 = vector.broadcast %select_n3A_538 : vector<1x1xi32> to vector<1x128xi32>
    %lt3A_542 = arith.cmpi slt, %iota3A_167, %lt3A_541 : vector<1x128xi32>
    %and3A_543 = arith.andi %ge3A_540, %lt3A_542 : vector<1x128xi1>
    %jit3A_544 = arith.constant 4 : i32
    %broadcast_in_dim3A_545 = vector.broadcast %jit3A_544 : i32 to vector<1x128xi32>
    %select_n3A_546 = arith.select %and3A_543, %broadcast_in_dim3A_545, %select_n3A_470 : vector<1x128xi1>, vector<1x128xi32>
    %convert_element_type3A_547 = arith.extui %and3A_543 : vector<1x128xi1> to vector<1x128xi32>
    %or3A_548 = arith.ori %or3A_472, %convert_element_type3A_547 : vector<1x128xi32>
    %slice3A_549 = vector.extract_strided_slice %sub3A_150 {offsets = [0, 5], sizes = [1, 1], strides = [1, 1]} : vector<1x8xi32> to vector<1x1xi32>
    %jit3A_550 = arith.constant 256 : i32
    %div3A_551 = vector.broadcast %jit3A_550 : i32 to vector<1x1xi32>
    %div3A_552 = arith.divsi %slice3A_549, %div3A_551 : vector<1x1xi32>
    %sign3A_553 = arith.constant 0 : i32
    %sign3A_554 = vector.broadcast %sign3A_553 : i32 to vector<1x1xi32>
    %sign3A_555 = arith.cmpi sgt, %slice3A_549, %sign3A_554 : vector<1x1xi32>
    %sign3A_556 = arith.extui %sign3A_555 : vector<1x1xi1> to vector<1x1xi32>
    %sign3A_557 = arith.constant 0 : i32
    %sign3A_558 = vector.broadcast %sign3A_557 : i32 to vector<1x1xi32>
    %sign3A_559 = arith.cmpi slt, %slice3A_549, %sign3A_558 : vector<1x1xi32>
    %sign3A_560 = arith.extui %sign3A_559 : vector<1x1xi1> to vector<1x1xi32>
    %sign3A_561 = arith.subi %sign3A_556, %sign3A_560 : vector<1x1xi32>
    %sign3A_562 = arith.constant 0 : i32
    %sign3A_563 = arith.cmpi sgt, %jit3A_550, %sign3A_562 : i32
    %sign3A_564 = arith.extui %sign3A_563 : i1 to i32
    %sign3A_565 = arith.constant 0 : i32
    %sign3A_566 = arith.cmpi slt, %jit3A_550, %sign3A_565 : i32
    %sign3A_567 = arith.extui %sign3A_566 : i1 to i32
    %sign3A_568 = arith.subi %sign3A_564, %sign3A_567 : i32
    %ne3A_569 = vector.broadcast %sign3A_568 : i32 to vector<1x1xi32>
    %ne3A_570 = arith.cmpi ne, %sign3A_561, %ne3A_569 : vector<1x1xi32>
    %rem3A_571 = vector.broadcast %jit3A_550 : i32 to vector<1x1xi32>
    %rem3A_572 = arith.remsi %slice3A_549, %rem3A_571 : vector<1x1xi32>
    %ne3A_573 = arith.constant 0 : i32
    %ne3A_574 = vector.broadcast %ne3A_573 : i32 to vector<1x1xi32>
    %ne3A_575 = arith.cmpi ne, %rem3A_572, %ne3A_574 : vector<1x1xi32>
    %and3A_576 = arith.andi %ne3A_570, %ne3A_575 : vector<1x1xi1>
    %sub3A_577 = arith.constant 1 : i32
    %sub3A_578 = vector.broadcast %sub3A_577 : i32 to vector<1x1xi32>
    %sub3A_579 = arith.subi %div3A_552, %sub3A_578 : vector<1x1xi32>
    %select_n3A_580 = arith.select %and3A_576, %sub3A_579, %div3A_552 : vector<1x1xi1>, vector<1x1xi32>
    %slice3A_581 = vector.extract_strided_slice %sub3A_150 {offsets = [0, 5], sizes = [1, 1], strides = [1, 1]} : vector<1x8xi32> to vector<1x1xi32>
    %slice3A_582 = vector.extract_strided_slice %mul3A_134 {offsets = [0, 5], sizes = [1, 1], strides = [1, 1]} : vector<1x8xi32> to vector<1x1xi32>
    %add3A_583 = arith.addi %slice3A_581, %slice3A_582 : vector<1x1xi32>
    %jit3A_584 = arith.constant 256 : i32
    %div3A_585 = vector.broadcast %jit3A_584 : i32 to vector<1x1xi32>
    %div3A_586 = arith.divsi %add3A_583, %div3A_585 : vector<1x1xi32>
    %sign3A_587 = arith.constant 0 : i32
    %sign3A_588 = vector.broadcast %sign3A_587 : i32 to vector<1x1xi32>
    %sign3A_589 = arith.cmpi sgt, %add3A_583, %sign3A_588 : vector<1x1xi32>
    %sign3A_590 = arith.extui %sign3A_589 : vector<1x1xi1> to vector<1x1xi32>
    %sign3A_591 = arith.constant 0 : i32
    %sign3A_592 = vector.broadcast %sign3A_591 : i32 to vector<1x1xi32>
    %sign3A_593 = arith.cmpi slt, %add3A_583, %sign3A_592 : vector<1x1xi32>
    %sign3A_594 = arith.extui %sign3A_593 : vector<1x1xi1> to vector<1x1xi32>
    %sign3A_595 = arith.subi %sign3A_590, %sign3A_594 : vector<1x1xi32>
    %sign3A_596 = arith.constant 0 : i32
    %sign3A_597 = arith.cmpi sgt, %jit3A_584, %sign3A_596 : i32
    %sign3A_598 = arith.extui %sign3A_597 : i1 to i32
    %sign3A_599 = arith.constant 0 : i32
    %sign3A_600 = arith.cmpi slt, %jit3A_584, %sign3A_599 : i32
    %sign3A_601 = arith.extui %sign3A_600 : i1 to i32
    %sign3A_602 = arith.subi %sign3A_598, %sign3A_601 : i32
    %ne3A_603 = vector.broadcast %sign3A_602 : i32 to vector<1x1xi32>
    %ne3A_604 = arith.cmpi ne, %sign3A_595, %ne3A_603 : vector<1x1xi32>
    %rem3A_605 = vector.broadcast %jit3A_584 : i32 to vector<1x1xi32>
    %rem3A_606 = arith.remsi %add3A_583, %rem3A_605 : vector<1x1xi32>
    %ne3A_607 = arith.constant 0 : i32
    %ne3A_608 = vector.broadcast %ne3A_607 : i32 to vector<1x1xi32>
    %ne3A_609 = arith.cmpi ne, %rem3A_606, %ne3A_608 : vector<1x1xi32>
    %and3A_610 = arith.andi %ne3A_604, %ne3A_609 : vector<1x1xi1>
    %sub3A_611 = arith.constant 1 : i32
    %sub3A_612 = vector.broadcast %sub3A_611 : i32 to vector<1x1xi32>
    %sub3A_613 = arith.subi %div3A_586, %sub3A_612 : vector<1x1xi32>
    %select_n3A_614 = arith.select %and3A_610, %sub3A_613, %div3A_586 : vector<1x1xi1>, vector<1x1xi32>
    %ge3A_615 = vector.broadcast %select_n3A_580 : vector<1x1xi32> to vector<1x128xi32>
    %ge3A_616 = arith.cmpi sge, %iota3A_167, %ge3A_615 : vector<1x128xi32>
    %lt3A_617 = vector.broadcast %select_n3A_614 : vector<1x1xi32> to vector<1x128xi32>
    %lt3A_618 = arith.cmpi slt, %iota3A_167, %lt3A_617 : vector<1x128xi32>
    %and3A_619 = arith.andi %ge3A_616, %lt3A_618 : vector<1x128xi1>
    %jit3A_620 = arith.constant 5 : i32
    %broadcast_in_dim3A_621 = vector.broadcast %jit3A_620 : i32 to vector<1x128xi32>
    %select_n3A_622 = arith.select %and3A_619, %broadcast_in_dim3A_621, %select_n3A_546 : vector<1x128xi1>, vector<1x128xi32>
    %convert_element_type3A_623 = arith.extui %and3A_619 : vector<1x128xi1> to vector<1x128xi32>
    %or3A_624 = arith.ori %or3A_548, %convert_element_type3A_623 : vector<1x128xi32>
    %slice3A_625 = vector.extract_strided_slice %sub3A_150 {offsets = [0, 6], sizes = [1, 1], strides = [1, 1]} : vector<1x8xi32> to vector<1x1xi32>
    %jit3A_626 = arith.constant 256 : i32
    %div3A_627 = vector.broadcast %jit3A_626 : i32 to vector<1x1xi32>
    %div3A_628 = arith.divsi %slice3A_625, %div3A_627 : vector<1x1xi32>
    %sign3A_629 = arith.constant 0 : i32
    %sign3A_630 = vector.broadcast %sign3A_629 : i32 to vector<1x1xi32>
    %sign3A_631 = arith.cmpi sgt, %slice3A_625, %sign3A_630 : vector<1x1xi32>
    %sign3A_632 = arith.extui %sign3A_631 : vector<1x1xi1> to vector<1x1xi32>
    %sign3A_633 = arith.constant 0 : i32
    %sign3A_634 = vector.broadcast %sign3A_633 : i32 to vector<1x1xi32>
    %sign3A_635 = arith.cmpi slt, %slice3A_625, %sign3A_634 : vector<1x1xi32>
    %sign3A_636 = arith.extui %sign3A_635 : vector<1x1xi1> to vector<1x1xi32>
    %sign3A_637 = arith.subi %sign3A_632, %sign3A_636 : vector<1x1xi32>
    %sign3A_638 = arith.constant 0 : i32
    %sign3A_639 = arith.cmpi sgt, %jit3A_626, %sign3A_638 : i32
    %sign3A_640 = arith.extui %sign3A_639 : i1 to i32
    %sign3A_641 = arith.constant 0 : i32
    %sign3A_642 = arith.cmpi slt, %jit3A_626, %sign3A_641 : i32
    %sign3A_643 = arith.extui %sign3A_642 : i1 to i32
    %sign3A_644 = arith.subi %sign3A_640, %sign3A_643 : i32
    %ne3A_645 = vector.broadcast %sign3A_644 : i32 to vector<1x1xi32>
    %ne3A_646 = arith.cmpi ne, %sign3A_637, %ne3A_645 : vector<1x1xi32>
    %rem3A_647 = vector.broadcast %jit3A_626 : i32 to vector<1x1xi32>
    %rem3A_648 = arith.remsi %slice3A_625, %rem3A_647 : vector<1x1xi32>
    %ne3A_649 = arith.constant 0 : i32
    %ne3A_650 = vector.broadcast %ne3A_649 : i32 to vector<1x1xi32>
    %ne3A_651 = arith.cmpi ne, %rem3A_648, %ne3A_650 : vector<1x1xi32>
    %and3A_652 = arith.andi %ne3A_646, %ne3A_651 : vector<1x1xi1>
    %sub3A_653 = arith.constant 1 : i32
    %sub3A_654 = vector.broadcast %sub3A_653 : i32 to vector<1x1xi32>
    %sub3A_655 = arith.subi %div3A_628, %sub3A_654 : vector<1x1xi32>
    %select_n3A_656 = arith.select %and3A_652, %sub3A_655, %div3A_628 : vector<1x1xi1>, vector<1x1xi32>
    %slice3A_657 = vector.extract_strided_slice %sub3A_150 {offsets = [0, 6], sizes = [1, 1], strides = [1, 1]} : vector<1x8xi32> to vector<1x1xi32>
    %slice3A_658 = vector.extract_strided_slice %mul3A_134 {offsets = [0, 6], sizes = [1, 1], strides = [1, 1]} : vector<1x8xi32> to vector<1x1xi32>
    %add3A_659 = arith.addi %slice3A_657, %slice3A_658 : vector<1x1xi32>
    %jit3A_660 = arith.constant 256 : i32
    %div3A_661 = vector.broadcast %jit3A_660 : i32 to vector<1x1xi32>
    %div3A_662 = arith.divsi %add3A_659, %div3A_661 : vector<1x1xi32>
    %sign3A_663 = arith.constant 0 : i32
    %sign3A_664 = vector.broadcast %sign3A_663 : i32 to vector<1x1xi32>
    %sign3A_665 = arith.cmpi sgt, %add3A_659, %sign3A_664 : vector<1x1xi32>
    %sign3A_666 = arith.extui %sign3A_665 : vector<1x1xi1> to vector<1x1xi32>
    %sign3A_667 = arith.constant 0 : i32
    %sign3A_668 = vector.broadcast %sign3A_667 : i32 to vector<1x1xi32>
    %sign3A_669 = arith.cmpi slt, %add3A_659, %sign3A_668 : vector<1x1xi32>
    %sign3A_670 = arith.extui %sign3A_669 : vector<1x1xi1> to vector<1x1xi32>
    %sign3A_671 = arith.subi %sign3A_666, %sign3A_670 : vector<1x1xi32>
    %sign3A_672 = arith.constant 0 : i32
    %sign3A_673 = arith.cmpi sgt, %jit3A_660, %sign3A_672 : i32
    %sign3A_674 = arith.extui %sign3A_673 : i1 to i32
    %sign3A_675 = arith.constant 0 : i32
    %sign3A_676 = arith.cmpi slt, %jit3A_660, %sign3A_675 : i32
    %sign3A_677 = arith.extui %sign3A_676 : i1 to i32
    %sign3A_678 = arith.subi %sign3A_674, %sign3A_677 : i32
    %ne3A_679 = vector.broadcast %sign3A_678 : i32 to vector<1x1xi32>
    %ne3A_680 = arith.cmpi ne, %sign3A_671, %ne3A_679 : vector<1x1xi32>
    %rem3A_681 = vector.broadcast %jit3A_660 : i32 to vector<1x1xi32>
    %rem3A_682 = arith.remsi %add3A_659, %rem3A_681 : vector<1x1xi32>
    %ne3A_683 = arith.constant 0 : i32
    %ne3A_684 = vector.broadcast %ne3A_683 : i32 to vector<1x1xi32>
    %ne3A_685 = arith.cmpi ne, %rem3A_682, %ne3A_684 : vector<1x1xi32>
    %and3A_686 = arith.andi %ne3A_680, %ne3A_685 : vector<1x1xi1>
    %sub3A_687 = arith.constant 1 : i32
    %sub3A_688 = vector.broadcast %sub3A_687 : i32 to vector<1x1xi32>
    %sub3A_689 = arith.subi %div3A_662, %sub3A_688 : vector<1x1xi32>
    %select_n3A_690 = arith.select %and3A_686, %sub3A_689, %div3A_662 : vector<1x1xi1>, vector<1x1xi32>
    %ge3A_691 = vector.broadcast %select_n3A_656 : vector<1x1xi32> to vector<1x128xi32>
    %ge3A_692 = arith.cmpi sge, %iota3A_167, %ge3A_691 : vector<1x128xi32>
    %lt3A_693 = vector.broadcast %select_n3A_690 : vector<1x1xi32> to vector<1x128xi32>
    %lt3A_694 = arith.cmpi slt, %iota3A_167, %lt3A_693 : vector<1x128xi32>
    %and3A_695 = arith.andi %ge3A_692, %lt3A_694 : vector<1x128xi1>
    %jit3A_696 = arith.constant 6 : i32
    %broadcast_in_dim3A_697 = vector.broadcast %jit3A_696 : i32 to vector<1x128xi32>
    %select_n3A_698 = arith.select %and3A_695, %broadcast_in_dim3A_697, %select_n3A_622 : vector<1x128xi1>, vector<1x128xi32>
    %convert_element_type3A_699 = arith.extui %and3A_695 : vector<1x128xi1> to vector<1x128xi32>
    %or3A_700 = arith.ori %or3A_624, %convert_element_type3A_699 : vector<1x128xi32>
    %slice3A_701 = vector.extract_strided_slice %sub3A_150 {offsets = [0, 7], sizes = [1, 1], strides = [1, 1]} : vector<1x8xi32> to vector<1x1xi32>
    %jit3A_702 = arith.constant 256 : i32
    %div3A_703 = vector.broadcast %jit3A_702 : i32 to vector<1x1xi32>
    %div3A_704 = arith.divsi %slice3A_701, %div3A_703 : vector<1x1xi32>
    %sign3A_705 = arith.constant 0 : i32
    %sign3A_706 = vector.broadcast %sign3A_705 : i32 to vector<1x1xi32>
    %sign3A_707 = arith.cmpi sgt, %slice3A_701, %sign3A_706 : vector<1x1xi32>
    %sign3A_708 = arith.extui %sign3A_707 : vector<1x1xi1> to vector<1x1xi32>
    %sign3A_709 = arith.constant 0 : i32
    %sign3A_710 = vector.broadcast %sign3A_709 : i32 to vector<1x1xi32>
    %sign3A_711 = arith.cmpi slt, %slice3A_701, %sign3A_710 : vector<1x1xi32>
    %sign3A_712 = arith.extui %sign3A_711 : vector<1x1xi1> to vector<1x1xi32>
    %sign3A_713 = arith.subi %sign3A_708, %sign3A_712 : vector<1x1xi32>
    %sign3A_714 = arith.constant 0 : i32
    %sign3A_715 = arith.cmpi sgt, %jit3A_702, %sign3A_714 : i32
    %sign3A_716 = arith.extui %sign3A_715 : i1 to i32
    %sign3A_717 = arith.constant 0 : i32
    %sign3A_718 = arith.cmpi slt, %jit3A_702, %sign3A_717 : i32
    %sign3A_719 = arith.extui %sign3A_718 : i1 to i32
    %sign3A_720 = arith.subi %sign3A_716, %sign3A_719 : i32
    %ne3A_721 = vector.broadcast %sign3A_720 : i32 to vector<1x1xi32>
    %ne3A_722 = arith.cmpi ne, %sign3A_713, %ne3A_721 : vector<1x1xi32>
    %rem3A_723 = vector.broadcast %jit3A_702 : i32 to vector<1x1xi32>
    %rem3A_724 = arith.remsi %slice3A_701, %rem3A_723 : vector<1x1xi32>
    %ne3A_725 = arith.constant 0 : i32
    %ne3A_726 = vector.broadcast %ne3A_725 : i32 to vector<1x1xi32>
    %ne3A_727 = arith.cmpi ne, %rem3A_724, %ne3A_726 : vector<1x1xi32>
    %and3A_728 = arith.andi %ne3A_722, %ne3A_727 : vector<1x1xi1>
    %sub3A_729 = arith.constant 1 : i32
    %sub3A_730 = vector.broadcast %sub3A_729 : i32 to vector<1x1xi32>
    %sub3A_731 = arith.subi %div3A_704, %sub3A_730 : vector<1x1xi32>
    %select_n3A_732 = arith.select %and3A_728, %sub3A_731, %div3A_704 : vector<1x1xi1>, vector<1x1xi32>
    %slice3A_733 = vector.extract_strided_slice %sub3A_150 {offsets = [0, 7], sizes = [1, 1], strides = [1, 1]} : vector<1x8xi32> to vector<1x1xi32>
    %slice3A_734 = vector.extract_strided_slice %mul3A_134 {offsets = [0, 7], sizes = [1, 1], strides = [1, 1]} : vector<1x8xi32> to vector<1x1xi32>
    %add3A_735 = arith.addi %slice3A_733, %slice3A_734 : vector<1x1xi32>
    %jit3A_736 = arith.constant 256 : i32
    %div3A_737 = vector.broadcast %jit3A_736 : i32 to vector<1x1xi32>
    %div3A_738 = arith.divsi %add3A_735, %div3A_737 : vector<1x1xi32>
    %sign3A_739 = arith.constant 0 : i32
    %sign3A_740 = vector.broadcast %sign3A_739 : i32 to vector<1x1xi32>
    %sign3A_741 = arith.cmpi sgt, %add3A_735, %sign3A_740 : vector<1x1xi32>
    %sign3A_742 = arith.extui %sign3A_741 : vector<1x1xi1> to vector<1x1xi32>
    %sign3A_743 = arith.constant 0 : i32
    %sign3A_744 = vector.broadcast %sign3A_743 : i32 to vector<1x1xi32>
    %sign3A_745 = arith.cmpi slt, %add3A_735, %sign3A_744 : vector<1x1xi32>
    %sign3A_746 = arith.extui %sign3A_745 : vector<1x1xi1> to vector<1x1xi32>
    %sign3A_747 = arith.subi %sign3A_742, %sign3A_746 : vector<1x1xi32>
    %sign3A_748 = arith.constant 0 : i32
    %sign3A_749 = arith.cmpi sgt, %jit3A_736, %sign3A_748 : i32
    %sign3A_750 = arith.extui %sign3A_749 : i1 to i32
    %sign3A_751 = arith.constant 0 : i32
    %sign3A_752 = arith.cmpi slt, %jit3A_736, %sign3A_751 : i32
    %sign3A_753 = arith.extui %sign3A_752 : i1 to i32
    %sign3A_754 = arith.subi %sign3A_750, %sign3A_753 : i32
    %ne3A_755 = vector.broadcast %sign3A_754 : i32 to vector<1x1xi32>
    %ne3A_756 = arith.cmpi ne, %sign3A_747, %ne3A_755 : vector<1x1xi32>
    %rem3A_757 = vector.broadcast %jit3A_736 : i32 to vector<1x1xi32>
    %rem3A_758 = arith.remsi %add3A_735, %rem3A_757 : vector<1x1xi32>
    %ne3A_759 = arith.constant 0 : i32
    %ne3A_760 = vector.broadcast %ne3A_759 : i32 to vector<1x1xi32>
    %ne3A_761 = arith.cmpi ne, %rem3A_758, %ne3A_760 : vector<1x1xi32>
    %and3A_762 = arith.andi %ne3A_756, %ne3A_761 : vector<1x1xi1>
    %sub3A_763 = arith.constant 1 : i32
    %sub3A_764 = vector.broadcast %sub3A_763 : i32 to vector<1x1xi32>
    %sub3A_765 = arith.subi %div3A_738, %sub3A_764 : vector<1x1xi32>
    %select_n3A_766 = arith.select %and3A_762, %sub3A_765, %div3A_738 : vector<1x1xi1>, vector<1x1xi32>
    %ge3A_767 = vector.broadcast %select_n3A_732 : vector<1x1xi32> to vector<1x128xi32>
    %ge3A_768 = arith.cmpi sge, %iota3A_167, %ge3A_767 : vector<1x128xi32>
    %lt3A_769 = vector.broadcast %select_n3A_766 : vector<1x1xi32> to vector<1x128xi32>
    %lt3A_770 = arith.cmpi slt, %iota3A_167, %lt3A_769 : vector<1x128xi32>
    %and3A_771 = arith.andi %ge3A_768, %lt3A_770 : vector<1x128xi1>
    %jit3A_772 = arith.constant 7 : i32
    %broadcast_in_dim3A_773 = vector.broadcast %jit3A_772 : i32 to vector<1x128xi32>
    %select_n3A_774 = arith.select %and3A_771, %broadcast_in_dim3A_773, %select_n3A_698 : vector<1x128xi1>, vector<1x128xi32>
    %convert_element_type3A_775 = arith.extui %and3A_771 : vector<1x128xi1> to vector<1x128xi32>
    %or3A_776 = arith.ori %or3A_700, %convert_element_type3A_775 : vector<1x128xi32>
    %iota3A_777 = tpu.iota {dimensions = array<i32: 1>} : vector<1x8xi32>
    %gt3A = arith.constant 0 : i32
    %gt3A_778 = vector.broadcast %gt3A : i32 to vector<1x8xi32>
    %gt3A_779 = arith.cmpi sgt, %mul3A_134, %gt3A_778 : vector<1x8xi32>
    %jit3A_780 = arith.constant 0 : i32
    %broadcast_in_dim3A_781 = vector.broadcast %jit3A_780 : i32 to vector<1x8xi32>
    %select_n3A_782 = arith.select %gt3A_779, %iota3A_777, %broadcast_in_dim3A_781 : vector<1x8xi1>, vector<1x8xi32>
    %reduce_max3A_783 = vector.shape_cast %select_n3A_782 : vector<1x8xi32> to vector<1x1x8xi32>
    %reduce_max3A_784 = arith.constant dense<-2147483648> : vector<1xi32>
    %reduce_max3A_785 = vector.multi_reduction <maxsi>, %reduce_max3A_783, %reduce_max3A_784 [1, 2] : vector<1x1x8xi32> to vector<1xi32>
    %reduce_max3A_786 = vector.shape_cast %reduce_max3A_785 : vector<1xi32> to vector<1x1x1xi32>
    %reduce_max3A_787 = vector.extract %reduce_max3A_786[0, 0, 0] : i32 from vector<1x1x1xi32>
    %eq3A_788 = arith.constant 1 : i32
    %eq3A_789 = vector.broadcast %eq3A_788 : i32 to vector<1x128xi32>
    %eq3A_790 = arith.cmpi eq, %or3A_776, %eq3A_789 : vector<1x128xi32>
    %broadcast_in_dim3A_791 = vector.broadcast %reduce_max3A_787 : i32 to vector<1x128xi32>
    %select_n3A_792 = arith.select %eq3A_790, %select_n3A_774, %broadcast_in_dim3A_791 : vector<1x128xi1>, vector<1x128xi32>
    %swap3A_793 = arith.constant 0 : index
    %swap3A_794 = arith.constant 0 : index
    %swap3A_795 = vector.load %arg4[%swap3A_793, %swap3A_794] : memref<1x128xi32, #tpu.memory_space<vmem>>, vector<1x128xi32>
    tpu.vector_store %arg4[%swap3A_793, %swap3A_794], %select_n3A_792 {strides = array<i32>} : memref<1x128xi32, #tpu.memory_space<vmem>>, vector<1x128xi32>,
    %eq3A_796 = arith.constant 1 : i32
    %eq3A_797 = vector.broadcast %eq3A_796 : i32 to vector<1x128xi32>
    %eq3A_798 = arith.cmpi eq, %or3A_776, %eq3A_797 : vector<1x128xi32>
    %jit3A_799 = arith.constant -1 : i32
    %broadcast_in_dim3A_800 = vector.broadcast %jit3A_799 : i32 to vector<1x128xi32>
    %select_n3A_801 = arith.select %eq3A_798, %select_n3A_774, %broadcast_in_dim3A_800 : vector<1x128xi1>, vector<1x128xi32>
    %swap3A_802 = arith.constant 0 : index
    %swap3A_803 = arith.constant 0 : index
    %swap3A_804 = vector.load %arg5[%swap3A_802, %swap3A_803] : memref<1x128xi32, #tpu.memory_space<vmem>>, vector<1x128xi32>
    tpu.vector_store %arg5[%swap3A_802, %swap3A_803], %select_n3A_801 {strides = array<i32>} : memref<1x128xi32, #tpu.memory_space<vmem>>, vector<1x128xi32>,
    return
  }
}

module attributes {stable_mosaic.version = 14 : i64} {
  func.func @_mm_body(%arg0: i32, %arg1: memref<128xi32, #tpu.memory_space<smem>>, %arg2: memref<128xi32, #tpu.memory_space<smem>>, %arg3: memref<256x768xf32, #tpu.memory_space<vmem>>, %arg4: memref<1x3072x768xf32, #tpu.memory_space<vmem>>, %arg5: memref<1x768x1536xf32, #tpu.memory_space<vmem>>, %arg6: memref<256x1xf32, #tpu.memory_space<vmem>>, %arg7: memref<256x768xf32, #tpu.memory_space<vmem>>) attributes {dimension_semantics = [#tpu.dimension_semantics<arbitrary>], iteration_bounds = array<i64: 24>, scalar_prefetch = 2 : i64, scratch_operands = 0 : i64, tpu.core_type = #tpu.core_type<tc>, window_params = [{transform_indices = @transform_0, window_bounds = array<i64: 256, 768>}, {transform_indices = @transform_1, window_bounds = array<i64: 1, 3072, 768>}, {transform_indices = @transform_2, window_bounds = array<i64: 1, 768, 1536>}, {transform_indices = @transform_3, window_bounds = array<i64: 256, 1>}, {transform_indices = @transform_4, window_bounds = array<i64: 256, 768>}]} {
    %get3A = arith.index_cast %arg0 : i32 to index
    %get3A_0 = memref.load %arg2[%get3A] : memref<128xi32, #tpu.memory_space<smem>>
    %ge3A = arith.constant 0 : i32
    %ge3A_1 = arith.cmpi sge, %get3A_0, %ge3A : i32
    %convert_element_type3A = arith.extui %ge3A_1 : i1 to i32
    %cond3A = arith.constant 0 : i32
    %cond3A_2 = arith.cmpi ne, %convert_element_type3A, %cond3A : i32
    scf.if %cond3A_2 {
      %get3A_3 = arith.constant 0 : index
      %get3A_4 = arith.constant 0 : index
      %get3A_5 = vector.load %arg3[%get3A_3, %get3A_4] : memref<256x768xf32, #tpu.memory_space<vmem>>, vector<256x768xf32>
      %get3A_6 = arith.constant 0 : index
      %get3A_7 = arith.constant 0 : index
      %get3A_8 = arith.constant 0 : index
      %get3A_9 = vector.load %arg4[%get3A_6, %get3A_7, %get3A_8] : memref<1x3072x768xf32, #tpu.memory_space<vmem>>, vector<1x3072x768xf32>
      %get3A_10 = vector.shape_cast %get3A_9 : vector<1x3072x768xf32> to vector<3072x768xf32>
      %dot_general3A = arith.constant dense<0.000000e+00> : vector<256x3072xf32>
      %dot_general3A_11 = tpu.matmul %get3A_5, %get3A_10, %dot_general3A {dimension_numbers = #tpu.dot_dimension_numbers<[1], [1], [0], [0], [0, 0, 1, 0], [], []>, transpose_lhs_hint = false} : vector<256x768xf32>, vector<3072x768xf32>, vector<256x3072xf32> -> vector<256x3072xf32>
      %slice3A = vector.extract_strided_slice %dot_general3A_11 {offsets = [0, 0], sizes = [256, 1536], strides = [1, 1]} : vector<256x3072xf32> to vector<256x1536xf32>
      %slice3A_12 = vector.extract_strided_slice %dot_general3A_11 {offsets = [0, 1536], sizes = [256, 1536], strides = [1, 1]} : vector<256x3072xf32> to vector<256x1536xf32>
      %neg3A = arith.constant 0.000000e+00 : f32
      %neg3A_13 = vector.broadcast %neg3A : f32 to vector<256x1536xf32>
      %neg3A_14 = arith.subf %neg3A_13, %slice3A : vector<256x1536xf32>
      %exp3A = math.exp %neg3A_14 : vector<256x1536xf32>
      %add3A = arith.constant 1.000000e+00 : f32
      %add3A_15 = vector.broadcast %add3A : f32 to vector<256x1536xf32>
      %add3A_16 = arith.addf %add3A_15, %exp3A : vector<256x1536xf32>
      %div3A = arith.constant 1.000000e+00 : f32
      %div3A_17 = vector.broadcast %div3A : f32 to vector<256x1536xf32>
      %div3A_18 = arith.divf %div3A_17, %add3A_16 : vector<256x1536xf32>
      %mul3A = arith.mulf %slice3A, %div3A_18 : vector<256x1536xf32>
      %mul3A_19 = arith.mulf %mul3A, %slice3A_12 : vector<256x1536xf32>
      %get3A_20 = arith.constant 0 : index
      %get3A_21 = arith.constant 0 : index
      %get3A_22 = arith.constant 0 : index
      %get3A_23 = vector.load %arg5[%get3A_20, %get3A_21, %get3A_22] : memref<1x768x1536xf32, #tpu.memory_space<vmem>>, vector<1x768x1536xf32>
      %get3A_24 = vector.shape_cast %get3A_23 : vector<1x768x1536xf32> to vector<768x1536xf32>
      %dot_general3A_25 = arith.constant dense<0.000000e+00> : vector<256x768xf32>
      %dot_general3A_26 = tpu.matmul %mul3A_19, %get3A_24, %dot_general3A_25 {dimension_numbers = #tpu.dot_dimension_numbers<[1], [1], [0], [0], [0, 0, 1, 0], [], []>, transpose_lhs_hint = false} : vector<256x1536xf32>, vector<768x1536xf32>, vector<256x768xf32> -> vector<256x768xf32>
      %get3A_27 = arith.constant 0 : index
      %get3A_28 = arith.constant 0 : index
      %get3A_29 = vector.load %arg6[%get3A_27, %get3A_28] : memref<256x1xf32, #tpu.memory_space<vmem>>, vector<256x1xf32>
      %mul3A_30 = vector.broadcast %get3A_29 : vector<256x1xf32> to vector<256x768xf32>
      %mul3A_31 = arith.mulf %dot_general3A_26, %mul3A_30 : vector<256x768xf32>
      %swap3A = arith.constant 0 : index
      %swap3A_32 = arith.constant 0 : index
      %swap3A_33 = vector.load %arg7[%swap3A, %swap3A_32] : memref<256x768xf32, #tpu.memory_space<vmem>>, vector<256x768xf32>
      tpu.vector_store %arg7[%swap3A, %swap3A_32], %mul3A_31 {strides = array<i32>} : memref<256x768xf32, #tpu.memory_space<vmem>>, vector<256x768xf32>,
    } else {
    }
    return
  }
  func.func @transform_0(%arg0: i32, %arg1: memref<128xi32, #tpu.memory_space<smem>>, %arg2: memref<128xi32, #tpu.memory_space<smem>>) -> (i32, i32) {
    %c0_i32 = arith.constant 0 : i32
    %c0_i32_0 = arith.constant 0 : i32
    return %arg0, %c0_i32 : i32, i32
  }
  func.func @transform_1(%arg0: i32, %arg1: memref<128xi32, #tpu.memory_space<smem>>, %arg2: memref<128xi32, #tpu.memory_space<smem>>) -> (i32, i32, i32) {
    %get3A = arith.index_cast %arg0 : i32 to index
    %get3A_0 = memref.load %arg1[%get3A] : memref<128xi32, #tpu.memory_space<smem>>
    %c0_i32 = arith.constant 0 : i32
    %c0_i32_1 = arith.constant 0 : i32
    %c0_i32_2 = arith.constant 0 : i32
    return %get3A_0, %c0_i32, %c0_i32_1 : i32, i32, i32
  }
  func.func @transform_2(%arg0: i32, %arg1: memref<128xi32, #tpu.memory_space<smem>>, %arg2: memref<128xi32, #tpu.memory_space<smem>>) -> (i32, i32, i32) {
    %get3A = arith.index_cast %arg0 : i32 to index
    %get3A_0 = memref.load %arg1[%get3A] : memref<128xi32, #tpu.memory_space<smem>>
    %c0_i32 = arith.constant 0 : i32
    %c0_i32_1 = arith.constant 0 : i32
    %c0_i32_2 = arith.constant 0 : i32
    return %get3A_0, %c0_i32, %c0_i32_1 : i32, i32, i32
  }
  func.func @transform_3(%arg0: i32, %arg1: memref<128xi32, #tpu.memory_space<smem>>, %arg2: memref<128xi32, #tpu.memory_space<smem>>) -> (i32, i32) {
    %c0_i32 = arith.constant 0 : i32
    %c0_i32_0 = arith.constant 0 : i32
    return %arg0, %c0_i32 : i32, i32
  }
  func.func @transform_4(%arg0: i32, %arg1: memref<128xi32, #tpu.memory_space<smem>>, %arg2: memref<128xi32, #tpu.memory_space<smem>>) -> (i32, i32) {
    %c0_i32 = arith.constant 0 : i32
    %c0_i32_0 = arith.constant 0 : i32
    return %arg0, %c0_i32 : i32, i32
  }
}

</mosaic_0001>

<sc_bundles>
// kernel: kernel.6.cloned.1.call-start
scs
__scs_entry_jumppad:
0x0: {  	(pc) =	sbr.rel $0x88, $3  }
0x1: {  	(tag) =	ssettag $0x0;
	lr =	simm.s32 $0x1  }
0x2: {  	[smem:$0x3F9D] =	sst lr;
	_ =	strace $0xD0000000  }
0x3: {  	_ = 	snop  }
0x4: {  	_ = 	snop  }
0x5: {  	_ = 	snop  }
0x6: {  	_ = 	snop  }
0x7: {  	_ = 	snop  }
__scs_overlays_trampoline_lowered:
0x8: {  	[smem:$0x3FAC] =	sst s0  }
0x9: {  	[smem:$0x3FAD] =	sst s1  }
0xa: {  	[smem:$0x3FAE] =	sst s2  }
0xb: {  	[smem:$0x3FAF] =	sst s3  }
0xc: {  	[smem:$0x3FB0] =	sst s4  }
0xd: {  	[smem:$0x3FB1] =	sst s5  }
0xe: {  	[smem:$0x3FB2] =	sst s6  }
0xf: {  	[smem:$0x3FB3] =	sst s7  }
0x10: {  	[smem:$0x3FB4] =	sst s8  }
0x11: {  	[smem:$0x3FB5] =	sst s9;
	s0 =	simm.s32 @!p0 $0x0  }
0x12: {  	s1 =	sld [smem:$0x3F9B];
	s0 =	simm.s32 @p0 $0x1  }
0x13: {  	[smem:$0x3FB6] =	sst s0;
	s0 =	simm.s32 @!p1 $0x0  }
0x14: {  	s2 =	sld [smem:$0x3F9A];
	s0 =	simm.s32 @p1 $0x1  }
0x15: {  	[smem:$0x3FB7] =	sst s0;
	s0 =	simm.s32 @!p2 $0x0  }
0x16: {  	s3 =	sld [smem:$0x3FDB];
	s0 =	simm.s32 @p2 $0x1  }
0x17: {  	s4 =	simm.s32 $0x1BF5;
	[smem:$0x3FB9] =	sst s0  }
0x18: {  	s0 =	sld [smem:$0x3F9C];
	_ =	swait.ge [sflag:s4], $0x0  }
0x19: {  	s7 =	sld [smem:$0x3F9D]  }
0x1a: {  	s8 =	sadd.s32 $0xFFFFE003, lr  }
0x1b: {  	s9 =	sadd.s32 $0xFFFFFEF7, lr;
	s5 =	simm.s32 $0xFFFFFFFF;
	p2 =	slt.u32 s8, $0xFFFFF086  }
0x1c: {  	p1 =	slt.u32 s9, $0xF7A;
	s5 =	simm.s32 @!p2 $0x0  }
0x1d: {  	s5 =	simm.s32 @p1 $0x1;
	p0 =	seq.s32 s7, s2  }
0x1e: {  	s7 =	smul.u32 @!p0 $0xF7A, s2;
	p2 =	seq.s32 @!p0 s5, $0x0  }
0x1f: {  	s9 =	smul.u32 $0xF7A, s1;
	s8 =	simm.s32 @!p0 $0x1BF5;
	p2 =	por !p2, p0  }
0x20: {  	[sflag:s8] =	ssyncset.s32 @!p0 $0xFFFFF086;
	s6 =	sadd.s32 @!p0 s3, s7;
	s7 =	simm.s32 @!p0 $0x108  }
0x21: {  	s3 =	sadd.s32 s3, s9;
	s6 =	sadd.s32 @!p0 $0x88, s6;
	s7 =	simm.s32 @p2 $0x1082  }
0x22: {  	[simem:s7], [sflag:s8] =	dma.local @!p0 [hbm:s6], $0xF7A  }
0x23: {  	s9 =	sor.u32 $0xD0000000, s2;
	s6 =	simm.s32 $0x108;
	_ =	swait.ge @!p0 [sflag:s8], $0x0  }
0x24: {  	s3 =	sadd.s32 $0x88, s3;
	s6 =	simm.s32 @!p1 $0x1082;
	[sflag:s4] =	ssyncset.s32 $0xFFFFF086  }
0x25: {  	[simem:s6], [sflag:s4] =	dma.local [hbm:s3], $0xF7A  }
0x26: {  	[smem:$0x3F9D] =	sst s1;
	(tag) =	ssettag s2;
	_ =	strace s9  }
0x27: {  	s1 =	sld [smem:$0x3FAD]  }
0x28: {  	s2 =	sld [smem:$0x3FAE]  }
0x29: {  	s4 =	sld [smem:$0x3FB0]  }
0x2a: {  	p0 =	seq.s32 s5, $0x0;
	s5 =	sld [smem:$0x3FB1]  }
0x2b: {  	s6 =	sld [smem:$0x3FB2]  }
0x2c: {  	s7 =	sld [smem:$0x3FB3]  }
0x2d: {  	s3 =	simm.s32 $0x108;
	s8 =	sld [smem:$0x3FB4]  }
0x2e: {  	s3 =	simm.s32 @!p0 $0x1082;
	s9 =	sld [smem:$0x3FB5]  }
0x2f: {  	lr =	sadd.s32 s0, s3;
	s0 =	sld [smem:$0x3FAC]  }
0x30: {  	s3 =	sld [smem:$0x3FAF]  }
0x31: {  	[smem:$0x3FB8] =	sst s10  }
0x32: {  	s10 =	sld [smem:$0x3FB6];
	_ =	sdelay $0x3  }
0x33: {  	p0 =	seq.s32 s10, $0x1;
	s10 =	sld [smem:$0x3FB8];
	_ =	sdelay $0x3  }
0x34: {  	[smem:$0x3FB8] =	sst s10  }
0x35: {  	s10 =	sld [smem:$0x3FB7];
	_ =	sdelay $0x3  }
0x36: {  	p1 =	seq.s32 s10, $0x1;
	s10 =	sld [smem:$0x3FB8];
	_ =	sdelay $0x3  }
0x37: {  	[smem:$0x3FB8] =	sst s10  }
0x38: {  	s10 =	sld [smem:$0x3FB9]  }
0x39: {  	_ = 	snop;
	(pc) =	sbr.ind lr, $3  }
0x3a: {  	_ = 	snop  }
0x3b: {  	_ = 	snop  }
0x3c: {  	p2 =	seq.s32 s10, $0x1;
	s10 =	sld [smem:$0x3FB8]  }
0x3d: {  	_ =	shalt  }
0x3e: {  	_ =	shalt  }
0x3f: {  	_ =	shalt  }
0x40: {  	_ =	shalt  }
0x41: {  	_ =	shalt  }
0x42: {  	_ =	shalt  }
0x43: {  	_ =	shalt  }
0x44: {  	_ =	shalt  }
0x45: {  	_ =	shalt  }
0x46: {  	_ =	shalt  }
0x47: {  	_ =	shalt  }
0x48: {  	_ =	shalt  }
0x49: {  	_ =	shalt  }
0x4a: {  	_ =	shalt  }
0x4b: {  	_ =	shalt  }
0x4c: {  	_ =	shalt  }
0x4d: {  	_ =	shalt  }
0x4e: {  	_ =	shalt  }
0x4f: {  	_ =	shalt  }
0x50: {  	_ =	shalt  }
0x51: {  	_ =	shalt  }
0x52: {  	_ =	shalt  }
0x53: {  	_ =	shalt  }
0x54: {  	_ =	shalt  }
0x55: {  	_ =	shalt  }
0x56: {  	_ =	shalt  }
0x57: {  	_ =	shalt  }
0x58: {  	_ =	shalt  }
0x59: {  	_ =	shalt  }
0x5a: {  	_ =	shalt  }
0x5b: {  	_ =	shalt  }
0x5c: {  	_ =	shalt  }
0x5d: {  	_ =	shalt  }
0x5e: {  	_ =	shalt  }
0x5f: {  	_ =	shalt  }
0x60: {  	_ =	shalt  }
0x61: {  	_ =	shalt  }
0x62: {  	_ =	shalt  }
0x63: {  	_ =	shalt  }
0x64: {  	_ =	shalt  }
0x65: {  	_ =	shalt  }
0x66: {  	_ =	shalt  }
0x67: {  	_ =	shalt  }
0x68: {  	_ =	shalt  }
0x69: {  	_ =	shalt  }
0x6a: {  	_ =	shalt  }
0x6b: {  	_ =	shalt  }
0x6c: {  	_ =	shalt  }
0x6d: {  	_ =	shalt  }
0x6e: {  	_ =	shalt  }
0x6f: {  	_ =	shalt  }
0x70: {  	_ =	shalt  }
0x71: {  	_ =	shalt  }
0x72: {  	_ =	shalt  }
0x73: {  	_ =	shalt  }
0x74: {  	_ =	shalt  }
0x75: {  	_ =	shalt  }
0x76: {  	_ =	shalt  }
0x77: {  	_ =	shalt  }
0x78: {  	_ =	shalt  }
0x79: {  	_ =	shalt  }
0x7a: {  	_ =	shalt  }
0x7b: {  	_ =	shalt  }
0x7c: {  	_ =	shalt  }
0x7d: {  	_ =	shalt  }
0x7e: {  	_ =	shalt  }
0x7f: {  	_ =	shalt  }
0x80: {  	_ =	shalt  }
0x81: {  	_ =	shalt  }
0x82: {  	_ =	shalt  }
0x83: {  	_ =	shalt  }
0x84: {  	_ =	shalt  }
0x85: {  	_ =	shalt  }
0x86: {  	_ =	shalt  }
0x87: {  	_ =	shalt  }
.Lfunc_end0:
.L_simem_size_0:
called_computation_lowered:
.L_overlay_start_0:
0x88: {  	s2 =	sld [smem:$0x3FD9]  }
0x89: {  	s3 =	sld [smem:$0x3FFE];
	_ =	sdelay $0x1  }
0x8a: {  	s1 =	srdreg.scid  }
0x8b: {  	s0 =	sand.u32 $0x1, s1  }
0x8c: {  	s17 =	sshll.u32 s0, $0xA;
	s2 =	sadd.s32 s3, s2  }
0x8d: {  	s2 =	sadd.s32 s2, s17  }
0x8e: {  	[smem:$0x3FC4] =	sst s2  }
0x8f: {  	_ = 	snop  }
0x90: {  	s2 =	sld [smem:$0x3FC9]  }
0x91: {  	s18 =	sld [smem:$0x3FD0];
	(tm) =	ssettm $0x1  }
0x92: {  	s4 =	sld [smem:$0x3FFB];
	_ =	sdelay $0x3  }
0x93: {  	_ =	strace s4  }
0x94: {  	s4 =	sld [smem:$0x3FFC];
	_ =	sdelay $0x3  }
0x95: {  	_ =	strace s4  }
0x96: {  	s4 =	sld [smem:$0x3FFD];
	_ =	sdelay $0x3  }
0x97: {  	_ =	strace s4  }
0x98: {  	_ =	strace $0x8FFFFFFF  }
0x99: {  	s19 =	sld [smem:$0x3FDB];
	_ =	sdelay $0x1  }
0x9a: {  	s5 =	simm.s32 $_scs_section_size  }
0x9b: {  	s6 =	simm.s32 $_size__tile_overlayer_lowered;
	s7 =	simm.s32 $_tile_overlayer_lowered  }
0x9c: {  	s22 =	simm.s32 $0x1BFF;
	s21 =	sshll.u32 s7, $0x1;
	s4 =	sadd.s32 s5, s19  }
0x9d: {  	s8 =	simm.s32 $0x0;
	s20 =	sshll.u32 s6, $0x1;
	s6 =	sadd.s32 s21, s4  }
0x9e: {  	[timem:s8], [sflag:s22] =	dma.local [hbm:s6], s20  }
0x9f: {  	_ =	swait.ge [sflag:s22], s20  }
0xa0: {  	s5 =	ssub.s32 $0x0, s20;
	[sflag:s22] =	ssyncset.done $0x0  }
0xa1: {  	[sflag:s22] =	ssyncadd.s32 s5;
	_ =	sdelay $0x1  }
0xa2: {  	s23 =	simm.s32 $0x1B8B  }
0xa3: {  	_ =	swait.ge [sflag:s23], $0x1  }
0xa4: {  	[sflag:s23] =	ssyncset.done $0x0  }
0xa5: {  	s25 =	simm.s32 $0x1B8E;
	s24 =	sld [smem:$0x3FFE];
	[sflag:s23] =	ssyncadd.s32 $0xFFFFFFFF  }
0xa6: {  	s26 =	simm.s32 $execute0_lowered;
	[smem:$0x3FD2] =	sst s25  }
0xa7: {  	s6 =	sshll.u32 s26, $0x1;
	_ =	strace $0x80000046;
	[dreg:$0x1] =	wrdreg $0xFFFFFFFF  }
0xa8: {  	s28 =	simm.s32 $_size_execute0_lowered;
	s4 =	sadd.s32 s4, s6;
	[dreg:$0x0] =	wrdreg $0x0  }
0xa9: {  	s6 =	sshll.u32 s28, $0x1;
	[dreg:$0x2] =	wrdreg s4  }
0xaa: {  	[dreg:$0x3] =	wrdreg s6  }
0xab: {  	[dreg:$0x4] =	wrdreg $0xC0  }
0xac: {  	_ =	task [dreg:s8], $0x5FFFF  }
0xad: {  	[dreg:$0x1] =	wrdreg $0xFFFFFFFF  }
0xae: {  	[dreg:$0x0] =	wrdreg $0x60  }
0xaf: {  	[dreg:$0x2] =	wrdreg s24  }
0xb0: {  	[dreg:$0x3] =	wrdreg s2  }
0xb1: {  	[dreg:$0x4] =	wrdreg s18  }
0xb2: {  	[dreg:$0x5] =	wrdreg $0x1D1000  }
0xb3: {  	[dreg:$0x6] =	wrdreg $0x9  }
0xb4: {  	_ =	task.clear_ibuf [dreg:s8], $0x7FFFF;
	_ =	strace $0x90000046  }
0xb5: {  	s29 =	simm.s32 $0x9;
	_ =	strace $0x80000048  }
0xb6: {  	_ =	swait.ge [sflag:s29], $0x1  }
0xb7: {  	[sflag:s29] =	ssyncadd.s32 $0xFFFFFFFF  }
0xb8: {  	_ =	strace $0x90000048  }
0xb9: {  	_ =	sfence  }
0xba: {  	s30 =	sld [smem:$0x0];
	_ =	sdelay $0x2  }
0xbb: {  	s31 =	sshll.u32 s1, $0xD;
	s1 =	sshrl.u32 s1, $0x2  }
0xbc: {  	s3 =	sand.u32 $0x4000, s31;
	s1 =	sadd.s32 s1, s30  }
0xbd: {  	s0 =	sor.u32 s3, s0;
	s1 =	sshll.u32 s1, $0x11  }
0xbe: {  	s0 =	sor.u32 s1, s0  }
0xbf: {  	s0 =	sadd.s32 $0x8F2B, s0  }
0xc0: {  	[sflag:s0] =	ssyncadd.remote.s32 $0x1  }
0xc1: {  	_ =	sfence.sel $0xFFFF  }
0xc2: {  	[dreg:$0x0] =	wrdreg $0xFFFFFFFF;
	(pc) =	sbr.abs _section_cstart, $3  }
0xc3: {  	[dreg:$0x1] =	wrdreg $0xFFFFFFFF  }
0xc4: {  	_ =	task.clear_ibuf [dreg:s8], $0x2FFFF;
	_ =	strace $0x9FFFFFFF  }
0xc5: {  	(tm) =	ssettm $0x7FFFFFFF  }
tec
execute0_lowered:
.L_overlay_start_1:
0x0: {  	(tag) =	ssettag $0x1  }
0x1: {  	s0 =	rddreg [dreg:$0x0]  }
0x2: {  	s1 =	rddreg [dreg:$0x1]  }
0x3: {  	s13 =	rddreg [dreg:$0x3]  }
0x4: {  	s2 =	srdreg.scid;
	s3 =	stileid.u32  }
0x5: {  	s4 =	simm.s32 $0x0;
	s16 =	simm.s32 $0x3;
	s18 =	simm.s32 $0x2000  }
0x6: {  	s19 =	simm.s32 $0x3800;
	s14 =	simm.s32 $0x9900;
	s15 =	simm.s32 $0xA100  }
0x7: {  	s20 =	simm.s32 $0xA900;
	s21 =	simm.s32 $0xB900;
	s17 =	simm.s32 $0xD900  }
0x8: {  	s31 =	simm.s32 $0x10900;
	s2 =	sand.u32 $0x1, s2;
	s5 =	sshll.u32 s3, $0x1  }
0x9: {  	[smem:$0x7FF] =	sst s4;
	s6 =	sadd.s32 $0xE00, s0;
	s22 =	sadd.s32 $0xC00, s0  }
0xa: {  	s0 =	sadd.s32 $0x1000, s0;
	p0 =	sne.s32 s3, $0x0;
	s3 =	simm.s32 $0x5000  }
0xb: {  	s5 =	sor.u32 s2, s5;
	_ =	strace $0x80000047;
	[dreg:$0x5] =	wrdreg s6  }
0xc: {  	[dreg:$0x6] =	wrdreg s22;
	s23 =	ssub.s32 $0x2, s2;
	s5 =	smul.u32 $0xC0, s5  }
0xd: {  	p1 =	sne.s32 s2, $0x0;
	s22 =	simm.s32 $0xB100;
	s7 =	sshrl.u32 s23, $0x1  }
0xe: {  	s6 =	ssub.s32 s23, s7;
	s23 =	simm.s32 $0x1;
	s10 =	sadd.s32 $0x40, s5  }
0xf: {  	s8 =	sshrl.u32 s5, $0x3;
	s12 =	sadd.s32 $0x80, s5;
	s5 =	sadd.s32 s5, s13  }
0x10: {  	s30 =	smax.u32 s6, $0x1;
	s6 =	simm.s32 $0x10100;
	s11 =	smul.u32 $0x300, s8  }
0x11: {  	s24 =	sshrl.u32 s10, $0x3;
	s9 =	sshrl.u32 s12, $0x3;
	[dreg:$0x7] =	wrdreg s5  }
0x12: {  	vm0 =	vcmask $0xF0C;
	vm1 =	vcmask $0x704;
	s8 =	sadd.s32 $0x100, s1;
	s10 =	sadd.s32 s10, s13;
	s29 =	sadd.s32 s12, s13  }
0x13: {  	v0 =	vlaneseq.u32;
	vm0 =	vmor vm1, vm0;
	vm1 =	vcmask $0x1714;
	[dreg:$0xd] =	wrdreg s30;
	s12 =	simm.s32 $0x8900;
	s25 =	smul.u32 $0x300, s24  }
0x14: {  	v1 =	vimm.f32 $0.0e+00;
	vm0 =	vmor vm0, vm1;
	vm1 =	vcmask $0x1F1C;
	s13 =	simm.s32 $0x9100;
	s5 =	simm.s32 $0xE900;
	s26 =	smul.u32 $0x300, s9  }
.Ltmp0:
0x15: {  	v2 =	vimm.s32 $0x0;
	vm0 =	vmor vm0, vm1;
	vm1 =	vcmask $0x2724;
	s9 =	sadd.s32 $0x200, s1;
	[dreg:$0x8] =	wrdreg s10;
	(pc) =	sbr.rel .LBB2_1-.Ltmp0, $4  }
0x16: {  	v3 =	vand.u32 $0x7, v0;
	vm0 =	vmor vm0, vm1;
	vm1 =	vcmask $0x2F2C;
	[dreg:$0xb] =	wrdreg s29;
	s24 =	simm.s32 $0x2;
	s28 =	sadd.s32 s0, s11  }
0x17: {  	v4 =	vshrl.u32 v0, $0x3;
	vm0 =	vmor vm0, vm1;
	vm1 =	vcmask $0x3734;
	s10 =	simm.s32 $0x7900;
	[dreg:$0x9] =	wrdreg s28;
	s7 =	sadd.s32 s0, s25  }
0x18: {  	v5 =	vor.u32 $0x8, v0;
	vm0 =	vmor vm0, vm1;
	vm1 =	vcmask $0x3F3C;
	s11 =	simm.s32 $0x8100;
	s0 =	sadd.s32 s0, s26;
	[dreg:$0xa] =	wrdreg s7  }
0x19: {  	v4 =	vmul.u32 $0x8, v4;
	vm0 =	vmor vm0, vm1;
	vm1 =	vmmov $0xffff;
	s25 =	simm.s32 $0x0;
	[dreg:$0xc] =	wrdreg s0;
	s7 =	simm.s32 $0x7100  }
.LBB2_7:
0x1a: {  	[bflag:$0x0] =	sbarrier.arrive $0xFFFF  }
0x1b: {  	s0 =	rddreg [dreg:$0x7]  }
0x1c: {  	[tilespmem:s3], [sflag:$0x3] =	stream.linear.gather [spmem:s0], $0x40, $0x38;
	[tilespmem:$0x1D280] =	vst v63  }
0x1d: {  	_ =	swait.ge [sflag:s16], $0x40  }
0x1e: {  	[sflag:s16] =	ssyncset.done $0x0  }
0x1f: {  	[sflag:s16] =	ssyncadd.s32 $0xFFFFFFC0  }
0x20: {  	v6 =	vld [tilespmem:$0x5000];
	_ =	sdelay $0x4  }
0x21: {  	v7 =	vshrl.u32 v6, $0x3  }
0x22: {  	v7 =	vmul.u32 $0x30, v7  }
0x23: {  	v6 =	vand.u32 $0x7, v6  }
0x24: {  	v6 =	vor.u32 v6, v7  }
0x25: {  	v7 =	vperm.xlane v6, v3;
	_ =	sdelay $0x1  }
0x26: {  	v7 =	vadd.s32 v4, v7;
	_ =	sdelay $0x3  }
0x27: {  	s26 =	simm.s32 $0x5100;
	v6 =	vperm.xlane v6, v5  }
0x28: {  	[tilespmem:s26], [sflag:$0x1] =	stream.indirect_vreg.gather [hbm4b:s1+s4], $0x80, v7, vm1, $0xb8;
	[tilespmem:$0x1D280] =	vst v63  }
0x29: {  	s28 =	simm.s32 $0x5900;
	v6 =	vadd.s32 v4, v6  }
0x2a: {  	[tilespmem:s28], [sflag:$0x1] =	stream.indirect_vreg.gather [hbm4b:s8+s4], $0x80, v7, vm1, $0xb8;
	[tilespmem:$0x1D280] =	vst v63  }
0x2b: {  	s29 =	simm.s32 $0x6100  }
0x2c: {  	[tilespmem:s29], [sflag:$0x1] =	stream.indirect_vreg.gather [hbm4b:s9+s4], $0x80, v7, vm1, $0xb8;
	[tilespmem:$0x1D280] =	vst v63  }
0x2d: {  	s30 =	simm.s32 $0x6900  }
0x2e: {  	[tilespmem:s30], [sflag:$0x1] =	stream.indirect_vreg.gather [hbm4b:s1+s4], $0x80, v6, vm1, $0xb8;
	[tilespmem:$0x1D280] =	vst v63  }
0x2f: {  	_ = 	snop  }
0x30: {  	[tilespmem:s7], [sflag:$0x1] =	stream.indirect_vreg.gather [hbm4b:s8+s4], $0x80, v6, vm1, $0xb8;
	[tilespmem:$0x1D280] =	vst v63  }
0x31: {  	_ = 	snop  }
0x32: {  	[tilespmem:s10], [sflag:$0x1] =	stream.indirect_vreg.gather [hbm4b:s9+s4], $0x80, v6, vm1, $0xb8;
	[tilespmem:$0x1D280] =	vst v63  }
0x33: {  	v6 =	vld [tilespmem:$0x5010];
	_ =	sdelay $0x4  }
0x34: {  	v7 =	vshrl.u32 v6, $0x3  }
0x35: {  	v7 =	vmul.u32 $0x30, v7  }
0x36: {  	v6 =	vand.u32 $0x7, v6  }
0x37: {  	v6 =	vor.u32 v6, v7  }
0x38: {  	v7 =	vperm.xlane v6, v3;
	_ =	sdelay $0x1  }
0x39: {  	v7 =	vadd.s32 v4, v7;
	_ =	sdelay $0x3  }
0x3a: {  	v6 =	vperm.xlane v6, v5  }
0x3b: {  	[tilespmem:s11], [sflag:$0x1] =	stream.indirect_vreg.gather [hbm4b:s1+s4], $0x80, v7, vm1, $0xb8;
	[tilespmem:$0x1D280] =	vst v63  }
0x3c: {  	v6 =	vadd.s32 v4, v6  }
0x3d: {  	[tilespmem:s12], [sflag:$0x1] =	stream.indirect_vreg.gather [hbm4b:s8+s4], $0x80, v7, vm1, $0xb8;
	[tilespmem:$0x1D280] =	vst v63  }
0x3e: {  	_ = 	snop  }
0x3f: {  	[tilespmem:s13], [sflag:$0x1] =	stream.indirect_vreg.gather [hbm4b:s9+s4], $0x80, v7, vm1, $0xb8;
	[tilespmem:$0x1D280] =	vst v63  }
0x40: {  	_ = 	snop  }
0x41: {  	[tilespmem:s14], [sflag:$0x1] =	stream.indirect_vreg.gather [hbm4b:s1+s4], $0x80, v6, vm1, $0xb8;
	[tilespmem:$0x1D280] =	vst v63  }
0x42: {  	_ = 	snop  }
0x43: {  	[tilespmem:s15], [sflag:$0x1] =	stream.indirect_vreg.gather [hbm4b:s8+s4], $0x80, v6, vm1, $0xb8;
	[tilespmem:$0x1D280] =	vst v63  }
0x44: {  	_ = 	snop  }
0x45: {  	[tilespmem:s20], [sflag:$0x1] =	stream.indirect_vreg.gather [hbm4b:s9+s4], $0x80, v6, vm1, $0xb8;
	[tilespmem:$0x1D280] =	vst v63  }
0x46: {  	v6 =	vld [tilespmem:$0x5020];
	_ =	sdelay $0x4  }
0x47: {  	v7 =	vshrl.u32 v6, $0x3  }
0x48: {  	v7 =	vmul.u32 $0x30, v7  }
0x49: {  	v6 =	vand.u32 $0x7, v6  }
0x4a: {  	v6 =	vor.u32 v6, v7  }
0x4b: {  	v7 =	vperm.xlane v6, v3;
	_ =	sdelay $0x1  }
0x4c: {  	v7 =	vadd.s32 v4, v7;
	_ =	sdelay $0x3  }
0x4d: {  	v6 =	vperm.xlane v6, v5  }
0x4e: {  	[tilespmem:s22], [sflag:$0x1] =	stream.indirect_vreg.gather [hbm4b:s1+s4], $0x80, v7, vm1, $0xb8;
	[tilespmem:$0x1D280] =	vst v63  }
0x4f: {  	v6 =	vadd.s32 v4, v6  }
0x50: {  	[tilespmem:s21], [sflag:$0x1] =	stream.indirect_vreg.gather [hbm4b:s8+s4], $0x80, v7, vm1, $0xb8;
	[tilespmem:$0x1D280] =	vst v63  }
0x51: {  	s28 =	simm.s32 $0xC100  }
0x52: {  	[tilespmem:s28], [sflag:$0x1] =	stream.indirect_vreg.gather [hbm4b:s9+s4], $0x80, v7, vm1, $0xb8;
	[tilespmem:$0x1D280] =	vst v63  }
0x53: {  	s29 =	simm.s32 $0xC900  }
0x54: {  	[tilespmem:s29], [sflag:$0x1] =	stream.indirect_vreg.gather [hbm4b:s1+s4], $0x80, v6, vm1, $0xb8;
	[tilespmem:$0x1D280] =	vst v63  }
0x55: {  	s30 =	simm.s32 $0xD100  }
0x56: {  	[tilespmem:s30], [sflag:$0x1] =	stream.indirect_vreg.gather [hbm4b:s8+s4], $0x80, v6, vm1, $0xb8;
	[tilespmem:$0x1D280] =	vst v63  }
0x57: {  	_ = 	snop  }
0x58: {  	[tilespmem:s17], [sflag:$0x1] =	stream.indirect_vreg.gather [hbm4b:s9+s4], $0x80, v6, vm1, $0xb8;
	[tilespmem:$0x1D280] =	vst v63  }
0x59: {  	v6 =	vld [tilespmem:$0x5030];
	_ =	sdelay $0x4  }
0x5a: {  	v7 =	vshrl.u32 v6, $0x3  }
0x5b: {  	v7 =	vmul.u32 $0x30, v7  }
0x5c: {  	v6 =	vand.u32 $0x7, v6  }
0x5d: {  	v6 =	vor.u32 v6, v7  }
0x5e: {  	v7 =	vperm.xlane v6, v3;
	_ =	sdelay $0x1  }
0x5f: {  	v7 =	vadd.s32 v4, v7;
	_ =	sdelay $0x3  }
0x60: {  	s2 =	simm.s32 $0xE100;
	v6 =	vperm.xlane v6, v5  }
0x61: {  	[tilespmem:s2], [sflag:$0x1] =	stream.indirect_vreg.gather [hbm4b:s1+s4], $0x80, v7, vm1, $0xb8;
	[tilespmem:$0x1D280] =	vst v63  }
0x62: {  	v6 =	vadd.s32 v4, v6  }
0x63: {  	[tilespmem:s5], [sflag:$0x1] =	stream.indirect_vreg.gather [hbm4b:s8+s4], $0x80, v7, vm1, $0xb8;
	[tilespmem:$0x1D280] =	vst v63  }
0x64: {  	s2 =	simm.s32 $0xF100  }
0x65: {  	[tilespmem:s2], [sflag:$0x1] =	stream.indirect_vreg.gather [hbm4b:s9+s4], $0x80, v7, vm1, $0xb8;
	[tilespmem:$0x1D280] =	vst v63  }
0x66: {  	s2 =	simm.s32 $0xF900  }
0x67: {  	[tilespmem:s2], [sflag:$0x1] =	stream.indirect_vreg.gather [hbm4b:s1+s4], $0x80, v6, vm1, $0xb8;
	[tilespmem:$0x1D280] =	vst v63  }
0x68: {  	_ = 	snop  }
0x69: {  	[tilespmem:s6], [sflag:$0x1] =	stream.indirect_vreg.gather [hbm4b:s8+s4], $0x80, v6, vm1, $0xb8;
	[tilespmem:$0x1D280] =	vst v63  }
0x6a: {  	_ = 	snop  }
0x6b: {  	[tilespmem:s31], [sflag:$0x1] =	stream.indirect_vreg.gather [hbm4b:s9+s4], $0x80, v6, vm1, $0xb8;
	[tilespmem:$0x1D280] =	vst v63  }
0x6c: {  	s0 =	simm.s32 $0x5080;
	s2 =	rddreg [dreg:$0x8]  }
0x6d: {  	[tilespmem:s0], [sflag:$0x3] =	stream.linear.gather [spmem:s2], $0x40, $0x38;
	[tilespmem:$0x1D280] =	vst v63  }
0x6e: {  	_ =	swait.ge [sflag:s16], $0x40  }
0x6f: {  	[sflag:s16] =	ssyncset.done $0x0  }
0x70: {  	[sflag:s16] =	ssyncadd.s32 $0xFFFFFFC0  }
0x71: {  	v6 =	vld [tilespmem:$0x5080];
	_ =	sdelay $0x4  }
0x72: {  	v7 =	vshrl.u32 v6, $0x3  }
0x73: {  	v7 =	vmul.u32 $0x30, v7  }
0x74: {  	v6 =	vand.u32 $0x7, v6  }
0x75: {  	v6 =	vor.u32 v6, v7  }
0x76: {  	v7 =	vperm.xlane v6, v3;
	_ =	sdelay $0x1  }
0x77: {  	v7 =	vadd.s32 v4, v7;
	_ =	sdelay $0x3  }
0x78: {  	s0 =	simm.s32 $0x11100;
	v6 =	vperm.xlane v6, v5  }
0x79: {  	[tilespmem:s0], [sflag:$0x1] =	stream.indirect_vreg.gather [hbm4b:s1+s4], $0x80, v7, vm1, $0xb8;
	[tilespmem:$0x1D280] =	vst v63  }
0x7a: {  	s2 =	simm.s32 $0x11900;
	v6 =	vadd.s32 v4, v6  }
0x7b: {  	[tilespmem:s2], [sflag:$0x1] =	stream.indirect_vreg.gather [hbm4b:s8+s4], $0x80, v7, vm1, $0xb8;
	[tilespmem:$0x1D280] =	vst v63  }
0x7c: {  	s2 =	simm.s32 $0x12100  }
0x7d: {  	[tilespmem:s2], [sflag:$0x1] =	stream.indirect_vreg.gather [hbm4b:s9+s4], $0x80, v7, vm1, $0xb8;
	[tilespmem:$0x1D280] =	vst v63  }
0x7e: {  	s2 =	simm.s32 $0x12900  }
0x7f: {  	[tilespmem:s2], [sflag:$0x1] =	stream.indirect_vreg.gather [hbm4b:s1+s4], $0x80, v6, vm1, $0xb8;
	[tilespmem:$0x1D280] =	vst v63  }
0x80: {  	s2 =	simm.s32 $0x13100  }
0x81: {  	[tilespmem:s2], [sflag:$0x1] =	stream.indirect_vreg.gather [hbm4b:s8+s4], $0x80, v6, vm1, $0xb8;
	[tilespmem:$0x1D280] =	vst v63  }
0x82: {  	s2 =	simm.s32 $0x13900  }
0x83: {  	[tilespmem:s2], [sflag:$0x1] =	stream.indirect_vreg.gather [hbm4b:s9+s4], $0x80, v6, vm1, $0xb8;
	[tilespmem:$0x1D280] =	vst v63  }
0x84: {  	v6 =	vld [tilespmem:$0x5090];
	_ =	sdelay $0x4  }
0x85: {  	v7 =	vshrl.u32 v6, $0x3  }
0x86: {  	v7 =	vmul.u32 $0x30, v7  }
0x87: {  	v6 =	vand.u32 $0x7, v6  }
0x88: {  	v6 =	vor.u32 v6, v7  }
0x89: {  	v7 =	vperm.xlane v6, v3;
	_ =	sdelay $0x1  }
0x8a: {  	v7 =	vadd.s32 v4, v7;
	_ =	sdelay $0x3  }
0x8b: {  	s2 =	simm.s32 $0x14100;
	v6 =	vperm.xlane v6, v5  }
0x8c: {  	[tilespmem:s2], [sflag:$0x1] =	stream.indirect_vreg.gather [hbm4b:s1+s4], $0x80, v7, vm1, $0xb8;
	[tilespmem:$0x1D280] =	vst v63  }
0x8d: {  	v6 =	vadd.s32 v4, v6;
	s2 =	simm.s32 $0x14900  }
0x8e: {  	[tilespmem:s2], [sflag:$0x1] =	stream.indirect_vreg.gather [hbm4b:s8+s4], $0x80, v7, vm1, $0xb8;
	[tilespmem:$0x1D280] =	vst v63  }
0x8f: {  	s2 =	simm.s32 $0x15100  }
0x90: {  	[tilespmem:s2], [sflag:$0x1] =	stream.indirect_vreg.gather [hbm4b:s9+s4], $0x80, v7, vm1, $0xb8;
	[tilespmem:$0x1D280] =	vst v63  }
0x91: {  	s2 =	simm.s32 $0x15900  }
0x92: {  	[tilespmem:s2], [sflag:$0x1] =	stream.indirect_vreg.gather [hbm4b:s1+s4], $0x80, v6, vm1, $0xb8;
	[tilespmem:$0x1D280] =	vst v63  }
0x93: {  	s2 =	simm.s32 $0x16100  }
0x94: {  	[tilespmem:s2], [sflag:$0x1] =	stream.indirect_vreg.gather [hbm4b:s8+s4], $0x80, v6, vm1, $0xb8;
	[tilespmem:$0x1D280] =	vst v63  }
0x95: {  	s2 =	simm.s32 $0x16900  }
0x96: {  	[tilespmem:s2], [sflag:$0x1] =	stream.indirect_vreg.gather [hbm4b:s9+s4], $0x80, v6, vm1, $0xb8;
	[tilespmem:$0x1D280] =	vst v63  }
0x97: {  	v6 =	vld [tilespmem:$0x50A0];
	_ =	sdelay $0x4  }
0x98: {  	v7 =	vshrl.u32 v6, $0x3  }
0x99: {  	v7 =	vmul.u32 $0x30, v7  }
0x9a: {  	v6 =	vand.u32 $0x7, v6  }
0x9b: {  	v6 =	vor.u32 v6, v7  }
0x9c: {  	v7 =	vperm.xlane v6, v3;
	_ =	sdelay $0x1  }
0x9d: {  	v7 =	vadd.s32 v4, v7;
	_ =	sdelay $0x3  }
0x9e: {  	s2 =	simm.s32 $0x17100;
	v6 =	vperm.xlane v6, v5  }
0x9f: {  	[tilespmem:s2], [sflag:$0x1] =	stream.indirect_vreg.gather [hbm4b:s1+s4], $0x80, v7, vm1, $0xb8;
	[tilespmem:$0x1D280] =	vst v63  }
0xa0: {  	v6 =	vadd.s32 v4, v6;
	s2 =	simm.s32 $0x17900  }
0xa1: {  	[tilespmem:s2], [sflag:$0x1] =	stream.indirect_vreg.gather [hbm4b:s8+s4], $0x80, v7, vm1, $0xb8;
	[tilespmem:$0x1D280] =	vst v63  }
0xa2: {  	s2 =	simm.s32 $0x18100  }
0xa3: {  	[tilespmem:s2], [sflag:$0x1] =	stream.indirect_vreg.gather [hbm4b:s9+s4], $0x80, v7, vm1, $0xb8;
	[tilespmem:$0x1D280] =	vst v63  }
0xa4: {  	s2 =	simm.s32 $0x18900  }
0xa5: {  	[tilespmem:s2], [sflag:$0x1] =	stream.indirect_vreg.gather [hbm4b:s1+s4], $0x80, v6, vm1, $0xb8;
	[tilespmem:$0x1D280] =	vst v63  }
0xa6: {  	s2 =	simm.s32 $0x19100  }
0xa7: {  	[tilespmem:s2], [sflag:$0x1] =	stream.indirect_vreg.gather [hbm4b:s8+s4], $0x80, v6, vm1, $0xb8;
	[tilespmem:$0x1D280] =	vst v63  }
0xa8: {  	s2 =	simm.s32 $0x19900  }
0xa9: {  	[tilespmem:s2], [sflag:$0x1] =	stream.indirect_vreg.gather [hbm4b:s9+s4], $0x80, v6, vm1, $0xb8;
	[tilespmem:$0x1D280] =	vst v63  }
0xaa: {  	v6 =	vld [tilespmem:$0x50B0];
	_ =	sdelay $0x4  }
0xab: {  	v7 =	vshrl.u32 v6, $0x3  }
0xac: {  	v7 =	vmul.u32 $0x30, v7  }
0xad: {  	v6 =	vand.u32 $0x7, v6  }
0xae: {  	v6 =	vor.u32 v6, v7  }
0xaf: {  	v7 =	vperm.xlane v6, v3;
	_ =	sdelay $0x1  }
0xb0: {  	v7 =	vadd.s32 v4, v7;
	_ =	sdelay $0x3  }
0xb1: {  	s2 =	simm.s32 $0x1A100;
	v6 =	vperm.xlane v6, v5  }
0xb2: {  	[tilespmem:s2], [sflag:$0x1] =	stream.indirect_vreg.gather [hbm4b:s1+s4], $0x80, v7, vm1, $0xb8;
	[tilespmem:$0x1D280] =	vst v63  }
0xb3: {  	v6 =	vadd.s32 v4, v6;
	s2 =	simm.s32 $0x1A900  }
0xb4: {  	[tilespmem:s2], [sflag:$0x1] =	stream.indirect_vreg.gather [hbm4b:s8+s4], $0x80, v7, vm1, $0xb8;
	[tilespmem:$0x1D280] =	vst v63  }
0xb5: {  	s2 =	simm.s32 $0x1B100  }
0xb6: {  	[tilespmem:s2], [sflag:$0x1] =	stream.indirect_vreg.gather [hbm4b:s9+s4], $0x80, v7, vm1, $0xb8;
	[tilespmem:$0x1D280] =	vst v63  }
0xb7: {  	s2 =	simm.s32 $0x1B900  }
0xb8: {  	[tilespmem:s2], [sflag:$0x1] =	stream.indirect_vreg.gather [hbm4b:s1+s4], $0x80, v6, vm1, $0xb8;
	[tilespmem:$0x1D280] =	vst v63  }
0xb9: {  	s2 =	simm.s32 $0x1C100  }
0xba: {  	[tilespmem:s2], [sflag:$0x1] =	stream.indirect_vreg.gather [hbm4b:s8+s4], $0x80, v6, vm1, $0xb8;
	[tilespmem:$0x1D280] =	vst v63  }
0xbb: {  	s2 =	simm.s32 $0x1C900  }
0xbc: {  	[tilespmem:s2], [sflag:$0x1] =	stream.indirect_vreg.gather [hbm4b:s9+s4], $0x80, v6, vm1, $0xb8;
	[tilespmem:$0x1D280] =	vst v63  }
0xbd: {  	_ =	swait.ge [sflag:s23], $0xC000  }
0xbe: {  	[sflag:s23] =	ssyncset.done $0x0  }
0xbf: {  	s2 =	rddreg [dreg:$0x9];
	[sflag:s23] =	ssyncadd.s32 $0xFFFF4000  }
0xc0: {  	[hbm4b:s2+s4] =	stream.linear.scatter [tilespmem:s26], [sflag:$0x2], $0xC000, $0x38;
	[tilespmem:$0x1D280] =	vst v63  }
0xc1: {  	_ =	swait.ge [sflag:s23], $0xC000  }
0xc2: {  	[sflag:s23] =	ssyncset.done $0x0  }
0xc3: {  	s2 =	rddreg [dreg:$0xa];
	[sflag:s23] =	ssyncadd.s32 $0xFFFF4000  }
0xc4: {  	[hbm4b:s2+s4] =	stream.linear.scatter [tilespmem:s0], [sflag:$0x2], $0xC000, $0x38;
	[tilespmem:$0x1D280] =	vst v63  }
0xc5: {  	_ =	swait.ge [sflag:s24], $0xC000  }
0xc6: {  	[sflag:s24] =	ssyncset.done $0x0  }
0xc7: {  	s2 =	rddreg [dreg:$0xb];
	[sflag:s24] =	ssyncadd.s32 $0xFFFF4000  }
0xc8: {  	[tilespmem:s3], [sflag:$0x3] =	stream.linear.gather [spmem:s2], $0x40, $0x38;
	[tilespmem:$0x1D280] =	vst v63  }
0xc9: {  	_ =	swait.ge [sflag:s16], $0x40  }
0xca: {  	[sflag:s16] =	ssyncset.done $0x0  }
0xcb: {  	[sflag:s16] =	ssyncadd.s32 $0xFFFFFFC0  }
0xcc: {  	v6 =	vld [tilespmem:$0x5000];
	_ =	sdelay $0x4  }
0xcd: {  	v7 =	vshrl.u32 v6, $0x3  }
0xce: {  	v7 =	vmul.u32 $0x30, v7  }
0xcf: {  	v6 =	vand.u32 $0x7, v6  }
0xd0: {  	v6 =	vor.u32 v6, v7  }
0xd1: {  	v7 =	vperm.xlane v6, v3;
	_ =	sdelay $0x1  }
0xd2: {  	v7 =	vadd.s32 v4, v7;
	_ =	sdelay $0x3  }
0xd3: {  	v6 =	vperm.xlane v6, v5  }
0xd4: {  	[tilespmem:s26], [sflag:$0x1] =	stream.indirect_vreg.gather [hbm4b:s1+s4], $0x80, v7, vm1, $0xb8;
	[tilespmem:$0x1D280] =	vst v63  }
0xd5: {  	s2 =	simm.s32 $0x5900;
	v6 =	vadd.s32 v4, v6  }
0xd6: {  	[tilespmem:s2], [sflag:$0x1] =	stream.indirect_vreg.gather [hbm4b:s8+s4], $0x80, v7, vm1, $0xb8;
	[tilespmem:$0x1D280] =	vst v63  }
0xd7: {  	s2 =	simm.s32 $0x6100  }
0xd8: {  	[tilespmem:s2], [sflag:$0x1] =	stream.indirect_vreg.gather [hbm4b:s9+s4], $0x80, v7, vm1, $0xb8;
	[tilespmem:$0x1D280] =	vst v63  }
0xd9: {  	s2 =	simm.s32 $0x6900  }
0xda: {  	[tilespmem:s2], [sflag:$0x1] =	stream.indirect_vreg.gather [hbm4b:s1+s4], $0x80, v6, vm1, $0xb8;
	[tilespmem:$0x1D280] =	vst v63  }
0xdb: {  	_ = 	snop  }
0xdc: {  	[tilespmem:s7], [sflag:$0x1] =	stream.indirect_vreg.gather [hbm4b:s8+s4], $0x80, v6, vm1, $0xb8;
	[tilespmem:$0x1D280] =	vst v63  }
0xdd: {  	_ = 	snop  }
0xde: {  	[tilespmem:s10], [sflag:$0x1] =	stream.indirect_vreg.gather [hbm4b:s9+s4], $0x80, v6, vm1, $0xb8;
	[tilespmem:$0x1D280] =	vst v63  }
0xdf: {  	v6 =	vld [tilespmem:$0x5010];
	_ =	sdelay $0x4  }
0xe0: {  	v7 =	vshrl.u32 v6, $0x3  }
0xe1: {  	v7 =	vmul.u32 $0x30, v7  }
0xe2: {  	v6 =	vand.u32 $0x7, v6  }
0xe3: {  	v6 =	vor.u32 v6, v7  }
0xe4: {  	v7 =	vperm.xlane v6, v3;
	_ =	sdelay $0x1  }
0xe5: {  	v7 =	vadd.s32 v4, v7;
	_ =	sdelay $0x3  }
0xe6: {  	v6 =	vperm.xlane v6, v5  }
0xe7: {  	[tilespmem:s11], [sflag:$0x1] =	stream.indirect_vreg.gather [hbm4b:s1+s4], $0x80, v7, vm1, $0xb8;
	[tilespmem:$0x1D280] =	vst v63  }
0xe8: {  	v6 =	vadd.s32 v4, v6  }
0xe9: {  	[tilespmem:s12], [sflag:$0x1] =	stream.indirect_vreg.gather [hbm4b:s8+s4], $0x80, v7, vm1, $0xb8;
	[tilespmem:$0x1D280] =	vst v63  }
0xea: {  	_ = 	snop  }
0xeb: {  	[tilespmem:s13], [sflag:$0x1] =	stream.indirect_vreg.gather [hbm4b:s9+s4], $0x80, v7, vm1, $0xb8;
	[tilespmem:$0x1D280] =	vst v63  }
0xec: {  	_ = 	snop  }
0xed: {  	[tilespmem:s14], [sflag:$0x1] =	stream.indirect_vreg.gather [hbm4b:s1+s4], $0x80, v6, vm1, $0xb8;
	[tilespmem:$0x1D280] =	vst v63  }
0xee: {  	_ = 	snop  }
0xef: {  	[tilespmem:s15], [sflag:$0x1] =	stream.indirect_vreg.gather [hbm4b:s8+s4], $0x80, v6, vm1, $0xb8;
	[tilespmem:$0x1D280] =	vst v63  }
0xf0: {  	_ = 	snop  }
0xf1: {  	[tilespmem:s20], [sflag:$0x1] =	stream.indirect_vreg.gather [hbm4b:s9+s4], $0x80, v6, vm1, $0xb8;
	[tilespmem:$0x1D280] =	vst v63  }
0xf2: {  	v6 =	vld [tilespmem:$0x5020];
	_ =	sdelay $0x4  }
0xf3: {  	v7 =	vshrl.u32 v6, $0x3  }
0xf4: {  	v7 =	vmul.u32 $0x30, v7  }
0xf5: {  	v6 =	vand.u32 $0x7, v6  }
0xf6: {  	v6 =	vor.u32 v6, v7  }
0xf7: {  	v7 =	vperm.xlane v6, v3;
	_ =	sdelay $0x1  }
0xf8: {  	v7 =	vadd.s32 v4, v7;
	_ =	sdelay $0x3  }
0xf9: {  	v6 =	vperm.xlane v6, v5  }
0xfa: {  	[tilespmem:s22], [sflag:$0x1] =	stream.indirect_vreg.gather [hbm4b:s1+s4], $0x80, v7, vm1, $0xb8;
	[tilespmem:$0x1D280] =	vst v63  }
0xfb: {  	v6 =	vadd.s32 v4, v6  }
0xfc: {  	[tilespmem:s21], [sflag:$0x1] =	stream.indirect_vreg.gather [hbm4b:s8+s4], $0x80, v7, vm1, $0xb8;
	[tilespmem:$0x1D280] =	vst v63  }
0xfd: {  	_ = 	snop  }
0xfe: {  	[tilespmem:s28], [sflag:$0x1] =	stream.indirect_vreg.gather [hbm4b:s9+s4], $0x80, v7, vm1, $0xb8;
	[tilespmem:$0x1D280] =	vst v63  }
0xff: {  	_ = 	snop  }
0x100: {  	[tilespmem:s29], [sflag:$0x1] =	stream.indirect_vreg.gather [hbm4b:s1+s4], $0x80, v6, vm1, $0xb8;
	[tilespmem:$0x1D280] =	vst v63  }
0x101: {  	_ = 	snop  }
0x102: {  	[tilespmem:s30], [sflag:$0x1] =	stream.indirect_vreg.gather [hbm4b:s8+s4], $0x80, v6, vm1, $0xb8;
	[tilespmem:$0x1D280] =	vst v63  }
0x103: {  	_ = 	snop  }
0x104: {  	[tilespmem:s17], [sflag:$0x1] =	stream.indirect_vreg.gather [hbm4b:s9+s4], $0x80, v6, vm1, $0xb8;
	[tilespmem:$0x1D280] =	vst v63  }
0x105: {  	v6 =	vld [tilespmem:$0x5030];
	_ =	sdelay $0x4  }
0x106: {  	v7 =	vshrl.u32 v6, $0x3  }
0x107: {  	v7 =	vmul.u32 $0x30, v7  }
0x108: {  	v6 =	vand.u32 $0x7, v6  }
0x109: {  	v6 =	vor.u32 v6, v7  }
0x10a: {  	v7 =	vperm.xlane v6, v3;
	_ =	sdelay $0x1  }
0x10b: {  	v7 =	vadd.s32 v4, v7;
	_ =	sdelay $0x3  }
0x10c: {  	s30 =	simm.s32 $0xE100;
	v6 =	vperm.xlane v6, v5  }
0x10d: {  	[tilespmem:s30], [sflag:$0x1] =	stream.indirect_vreg.gather [hbm4b:s1+s4], $0x80, v7, vm1, $0xb8;
	[tilespmem:$0x1D280] =	vst v63  }
0x10e: {  	v6 =	vadd.s32 v4, v6  }
0x10f: {  	[tilespmem:s5], [sflag:$0x1] =	stream.indirect_vreg.gather [hbm4b:s8+s4], $0x80, v7, vm1, $0xb8;
	[tilespmem:$0x1D280] =	vst v63  }
0x110: {  	s2 =	simm.s32 $0xF100  }
0x111: {  	[tilespmem:s2], [sflag:$0x1] =	stream.indirect_vreg.gather [hbm4b:s9+s4], $0x80, v7, vm1, $0xb8;
	[tilespmem:$0x1D280] =	vst v63  }
0x112: {  	s28 =	simm.s32 $0xF900  }
0x113: {  	[tilespmem:s28], [sflag:$0x1] =	stream.indirect_vreg.gather [hbm4b:s1+s4], $0x80, v6, vm1, $0xb8;
	[tilespmem:$0x1D280] =	vst v63  }
0x114: {  	_ = 	snop  }
0x115: {  	[tilespmem:s6], [sflag:$0x1] =	stream.indirect_vreg.gather [hbm4b:s8+s4], $0x80, v6, vm1, $0xb8;
	[tilespmem:$0x1D280] =	vst v63  }
0x116: {  	_ = 	snop  }
0x117: {  	[tilespmem:s31], [sflag:$0x1] =	stream.indirect_vreg.gather [hbm4b:s9+s4], $0x80, v6, vm1, $0xb8;
	[tilespmem:$0x1D280] =	vst v63  }
0x118: {  	_ =	swait.ge [sflag:s23], $0xC000  }
0x119: {  	[sflag:s23] =	ssyncset.done $0x0  }
0x11a: {  	s29 =	rddreg [dreg:$0xc];
	[sflag:s23] =	ssyncadd.s32 $0xFFFF4000  }
0x11b: {  	[hbm4b:s29+s4] =	stream.linear.scatter [tilespmem:s26], [sflag:$0x2], $0xC000, $0x38;
	[tilespmem:$0x1D280] =	vst v63  }
0x11c: {  	_ =	swait.ge [sflag:s24], $0xC000  }
0x11d: {  	[sflag:s24] =	ssyncset.done $0x0  }
0x11e: {  	[sflag:s24] =	ssyncadd.s32 $0xFFFF4000  }
0x11f: {  	_ =	swait.ge [sflag:s24], $0xC000  }
0x120: {  	s25 =	sadd.s32 $0x1, s25;
	s30 =	rddreg [dreg:$0xd]  }
0x121: {  	p2 =	sne.s32 s25, s30  }
.Ltmp1:
0x122: {  	_ = 	snop;
	(pc) =	sbr.rel @!p2 .LBB2_8-.Ltmp1, $3  }
0x123: {  	_ =	sdelay $0x1  }
0x124: {  	[sflag:s24] =	ssyncset.done $0x0  }
0x125: {  	[sflag:s24] =	ssyncadd.s32 $0xFFFF4000  }
.LBB2_1:
.Ltmp2:
0x126: {  	(pc) =	sbr.rel @p0 .LBB2_7-.Ltmp2, $1  }
0x127: {  	_ =	sdelay $0x3  }
0x128: {  	s26 =	simm.s32 $0x0;
	s28 =	rddreg [dreg:$0x5]  }
0x129: {  	[tilespmem:s26], [sflag:$0x3] =	stream.linear.gather [hbm4b:s28+s26], $0x1000, $0x38;
	[tilespmem:$0x1D280] =	vst v63  }
0x12a: {  	_ =	swait.ge [sflag:s16], $0x1000  }
0x12b: {  	[sflag:s16] =	ssyncset.done $0x0  }
0x12c: {  	s29 =	simm.s32 $0x1000;
	s28 =	rddreg [dreg:$0x6];
	[sflag:s16] =	ssyncadd.s32 $0xFFFFF000  }
0x12d: {  	[tilespmem:s29], [sflag:$0x3] =	stream.linear.gather [hbm4b:s28+s26], $0x1000, $0x38;
	[tilespmem:$0x1D280] =	vst v63  }
0x12e: {  	_ =	swait.ge [sflag:s16], $0x1000  }
0x12f: {  	s30 =	simm.s32 $0x0;
	[sflag:s16] =	ssyncset.done $0x0  }
0x130: {  	s28 =	simm.s32 $0x2000;
	s29 =	simm.s32 $0x3800;
	[sflag:s16] =	ssyncadd.s32 $0xFFFFF000  }
.LBB2_3:
0x131: {  	p2 =	sne.s32 s30, $0x17F0  }
.Ltmp3:
0x132: {  	_ = 	snop;
	(pc) =	sbr.rel @p2 .LBB2_3-.Ltmp3, $4  }
0x133: {  	v6 =	vor.u32 s30, v0  }
0x134: {  	v6 =	vand.u32 $0x7FF, v6  }
0x135: {  	[tilespmem:s28+$0x0] =	vst v6  }
0x136: {  	s30 =	sadd.s32 $0x10, s30;
	s28 =	sadd.s32 $0x10, s28;
	[tilespmem:s29+$0x0] =	vst v1;
	s29 =	sadd.s32 $0x10, s29  }
0x137: {  	v6 =	vld [tilespmem:s26+$0x0];
	_ =	sdelay $0x2  }
0x138: {  	v7 =	vmov s26  }
0x139: {  	vm2 =	veq.s32 v7, v0  }
0x13a: {  	v7 =	vor.u32 s26, v0;
	vm2 =	vmand vm2, vm0  }
0x13b: {  	v7 =	vshrl.u32 v7, $0x1;
	v8 =	vsel vm2, $0xFFFFFFFF, v2  }
0x13c: {  	v7 =	vadd.s32 v8, v7  }
0x13d: {  	s26 =	simm.s32 $0x1000;
	[tilespmem:v6+s18+$0x0] =	vst.idx.msk $0xffff, v7  }
0x13e: {  	v7 =	vld [tilespmem:s26+$0x0];
	_ =	sdelay $0x4  }
0x13f: {  	s28 =	simm.s32 $0x10;
	[tilespmem:v6+s19+$0x0] =	vst.idx.msk $0xffff, v7  }
0x140: {  	s29 =	simm.s32 $0x20;
	s30 =	simm.s32 $0x10;
	v6 =	vld [tilespmem:s28+$0x0]  }
.LBB2_5:
0x141: {  	p2 =	sne.s32 s29, $0xFF0;
	_ =	sdelay $0x1  }
0x142: {  	v7 =	vmov s28  }
0x143: {  	vm2 =	veq.s32 v7, v0  }
0x144: {  	v7 =	vor.u32 s28, v0;
	s28 =	smov.u32 s29;
	vm2 =	vmand vm2, vm0  }
0x145: {  	v7 =	vshrl.u32 v7, $0x1;
	v8 =	vsel vm2, $0xFFFFFFFF, v2  }
0x146: {  	v7 =	vadd.s32 v8, v7  }
0x147: {  	s26 =	sadd.s32 $0x10, s26;
	[tilespmem:v6+s18+$0x0] =	vst.idx.msk $0xffff, v7  }
0x148: {  	v7 =	vld [tilespmem:s26+$0x0];
	_ =	sdelay $0x1  }
.Ltmp4:
0x149: {  	(pc) =	sbr.rel @p2 .LBB2_5-.Ltmp4, $3  }
0x14a: {  	_ =	sdelay $0x1  }
0x14b: {  	s30 =	sadd.s32 $0x10, s30;
	[tilespmem:v6+s19+$0x0] =	vst.idx.msk $0xffff, v7  }
0x14c: {  	s29 =	sadd.s32 $0x10, s29;
	v6 =	vld [tilespmem:s30+$0x0]  }
0x14d: {  	_ =	sdelay $0x2  }
0x14e: {  	v7 =	vmov s28  }
0x14f: {  	vm2 =	veq.s32 v7, v0  }
0x150: {  	v7 =	vor.u32 s28, v0;
	vm2 =	vmand vm2, vm0  }
0x151: {  	v7 =	vshrl.u32 v7, $0x1;
	v8 =	vsel vm2, $0xFFFFFFFF, v2  }
0x152: {  	v7 =	vadd.s32 v8, v7  }
0x153: {  	s26 =	sadd.s32 $0x10, s26;
	[tilespmem:v6+s18+$0x0] =	vst.idx.msk $0xffff, v7  }
0x154: {  	v7 =	vld [tilespmem:s26+$0x0];
	_ =	sdelay $0x4  }
0x155: {  	s30 =	rddreg [dreg:$0x3];
	[tilespmem:v6+s19+$0x0] =	vst.idx.msk $0xffff, v7  }
0x156: {  	[spmem:s30] =	stream.linear.scatter [tilespmem:s18], [sflag:$0x3], $0x1800, $0x38;
	[tilespmem:$0x1D280] =	vst v63  }
0x157: {  	_ =	swait.ge [sflag:s16], $0x1800  }
0x158: {  	[sflag:s16] =	ssyncset.done $0x0  }
0x159: {  	[sflag:s16] =	ssyncadd.s32 $0xFFFFE800  }
0x15a: {  	s28 =	simm.s32 @!p1 $0x3800;
	s26 =	simm.s32 @!p1 $0x0;
	s29 =	rddreg [dreg:$0x2]  }
0x15b: {  	[hbm4b:s29+s26] =	stream.linear.scatter @!p1 [tilespmem:s28], [sflag:$0x3], $0x1800, $0x38;
	[tilespmem:$0x1D280] =	vst v63  }
.Ltmp5:
0x15c: {  	_ = 	snop;
	(pc) =	sbr.rel .LBB2_7-.Ltmp5, $4  }
0x15d: {  	s26 =	simm.s32 @!p1 $0x3  }
0x15e: {  	_ =	swait.ge @!p1 [sflag:s26], $0x1800  }
0x15f: {  	[sflag:s26] =	ssyncset.done @!p1 $0x0  }
0x160: {  	[sflag:s26] =	ssyncadd.s32 @!p1 $0xFFFFE800  }
.LBB2_8:
0x161: {  	_ =	sfence.sel $0x180000  }
0x162: {  	[bflag:$0x0] =	sbarrier.arrive $0xFFFF  }
0x163: {  	_ =	strace $0x90000047  }
0x164: {  	[bflag:$0x2] =	sbarrier.arrive $0xFFFF  }
0x165: {  	s0 =	rddreg [dreg:$0x4]  }
0x166: {  	s0 =	sadd.s32 @!p0 $0x100000, s0  }
0x167: {  	[sflag:s0] =	ssyncadd.tile.s32 @!p0 $0x1;
	_ =	shalt  }
.Lfunc_end2:
_tile_overlayer_lowered:
.L_overlay_start_2:
0x168: {  	(tag) =	ssettag $0x2  }
0x169: {  	s0 =	rddreg [dreg:$0x0];
	s2 =	stileid.u32  }
0x16a: {  	s1 =	rddreg [dreg:$0x1];
	p0 =	sne.s32 s2, $0x0  }
0x16b: {  	s3 =	rddreg [dreg:$0x2];
	[bflag:$0x3] =	sbarrier.arrive $0xFFFF;
	s2 =	simm.s32 @!p0 $0x1C03  }
0x16c: {  	[timem:s3], [sflag:s2] =	dma.local @!p0 [hbm:s0], s1  }
0x16d: {  	s0 =	simm.s32 @!p0 $0x3  }
0x16e: {  	_ =	swait.ge @!p0 [sflag:s0], s1  }
0x16f: {  	s1 =	ssub.s32 @!p0 $0x0, s1;
	[sflag:s0] =	ssyncset.done @!p0 $0x0  }
0x170: {  	[sflag:s0] =	ssyncadd.s32 @!p0 s1  }
0x171: {  	[bflag:$0x3] =	sbarrier.arrive $0xFFFF  }
0x172: {  	_ =	shalt  }

// kernel: kernel.9.cloned.1.call-start
scs
__scs_entry_jumppad:
0x0: {  	(pc) =	sbr.rel $0x88, $3  }
0x1: {  	(tag) =	ssettag $0x0;
	lr =	simm.s32 $0x1  }
0x2: {  	[smem:$0x3F9D] =	sst lr;
	_ =	strace $0xD0000000  }
0x3: {  	_ = 	snop  }
0x4: {  	_ = 	snop  }
0x5: {  	_ = 	snop  }
0x6: {  	_ = 	snop  }
0x7: {  	_ = 	snop  }
__scs_overlays_trampoline_lowered:
0x8: {  	[smem:$0x3FAC] =	sst s0  }
0x9: {  	[smem:$0x3FAD] =	sst s1  }
0xa: {  	[smem:$0x3FAE] =	sst s2  }
0xb: {  	[smem:$0x3FAF] =	sst s3  }
0xc: {  	[smem:$0x3FB0] =	sst s4  }
0xd: {  	[smem:$0x3FB1] =	sst s5  }
0xe: {  	[smem:$0x3FB2] =	sst s6  }
0xf: {  	[smem:$0x3FB3] =	sst s7  }
0x10: {  	[smem:$0x3FB4] =	sst s8  }
0x11: {  	[smem:$0x3FB5] =	sst s9;
	s0 =	simm.s32 @!p0 $0x0  }
0x12: {  	s1 =	sld [smem:$0x3F9B];
	s0 =	simm.s32 @p0 $0x1  }
0x13: {  	[smem:$0x3FB6] =	sst s0;
	s0 =	simm.s32 @!p1 $0x0  }
0x14: {  	s2 =	sld [smem:$0x3F9A];
	s0 =	simm.s32 @p1 $0x1  }
0x15: {  	[smem:$0x3FB7] =	sst s0;
	s0 =	simm.s32 @!p2 $0x0  }
0x16: {  	s3 =	sld [smem:$0x3FDB];
	s0 =	simm.s32 @p2 $0x1  }
0x17: {  	s4 =	simm.s32 $0x1BF5;
	[smem:$0x3FB9] =	sst s0  }
0x18: {  	s0 =	sld [smem:$0x3F9C];
	_ =	swait.ge [sflag:s4], $0x0  }
0x19: {  	s7 =	sld [smem:$0x3F9D]  }
0x1a: {  	s8 =	sadd.s32 $0xFFFFE003, lr  }
0x1b: {  	s9 =	sadd.s32 $0xFFFFFEF7, lr;
	s5 =	simm.s32 $0xFFFFFFFF;
	p2 =	slt.u32 s8, $0xFFFFF086  }
0x1c: {  	p1 =	slt.u32 s9, $0xF7A;
	s5 =	simm.s32 @!p2 $0x0  }
0x1d: {  	s5 =	simm.s32 @p1 $0x1;
	p0 =	seq.s32 s7, s2  }
0x1e: {  	s7 =	smul.u32 @!p0 $0xF7A, s2;
	p2 =	seq.s32 @!p0 s5, $0x0  }
0x1f: {  	s9 =	smul.u32 $0xF7A, s1;
	s8 =	simm.s32 @!p0 $0x1BF5;
	p2 =	por !p2, p0  }
0x20: {  	[sflag:s8] =	ssyncset.s32 @!p0 $0xFFFFF086;
	s6 =	sadd.s32 @!p0 s3, s7;
	s7 =	simm.s32 @!p0 $0x108  }
0x21: {  	s3 =	sadd.s32 s3, s9;
	s6 =	sadd.s32 @!p0 $0x88, s6;
	s7 =	simm.s32 @p2 $0x1082  }
0x22: {  	[simem:s7], [sflag:s8] =	dma.local @!p0 [hbm:s6], $0xF7A  }
0x23: {  	s9 =	sor.u32 $0xD0000000, s2;
	s6 =	simm.s32 $0x108;
	_ =	swait.ge @!p0 [sflag:s8], $0x0  }
0x24: {  	s3 =	sadd.s32 $0x88, s3;
	s6 =	simm.s32 @!p1 $0x1082;
	[sflag:s4] =	ssyncset.s32 $0xFFFFF086  }
0x25: {  	[simem:s6], [sflag:s4] =	dma.local [hbm:s3], $0xF7A  }
0x26: {  	[smem:$0x3F9D] =	sst s1;
	(tag) =	ssettag s2;
	_ =	strace s9  }
0x27: {  	s1 =	sld [smem:$0x3FAD]  }
0x28: {  	s2 =	sld [smem:$0x3FAE]  }
0x29: {  	s4 =	sld [smem:$0x3FB0]  }
0x2a: {  	p0 =	seq.s32 s5, $0x0;
	s5 =	sld [smem:$0x3FB1]  }
0x2b: {  	s6 =	sld [smem:$0x3FB2]  }
0x2c: {  	s7 =	sld [smem:$0x3FB3]  }
0x2d: {  	s3 =	simm.s32 $0x108;
	s8 =	sld [smem:$0x3FB4]  }
0x2e: {  	s3 =	simm.s32 @!p0 $0x1082;
	s9 =	sld [smem:$0x3FB5]  }
0x2f: {  	lr =	sadd.s32 s0, s3;
	s0 =	sld [smem:$0x3FAC]  }
0x30: {  	s3 =	sld [smem:$0x3FAF]  }
0x31: {  	[smem:$0x3FB8] =	sst s10  }
0x32: {  	s10 =	sld [smem:$0x3FB6];
	_ =	sdelay $0x3  }
0x33: {  	p0 =	seq.s32 s10, $0x1;
	s10 =	sld [smem:$0x3FB8];
	_ =	sdelay $0x3  }
0x34: {  	[smem:$0x3FB8] =	sst s10  }
0x35: {  	s10 =	sld [smem:$0x3FB7];
	_ =	sdelay $0x3  }
0x36: {  	p1 =	seq.s32 s10, $0x1;
	s10 =	sld [smem:$0x3FB8];
	_ =	sdelay $0x3  }
0x37: {  	[smem:$0x3FB8] =	sst s10  }
0x38: {  	s10 =	sld [smem:$0x3FB9]  }
0x39: {  	_ = 	snop;
	(pc) =	sbr.ind lr, $3  }
0x3a: {  	_ = 	snop  }
0x3b: {  	_ = 	snop  }
0x3c: {  	p2 =	seq.s32 s10, $0x1;
	s10 =	sld [smem:$0x3FB8]  }
0x3d: {  	_ =	shalt  }
0x3e: {  	_ =	shalt  }
0x3f: {  	_ =	shalt  }
0x40: {  	_ =	shalt  }
0x41: {  	_ =	shalt  }
0x42: {  	_ =	shalt  }
0x43: {  	_ =	shalt  }
0x44: {  	_ =	shalt  }
0x45: {  	_ =	shalt  }
0x46: {  	_ =	shalt  }
0x47: {  	_ =	shalt  }
0x48: {  	_ =	shalt  }
0x49: {  	_ =	shalt  }
0x4a: {  	_ =	shalt  }
0x4b: {  	_ =	shalt  }
0x4c: {  	_ =	shalt  }
0x4d: {  	_ =	shalt  }
0x4e: {  	_ =	shalt  }
0x4f: {  	_ =	shalt  }
0x50: {  	_ =	shalt  }
0x51: {  	_ =	shalt  }
0x52: {  	_ =	shalt  }
0x53: {  	_ =	shalt  }
0x54: {  	_ =	shalt  }
0x55: {  	_ =	shalt  }
0x56: {  	_ =	shalt  }
0x57: {  	_ =	shalt  }
0x58: {  	_ =	shalt  }
0x59: {  	_ =	shalt  }
0x5a: {  	_ =	shalt  }
0x5b: {  	_ =	shalt  }
0x5c: {  	_ =	shalt  }
0x5d: {  	_ =	shalt  }
0x5e: {  	_ =	shalt  }
0x5f: {  	_ =	shalt  }
0x60: {  	_ =	shalt  }
0x61: {  	_ =	shalt  }
0x62: {  	_ =	shalt  }
0x63: {  	_ =	shalt  }
0x64: {  	_ =	shalt  }
0x65: {  	_ =	shalt  }
0x66: {  	_ =	shalt  }
0x67: {  	_ =	shalt  }
0x68: {  	_ =	shalt  }
0x69: {  	_ =	shalt  }
0x6a: {  	_ =	shalt  }
0x6b: {  	_ =	shalt  }
0x6c: {  	_ =	shalt  }
0x6d: {  	_ =	shalt  }
0x6e: {  	_ =	shalt  }
0x6f: {  	_ =	shalt  }
0x70: {  	_ =	shalt  }
0x71: {  	_ =	shalt  }
0x72: {  	_ =	shalt  }
0x73: {  	_ =	shalt  }
0x74: {  	_ =	shalt  }
0x75: {  	_ =	shalt  }
0x76: {  	_ =	shalt  }
0x77: {  	_ =	shalt  }
0x78: {  	_ =	shalt  }
0x79: {  	_ =	shalt  }
0x7a: {  	_ =	shalt  }
0x7b: {  	_ =	shalt  }
0x7c: {  	_ =	shalt  }
0x7d: {  	_ =	shalt  }
0x7e: {  	_ =	shalt  }
0x7f: {  	_ =	shalt  }
0x80: {  	_ =	shalt  }
0x81: {  	_ =	shalt  }
0x82: {  	_ =	shalt  }
0x83: {  	_ =	shalt  }
0x84: {  	_ =	shalt  }
0x85: {  	_ =	shalt  }
0x86: {  	_ =	shalt  }
0x87: {  	_ =	shalt  }
.Lfunc_end0:
.L_simem_size_0:
called_computation.1_lowered:
.L_overlay_start_0:
0x88: {  	s2 =	sld [smem:$0x3FD9]  }
0x89: {  	s3 =	sld [smem:$0x3FFE];
	_ =	sdelay $0x1  }
0x8a: {  	s1 =	srdreg.scid  }
0x8b: {  	s0 =	sand.u32 $0x1, s1  }
0x8c: {  	s17 =	sshll.u32 s0, $0xA;
	s2 =	sadd.s32 s3, s2  }
0x8d: {  	s2 =	sadd.s32 s2, s17  }
0x8e: {  	[smem:$0x3FC4] =	sst s2  }
0x8f: {  	_ = 	snop  }
0x90: {  	s2 =	sld [smem:$0x3FD0];
	(tm) =	ssettm $0x1  }
0x91: {  	s18 =	sld [smem:$0x3FFB];
	_ =	sdelay $0x3  }
0x92: {  	_ =	strace s18  }
0x93: {  	s3 =	sld [smem:$0x3FFC];
	_ =	sdelay $0x3  }
0x94: {  	_ =	strace s3  }
0x95: {  	s3 =	sld [smem:$0x3FFD];
	_ =	sdelay $0x3  }
0x96: {  	_ =	strace s3  }
0x97: {  	_ =	strace $0x8FFFFFFF  }
0x98: {  	s19 =	sld [smem:$0x3FDB];
	_ =	sdelay $0x1  }
0x99: {  	s4 =	simm.s32 $_scs_section_size  }
0x9a: {  	s5 =	simm.s32 $_size__tile_overlayer_lowered;
	s6 =	simm.s32 $_tile_overlayer_lowered  }
0x9b: {  	s22 =	simm.s32 $0x1BFF;
	s21 =	sshll.u32 s6, $0x1;
	s3 =	sadd.s32 s4, s19  }
0x9c: {  	s7 =	simm.s32 $0x0;
	s20 =	sshll.u32 s5, $0x1;
	s5 =	sadd.s32 s21, s3  }
0x9d: {  	[timem:s7], [sflag:s22] =	dma.local [hbm:s5], s20  }
0x9e: {  	_ =	swait.ge [sflag:s22], s20  }
0x9f: {  	s4 =	ssub.s32 $0x0, s20;
	[sflag:s22] =	ssyncset.done $0x0  }
0xa0: {  	[sflag:s22] =	ssyncadd.s32 s4;
	_ =	sdelay $0x1  }
0xa1: {  	s23 =	simm.s32 $0x1B8B  }
0xa2: {  	_ =	swait.ge [sflag:s23], $0x1  }
0xa3: {  	[sflag:s23] =	ssyncset.done $0x0  }
0xa4: {  	s25 =	simm.s32 $0x1B8E;
	s24 =	sld [smem:$0x3FFE];
	[sflag:s23] =	ssyncadd.s32 $0xFFFFFFFF  }
0xa5: {  	s26 =	simm.s32 $execute0_lowered;
	[smem:$0x3FD2] =	sst s25  }
0xa6: {  	s5 =	sshll.u32 s26, $0x1;
	_ =	strace $0x80000049;
	[dreg:$0x1] =	wrdreg $0xFFFFFFFF  }
0xa7: {  	s28 =	simm.s32 $_size_execute0_lowered;
	s3 =	sadd.s32 s3, s5;
	[dreg:$0x0] =	wrdreg $0x0  }
0xa8: {  	s5 =	sshll.u32 s28, $0x1;
	[dreg:$0x2] =	wrdreg s3  }
0xa9: {  	[dreg:$0x3] =	wrdreg s5  }
0xaa: {  	[dreg:$0x4] =	wrdreg $0xC0  }
0xab: {  	_ =	task [dreg:s7], $0x5FFFF  }
0xac: {  	[dreg:$0x1] =	wrdreg $0xFFFFFFFF  }
0xad: {  	[dreg:$0x0] =	wrdreg $0x60  }
0xae: {  	[dreg:$0x2] =	wrdreg s24  }
0xaf: {  	[dreg:$0x3] =	wrdreg s2  }
0xb0: {  	[dreg:$0x4] =	wrdreg $0x9  }
0xb1: {  	_ =	task.clear_ibuf [dreg:s7], $0x5FFFF;
	_ =	strace $0x90000049  }
0xb2: {  	s29 =	simm.s32 $0x9;
	_ =	strace $0x8000004B  }
0xb3: {  	_ =	swait.ge [sflag:s29], $0x1  }
0xb4: {  	[sflag:s29] =	ssyncadd.s32 $0xFFFFFFFF  }
0xb5: {  	_ =	strace $0x9000004B  }
0xb6: {  	_ =	sfence  }
0xb7: {  	s30 =	sld [smem:$0x0];
	_ =	sdelay $0x2  }
0xb8: {  	s31 =	sshll.u32 s1, $0xD;
	s1 =	sshrl.u32 s1, $0x2  }
0xb9: {  	s3 =	sand.u32 $0x4000, s31;
	s1 =	sadd.s32 s1, s30  }
0xba: {  	s0 =	sor.u32 s3, s0;
	s1 =	sshll.u32 s1, $0x11  }
0xbb: {  	s0 =	sor.u32 s1, s0  }
0xbc: {  	s0 =	sadd.s32 $0x8F2B, s0  }
0xbd: {  	[sflag:s0] =	ssyncadd.remote.s32 $0x1  }
0xbe: {  	_ =	sfence.sel $0xFFFF  }
0xbf: {  	[dreg:$0x0] =	wrdreg $0xFFFFFFFF;
	(pc) =	sbr.abs _section_cstart, $3  }
0xc0: {  	[dreg:$0x1] =	wrdreg $0xFFFFFFFF  }
0xc1: {  	_ =	task.clear_ibuf [dreg:s7], $0x2FFFF;
	_ =	strace $0x9FFFFFFF  }
0xc2: {  	(tm) =	ssettm $0x7FFFFFFF  }
0xc3: {  	_ =	shalt  }
tec
execute0_lowered:
.L_overlay_start_1:
0x0: {  	(tag) =	ssettag $0x1  }
0x1: {  	s0 =	rddreg [dreg:$0x0]  }
0x2: {  	s1 =	rddreg [dreg:$0x1]  }
0x3: {  	s3 =	srdreg.scid;
	s2 =	simm.s32 $0x0;
	s4 =	stileid.u32  }
0x4: {  	s10 =	simm.s32 $0x2;
	s12 =	simm.s32 $0x100;
	s25 =	simm.s32 $0x11100  }
0x5: {  	s28 =	simm.s32 $0x12100;
	s29 =	simm.s32 $0x12900;
	s30 =	simm.s32 $0x13100  }
0x6: {  	s31 =	simm.s32 $0x13900;
	s11 =	simm.s32 $0x15100;
	s13 =	simm.s32 $0x15900  }
0x7: {  	s14 =	simm.s32 $0x16100;
	s15 =	simm.s32 $0x16900;
	s16 =	simm.s32 $0x17100  }
0x8: {  	s17 =	simm.s32 $0x17900;
	s18 =	simm.s32 $0x1;
	s19 =	simm.s32 $0x0  }
0x9: {  	s3 =	sand.u32 $0x1, s3;
	[smem:$0x7FF] =	sst s2;
	s4 =	sshll.u32 s4, $0x4  }
0xa: {  	s5 =	sshll.u32 s3, $0x3;
	_ =	strace $0x8000004A;
	s26 =	ssub.s32 $0x2, s3  }
0xb: {  	s3 =	sadd.s32 $0xC00, s0;
	s5 =	sor.u32 s5, s4;
	s7 =	sshrl.u32 s26, $0x1  }
0xc: {  	s6 =	sadd.s32 s5, s0;
	s9 =	ssub.s32 s26, s7;
	s8 =	smul.u32 $0x300, s5  }
0xd: {  	v2 =	vlaneseq.u32;
	s7 =	sadd.s32 $0xE00, s0;
	s26 =	simm.s32 $0x11900;
	s4 =	sadd.s32 $0x91200, s6  }
0xe: {  	vm0 =	vmmov $0xffff;
	v1 =	vshrl.u32 v2, $0x3;
	s5 =	sadd.s32 $0x91000, s6;
	s6 =	sadd.s32 $0xD00, s0;
	s9 =	smax.u32 s9, $0x1  }
0xf: {  	v0 =	vand.u32 $0x7, v2;
	v2 =	vor.u32 $0x8, v2;
	v1 =	vmul.u32 $0x8, v1;
	s0 =	simm.s32 $0x14100;
	s8 =	sadd.s32 s1, s8;
	s1 =	simm.s32 $0x14900  }
.LBB2_1:
0x10: {  	[tilespmem:s2], [sflag:$0x2] =	stream.linear.gather [hbm4b:s4+s2], $0x40, $0x38;
	[tilespmem:$0x18100] =	vst v63  }
0x11: {  	_ =	swait.ge [sflag:s10], $0x40  }
0x12: {  	[sflag:s10] =	ssyncset.done $0x0  }
0x13: {  	s20 =	simm.s32 $0x80;
	[sflag:s10] =	ssyncadd.s32 $0xFFFFFFC0  }
0x14: {  	[tilespmem:s20], [sflag:$0x2] =	stream.linear.gather [hbm4b:s5+s2], $0x40, $0x38;
	[tilespmem:$0x18100] =	vst v63  }
0x15: {  	_ =	swait.ge [sflag:s10], $0x40  }
0x16: {  	[sflag:s10] =	ssyncset.done $0x0  }
0x17: {  	[sflag:s10] =	ssyncadd.s32 $0xFFFFFFC0  }
0x18: {  	v3 =	vld [tilespmem:$0x0];
	_ =	sdelay $0x4  }
0x19: {  	v4 =	vshrl.u32 v3, $0x3  }
0x1a: {  	v4 =	vmul.u32 $0x30, v4  }
0x1b: {  	v3 =	vand.u32 $0x7, v3  }
0x1c: {  	v3 =	vor.u32 v3, v4  }
0x1d: {  	v4 =	vperm.xlane v3, v0;
	_ =	sdelay $0x1  }
0x1e: {  	v4 =	vadd.s32 v1, v4;
	_ =	sdelay $0x3  }
0x1f: {  	v3 =	vperm.xlane v3, v2  }
0x20: {  	[tilespmem:s12], [sflag:$0x1] =	stream.indirect_vreg.gather [hbm4b:s3+s2], $0x80, v4, vm0, $0xb8;
	[tilespmem:$0x18100] =	vst v63  }
0x21: {  	s23 =	simm.s32 $0x900;
	v3 =	vadd.s32 v1, v3  }
0x22: {  	[tilespmem:s23], [sflag:$0x1] =	stream.indirect_vreg.gather [hbm4b:s6+s2], $0x80, v4, vm0, $0xb8;
	[tilespmem:$0x18100] =	vst v63  }
0x23: {  	s24 =	simm.s32 $0x1100  }
0x24: {  	[tilespmem:s24], [sflag:$0x1] =	stream.indirect_vreg.gather [hbm4b:s7+s2], $0x80, v4, vm0, $0xb8;
	[tilespmem:$0x18100] =	vst v63  }
0x25: {  	s21 =	simm.s32 $0x1900  }
0x26: {  	[tilespmem:s21], [sflag:$0x1] =	stream.indirect_vreg.gather [hbm4b:s3+s2], $0x80, v3, vm0, $0xb8;
	[tilespmem:$0x18100] =	vst v63  }
0x27: {  	s22 =	simm.s32 $0x2100  }
0x28: {  	[tilespmem:s22], [sflag:$0x1] =	stream.indirect_vreg.gather [hbm4b:s6+s2], $0x80, v3, vm0, $0xb8;
	[tilespmem:$0x18100] =	vst v63  }
0x29: {  	s23 =	simm.s32 $0x2900  }
0x2a: {  	[tilespmem:s23], [sflag:$0x1] =	stream.indirect_vreg.gather [hbm4b:s7+s2], $0x80, v3, vm0, $0xb8;
	[tilespmem:$0x18100] =	vst v63  }
0x2b: {  	v3 =	vld [tilespmem:$0x10];
	_ =	sdelay $0x4  }
0x2c: {  	v4 =	vshrl.u32 v3, $0x3  }
0x2d: {  	v4 =	vmul.u32 $0x30, v4  }
0x2e: {  	v3 =	vand.u32 $0x7, v3  }
0x2f: {  	v3 =	vor.u32 v3, v4  }
0x30: {  	v4 =	vperm.xlane v3, v0;
	_ =	sdelay $0x1  }
0x31: {  	v4 =	vadd.s32 v1, v4;
	_ =	sdelay $0x3  }
0x32: {  	s24 =	simm.s32 $0x3100;
	v3 =	vperm.xlane v3, v2  }
0x33: {  	[tilespmem:s24], [sflag:$0x1] =	stream.indirect_vreg.gather [hbm4b:s3+s2], $0x80, v4, vm0, $0xb8;
	[tilespmem:$0x18100] =	vst v63  }
0x34: {  	s21 =	simm.s32 $0x3900;
	v3 =	vadd.s32 v1, v3  }
0x35: {  	[tilespmem:s21], [sflag:$0x1] =	stream.indirect_vreg.gather [hbm4b:s6+s2], $0x80, v4, vm0, $0xb8;
	[tilespmem:$0x18100] =	vst v63  }
0x36: {  	s22 =	simm.s32 $0x4100  }
0x37: {  	[tilespmem:s22], [sflag:$0x1] =	stream.indirect_vreg.gather [hbm4b:s7+s2], $0x80, v4, vm0, $0xb8;
	[tilespmem:$0x18100] =	vst v63  }
0x38: {  	s23 =	simm.s32 $0x4900  }
0x39: {  	[tilespmem:s23], [sflag:$0x1] =	stream.indirect_vreg.gather [hbm4b:s3+s2], $0x80, v3, vm0, $0xb8;
	[tilespmem:$0x18100] =	vst v63  }
0x3a: {  	s24 =	simm.s32 $0x5100  }
0x3b: {  	[tilespmem:s24], [sflag:$0x1] =	stream.indirect_vreg.gather [hbm4b:s6+s2], $0x80, v3, vm0, $0xb8;
	[tilespmem:$0x18100] =	vst v63  }
0x3c: {  	s21 =	simm.s32 $0x5900  }
0x3d: {  	[tilespmem:s21], [sflag:$0x1] =	stream.indirect_vreg.gather [hbm4b:s7+s2], $0x80, v3, vm0, $0xb8;
	[tilespmem:$0x18100] =	vst v63  }
0x3e: {  	v3 =	vld [tilespmem:$0x20];
	_ =	sdelay $0x4  }
0x3f: {  	v4 =	vshrl.u32 v3, $0x3  }
0x40: {  	v4 =	vmul.u32 $0x30, v4  }
0x41: {  	v3 =	vand.u32 $0x7, v3  }
0x42: {  	v3 =	vor.u32 v3, v4  }
0x43: {  	v4 =	vperm.xlane v3, v0;
	_ =	sdelay $0x1  }
0x44: {  	v4 =	vadd.s32 v1, v4;
	_ =	sdelay $0x3  }
0x45: {  	s22 =	simm.s32 $0x6100;
	v3 =	vperm.xlane v3, v2  }
0x46: {  	[tilespmem:s22], [sflag:$0x1] =	stream.indirect_vreg.gather [hbm4b:s3+s2], $0x80, v4, vm0, $0xb8;
	[tilespmem:$0x18100] =	vst v63  }
0x47: {  	s23 =	simm.s32 $0x6900;
	v3 =	vadd.s32 v1, v3  }
0x48: {  	[tilespmem:s23], [sflag:$0x1] =	stream.indirect_vreg.gather [hbm4b:s6+s2], $0x80, v4, vm0, $0xb8;
	[tilespmem:$0x18100] =	vst v63  }
0x49: {  	s24 =	simm.s32 $0x7100  }
0x4a: {  	[tilespmem:s24], [sflag:$0x1] =	stream.indirect_vreg.gather [hbm4b:s7+s2], $0x80, v4, vm0, $0xb8;
	[tilespmem:$0x18100] =	vst v63  }
0x4b: {  	s21 =	simm.s32 $0x7900  }
0x4c: {  	[tilespmem:s21], [sflag:$0x1] =	stream.indirect_vreg.gather [hbm4b:s3+s2], $0x80, v3, vm0, $0xb8;
	[tilespmem:$0x18100] =	vst v63  }
0x4d: {  	s22 =	simm.s32 $0x8100  }
0x4e: {  	[tilespmem:s22], [sflag:$0x1] =	stream.indirect_vreg.gather [hbm4b:s6+s2], $0x80, v3, vm0, $0xb8;
	[tilespmem:$0x18100] =	vst v63  }
0x4f: {  	s23 =	simm.s32 $0x8900  }
0x50: {  	[tilespmem:s23], [sflag:$0x1] =	stream.indirect_vreg.gather [hbm4b:s7+s2], $0x80, v3, vm0, $0xb8;
	[tilespmem:$0x18100] =	vst v63  }
0x51: {  	v3 =	vld [tilespmem:$0x30];
	_ =	sdelay $0x4  }
0x52: {  	v4 =	vshrl.u32 v3, $0x3  }
0x53: {  	v4 =	vmul.u32 $0x30, v4  }
0x54: {  	v3 =	vand.u32 $0x7, v3  }
0x55: {  	v3 =	vor.u32 v3, v4  }
0x56: {  	v4 =	vperm.xlane v3, v0;
	_ =	sdelay $0x1  }
0x57: {  	v4 =	vadd.s32 v1, v4;
	_ =	sdelay $0x3  }
0x58: {  	s24 =	simm.s32 $0x9100;
	v3 =	vperm.xlane v3, v2  }
0x59: {  	[tilespmem:s24], [sflag:$0x1] =	stream.indirect_vreg.gather [hbm4b:s3+s2], $0x80, v4, vm0, $0xb8;
	[tilespmem:$0x18100] =	vst v63  }
0x5a: {  	s21 =	simm.s32 $0x9900;
	v3 =	vadd.s32 v1, v3  }
0x5b: {  	[tilespmem:s21], [sflag:$0x1] =	stream.indirect_vreg.gather [hbm4b:s6+s2], $0x80, v4, vm0, $0xb8;
	[tilespmem:$0x18100] =	vst v63  }
0x5c: {  	s22 =	simm.s32 $0xA100  }
0x5d: {  	[tilespmem:s22], [sflag:$0x1] =	stream.indirect_vreg.gather [hbm4b:s7+s2], $0x80, v4, vm0, $0xb8;
	[tilespmem:$0x18100] =	vst v63  }
0x5e: {  	s23 =	simm.s32 $0xA900  }
0x5f: {  	[tilespmem:s23], [sflag:$0x1] =	stream.indirect_vreg.gather [hbm4b:s3+s2], $0x80, v3, vm0, $0xb8;
	[tilespmem:$0x18100] =	vst v63  }
0x60: {  	s24 =	simm.s32 $0xB100  }
0x61: {  	[tilespmem:s24], [sflag:$0x1] =	stream.indirect_vreg.gather [hbm4b:s6+s2], $0x80, v3, vm0, $0xb8;
	[tilespmem:$0x18100] =	vst v63  }
0x62: {  	s21 =	simm.s32 $0xB900  }
0x63: {  	[tilespmem:s21], [sflag:$0x1] =	stream.indirect_vreg.gather [hbm4b:s7+s2], $0x80, v3, vm0, $0xb8;
	[tilespmem:$0x18100] =	vst v63  }
0x64: {  	v3 =	vld [tilespmem:$0x80];
	_ =	sdelay $0x4  }
0x65: {  	v4 =	vshrl.u32 v3, $0x3  }
0x66: {  	v4 =	vmul.u32 $0x30, v4  }
0x67: {  	v3 =	vand.u32 $0x7, v3  }
0x68: {  	v3 =	vor.u32 v3, v4  }
0x69: {  	v4 =	vperm.xlane v3, v0;
	_ =	sdelay $0x1  }
0x6a: {  	v4 =	vadd.s32 v1, v4;
	_ =	sdelay $0x3  }
0x6b: {  	s22 =	simm.s32 $0xC100;
	v3 =	vperm.xlane v3, v2  }
0x6c: {  	[tilespmem:s22], [sflag:$0x1] =	stream.indirect_vreg.gather [hbm4b:s3+s2], $0x80, v4, vm0, $0xb8;
	[tilespmem:$0x18100] =	vst v63  }
0x6d: {  	s23 =	simm.s32 $0xC900;
	v3 =	vadd.s32 v1, v3  }
0x6e: {  	[tilespmem:s23], [sflag:$0x1] =	stream.indirect_vreg.gather [hbm4b:s6+s2], $0x80, v4, vm0, $0xb8;
	[tilespmem:$0x18100] =	vst v63  }
0x6f: {  	s24 =	simm.s32 $0xD100  }
0x70: {  	[tilespmem:s24], [sflag:$0x1] =	stream.indirect_vreg.gather [hbm4b:s7+s2], $0x80, v4, vm0, $0xb8;
	[tilespmem:$0x18100] =	vst v63  }
0x71: {  	s21 =	simm.s32 $0xD900  }
0x72: {  	[tilespmem:s21], [sflag:$0x1] =	stream.indirect_vreg.gather [hbm4b:s3+s2], $0x80, v3, vm0, $0xb8;
	[tilespmem:$0x18100] =	vst v63  }
0x73: {  	s22 =	simm.s32 $0xE100  }
0x74: {  	[tilespmem:s22], [sflag:$0x1] =	stream.indirect_vreg.gather [hbm4b:s6+s2], $0x80, v3, vm0, $0xb8;
	[tilespmem:$0x18100] =	vst v63  }
0x75: {  	s23 =	simm.s32 $0xE900  }
0x76: {  	[tilespmem:s23], [sflag:$0x1] =	stream.indirect_vreg.gather [hbm4b:s7+s2], $0x80, v3, vm0, $0xb8;
	[tilespmem:$0x18100] =	vst v63  }
0x77: {  	v3 =	vld [tilespmem:$0x90];
	_ =	sdelay $0x4  }
0x78: {  	v4 =	vshrl.u32 v3, $0x3  }
0x79: {  	v4 =	vmul.u32 $0x30, v4  }
0x7a: {  	v3 =	vand.u32 $0x7, v3  }
0x7b: {  	v3 =	vor.u32 v3, v4  }
0x7c: {  	v4 =	vperm.xlane v3, v0;
	_ =	sdelay $0x1  }
0x7d: {  	v4 =	vadd.s32 v1, v4;
	_ =	sdelay $0x3  }
0x7e: {  	s24 =	simm.s32 $0xF100;
	v3 =	vperm.xlane v3, v2  }
0x7f: {  	[tilespmem:s24], [sflag:$0x1] =	stream.indirect_vreg.gather [hbm4b:s3+s2], $0x80, v4, vm0, $0xb8;
	[tilespmem:$0x18100] =	vst v63  }
0x80: {  	s21 =	simm.s32 $0xF900;
	v3 =	vadd.s32 v1, v3  }
0x81: {  	[tilespmem:s21], [sflag:$0x1] =	stream.indirect_vreg.gather [hbm4b:s6+s2], $0x80, v4, vm0, $0xb8;
	[tilespmem:$0x18100] =	vst v63  }
0x82: {  	s22 =	simm.s32 $0x10100  }
0x83: {  	[tilespmem:s22], [sflag:$0x1] =	stream.indirect_vreg.gather [hbm4b:s7+s2], $0x80, v4, vm0, $0xb8;
	[tilespmem:$0x18100] =	vst v63  }
0x84: {  	s23 =	simm.s32 $0x10900  }
0x85: {  	[tilespmem:s23], [sflag:$0x1] =	stream.indirect_vreg.gather [hbm4b:s3+s2], $0x80, v3, vm0, $0xb8;
	[tilespmem:$0x18100] =	vst v63  }
0x86: {  	_ = 	snop  }
0x87: {  	[tilespmem:s25], [sflag:$0x1] =	stream.indirect_vreg.gather [hbm4b:s6+s2], $0x80, v3, vm0, $0xb8;
	[tilespmem:$0x18100] =	vst v63  }
0x88: {  	_ = 	snop  }
0x89: {  	[tilespmem:s26], [sflag:$0x1] =	stream.indirect_vreg.gather [hbm4b:s7+s2], $0x80, v3, vm0, $0xb8;
	[tilespmem:$0x18100] =	vst v63  }
0x8a: {  	v3 =	vld [tilespmem:$0xA0];
	_ =	sdelay $0x4  }
0x8b: {  	v4 =	vshrl.u32 v3, $0x3  }
0x8c: {  	v4 =	vmul.u32 $0x30, v4  }
0x8d: {  	v3 =	vand.u32 $0x7, v3  }
0x8e: {  	v3 =	vor.u32 v3, v4  }
0x8f: {  	v4 =	vperm.xlane v3, v0;
	_ =	sdelay $0x1  }
0x90: {  	v4 =	vadd.s32 v1, v4;
	_ =	sdelay $0x3  }
0x91: {  	v3 =	vperm.xlane v3, v2  }
0x92: {  	[tilespmem:s28], [sflag:$0x1] =	stream.indirect_vreg.gather [hbm4b:s3+s2], $0x80, v4, vm0, $0xb8;
	[tilespmem:$0x18100] =	vst v63  }
0x93: {  	v3 =	vadd.s32 v1, v3  }
0x94: {  	[tilespmem:s29], [sflag:$0x1] =	stream.indirect_vreg.gather [hbm4b:s6+s2], $0x80, v4, vm0, $0xb8;
	[tilespmem:$0x18100] =	vst v63  }
0x95: {  	_ = 	snop  }
0x96: {  	[tilespmem:s30], [sflag:$0x1] =	stream.indirect_vreg.gather [hbm4b:s7+s2], $0x80, v4, vm0, $0xb8;
	[tilespmem:$0x18100] =	vst v63  }
0x97: {  	_ = 	snop  }
0x98: {  	[tilespmem:s31], [sflag:$0x1] =	stream.indirect_vreg.gather [hbm4b:s3+s2], $0x80, v3, vm0, $0xb8;
	[tilespmem:$0x18100] =	vst v63  }
0x99: {  	_ = 	snop  }
0x9a: {  	[tilespmem:s0], [sflag:$0x1] =	stream.indirect_vreg.gather [hbm4b:s6+s2], $0x80, v3, vm0, $0xb8;
	[tilespmem:$0x18100] =	vst v63  }
0x9b: {  	_ = 	snop  }
0x9c: {  	[tilespmem:s1], [sflag:$0x1] =	stream.indirect_vreg.gather [hbm4b:s7+s2], $0x80, v3, vm0, $0xb8;
	[tilespmem:$0x18100] =	vst v63  }
0x9d: {  	v3 =	vld [tilespmem:$0xB0];
	_ =	sdelay $0x4  }
0x9e: {  	v4 =	vshrl.u32 v3, $0x3  }
0x9f: {  	v4 =	vmul.u32 $0x30, v4  }
0xa0: {  	v3 =	vand.u32 $0x7, v3  }
0xa1: {  	v3 =	vor.u32 v3, v4  }
0xa2: {  	v4 =	vperm.xlane v3, v0;
	_ =	sdelay $0x1  }
0xa3: {  	v4 =	vadd.s32 v1, v4;
	_ =	sdelay $0x3  }
0xa4: {  	v3 =	vperm.xlane v3, v2  }
0xa5: {  	[tilespmem:s11], [sflag:$0x1] =	stream.indirect_vreg.gather [hbm4b:s3+s2], $0x80, v4, vm0, $0xb8;
	[tilespmem:$0x18100] =	vst v63  }
0xa6: {  	v3 =	vadd.s32 v1, v3  }
0xa7: {  	[tilespmem:s13], [sflag:$0x1] =	stream.indirect_vreg.gather [hbm4b:s6+s2], $0x80, v4, vm0, $0xb8;
	[tilespmem:$0x18100] =	vst v63  }
0xa8: {  	_ = 	snop  }
0xa9: {  	[tilespmem:s14], [sflag:$0x1] =	stream.indirect_vreg.gather [hbm4b:s7+s2], $0x80, v4, vm0, $0xb8;
	[tilespmem:$0x18100] =	vst v63  }
0xaa: {  	_ = 	snop  }
0xab: {  	[tilespmem:s15], [sflag:$0x1] =	stream.indirect_vreg.gather [hbm4b:s3+s2], $0x80, v3, vm0, $0xb8;
	[tilespmem:$0x18100] =	vst v63  }
0xac: {  	_ = 	snop  }
0xad: {  	[tilespmem:s16], [sflag:$0x1] =	stream.indirect_vreg.gather [hbm4b:s6+s2], $0x80, v3, vm0, $0xb8;
	[tilespmem:$0x18100] =	vst v63  }
0xae: {  	_ = 	snop  }
0xaf: {  	[tilespmem:s17], [sflag:$0x1] =	stream.indirect_vreg.gather [hbm4b:s7+s2], $0x80, v3, vm0, $0xb8;
	[tilespmem:$0x18100] =	vst v63  }
0xb0: {  	_ =	swait.ge [sflag:s18], $0xC000  }
0xb1: {  	[sflag:s18] =	ssyncset.done $0x0  }
0xb2: {  	s24 =	simm.s32 $0x0;
	[sflag:s18] =	ssyncadd.s32 $0xFFFF4000  }
0xb3: {  	s20 =	smul.u32 $0x1800, s24;
	_ =	swait.ge [sflag:s18], $0xC000  }
0xb4: {  	s21 =	sand.u32 $0x380, s2;
	[sflag:s18] =	ssyncset.done $0x0  }
0xb5: {  	s20 =	sor.u32 s21, s20;
	[sflag:s18] =	ssyncadd.s32 $0xFFFF4000  }
0xb6: {  	v12 =	vld [tilespmem:s20+$0xC100]  }
0xb7: {  	v13 =	vld [tilespmem:s20+$0xC110]  }
0xb8: {  	v14 =	vld [tilespmem:s20+$0xC120]  }
0xb9: {  	v15 =	vld [tilespmem:s20+$0xC130]  }
0xba: {  	v16 =	vld [tilespmem:s20+$0xC140]  }
0xbb: {  	v17 =	vld [tilespmem:s20+$0xC150]  }
0xbc: {  	v18 =	vld [tilespmem:s20+$0xC160]  }
0xbd: {  	v19 =	vld [tilespmem:s20+$0xC170]  }
0xbe: {  	v20 =	vld [tilespmem:s20+$0xC500]  }
0xbf: {  	v21 =	vld [tilespmem:s20+$0xC510]  }
0xc0: {  	v22 =	vld [tilespmem:s20+$0xC520]  }
0xc1: {  	v23 =	vld [tilespmem:s20+$0xC530]  }
0xc2: {  	v24 =	vld [tilespmem:s20+$0xC540]  }
0xc3: {  	v25 =	vld [tilespmem:s20+$0xC550]  }
0xc4: {  	v26 =	vld [tilespmem:s20+$0xC560]  }
0xc5: {  	v27 =	vld [tilespmem:s20+$0xC570]  }
0xc6: {  	v28 =	vld [tilespmem:s20+$0xC900]  }
0xc7: {  	v29 =	vld [tilespmem:s20+$0xC910]  }
0xc8: {  	v30 =	vld [tilespmem:s20+$0xC920]  }
0xc9: {  	v31 =	vld [tilespmem:s20+$0xC930]  }
0xca: {  	v32 =	vld [tilespmem:s20+$0xC940]  }
0xcb: {  	v33 =	vld [tilespmem:s20+$0xC950]  }
0xcc: {  	v34 =	vld [tilespmem:s20+$0xC960]  }
0xcd: {  	v35 =	vld [tilespmem:s20+$0xC970]  }
0xce: {  	v36 =	vld [tilespmem:s20+$0xCD00]  }
0xcf: {  	v37 =	vld [tilespmem:s20+$0xCD10]  }
0xd0: {  	v38 =	vld [tilespmem:s20+$0xCD20]  }
0xd1: {  	v39 =	vld [tilespmem:s20+$0xCD30]  }
0xd2: {  	v40 =	vld [tilespmem:s20+$0xCD40]  }
0xd3: {  	v41 =	vld [tilespmem:s20+$0xCD50]  }
0xd4: {  	v42 =	vld [tilespmem:s20+$0xCD60]  }
0xd5: {  	v43 =	vld [tilespmem:s20+$0xCD70]  }
0xd6: {  	v44 =	vld [tilespmem:s20+$0xD100]  }
0xd7: {  	v45 =	vld [tilespmem:s20+$0xD110]  }
0xd8: {  	v46 =	vld [tilespmem:s20+$0xD120]  }
0xd9: {  	v47 =	vld [tilespmem:s20+$0xD130]  }
0xda: {  	v48 =	vld [tilespmem:s20+$0xD140]  }
0xdb: {  	v49 =	vld [tilespmem:s20+$0xD150]  }
0xdc: {  	v50 =	vld [tilespmem:s20+$0xD160]  }
0xdd: {  	v11 =	vld [tilespmem:s20+$0xD170]  }
0xde: {  	v10 =	vld [tilespmem:s20+$0xD500]  }
0xdf: {  	v9 =	vld [tilespmem:s20+$0xD510]  }
0xe0: {  	v8 =	vld [tilespmem:s20+$0xD520]  }
0xe1: {  	v7 =	vld [tilespmem:s20+$0xD530]  }
0xe2: {  	v6 =	vld [tilespmem:s20+$0xD540]  }
0xe3: {  	v51 =	vld [tilespmem:s20+$0x100]  }
0xe4: {  	v52 =	vld [tilespmem:s20+$0x110]  }
0xe5: {  	v53 =	vld [tilespmem:s20+$0x120]  }
0xe6: {  	v54 =	vld [tilespmem:s20+$0x130]  }
0xe7: {  	v55 =	vld [tilespmem:s20+$0x140]  }
0xe8: {  	v62 =	vld [tilespmem:s20+$0x150];
	v12 =	vadd.f32 v12, v51  }
0xe9: {  	v63 =	vld [tilespmem:s20+$0x160];
	v13 =	vadd.f32 v13, v52  }
0xea: {  	[tilespmem:s20+$0x100] =	vst v12;
	v12 =	vadd.f32 v14, v53;
	v14 =	vld [tilespmem:s20+$0x170]  }
0xeb: {  	[tilespmem:s20+$0x110] =	vst v13;
	v13 =	vadd.f32 v15, v54;
	v15 =	vld [tilespmem:s20+$0x500]  }
0xec: {  	[tilespmem:s20+$0x120] =	vst v12;
	v12 =	vadd.f32 v16, v55;
	v16 =	vld [tilespmem:s20+$0x510]  }
0xed: {  	[tilespmem:s20+$0x130] =	vst v13;
	v13 =	vadd.f32 v17, v62;
	v17 =	vld [tilespmem:s20+$0x520]  }
0xee: {  	v5 =	vld [tilespmem:s20+$0xD550]  }
0xef: {  	[tilespmem:s20+$0x140] =	vst v12;
	v12 =	vadd.f32 v18, v63;
	v18 =	vld [tilespmem:s20+$0x570]  }
0xf0: {  	[tilespmem:s20+$0x150] =	vst v13;
	v13 =	vadd.f32 v19, v14;
	v14 =	vld [tilespmem:s20+$0x530]  }
0xf1: {  	[tilespmem:s20+$0x160] =	vst v12;
	v12 =	vadd.f32 v20, v15;
	v15 =	vld [tilespmem:s20+$0x540]  }
0xf2: {  	[tilespmem:s20+$0x170] =	vst v13;
	v13 =	vadd.f32 v21, v16;
	v16 =	vadd.f32 v22, v17;
	v17 =	vld [tilespmem:s20+$0x560]  }
0xf3: {  	[tilespmem:s20+$0x500] =	vst v12;
	v12 =	vld [tilespmem:s20+$0x550]  }
0xf4: {  	[tilespmem:s20+$0x510] =	vst v13;
	v13 =	vld [tilespmem:s20+$0x900];
	v18 =	vadd.f32 v27, v18  }
0xf5: {  	[tilespmem:s20+$0x520] =	vst v16;
	v16 =	vld [tilespmem:s20+$0x910];
	v14 =	vadd.f32 v23, v14  }
0xf6: {  	v4 =	vld [tilespmem:s20+$0xD560];
	v15 =	vadd.f32 v24, v15;
	[tilespmem:s20+$0x570] =	vst v18  }
0xf7: {  	[tilespmem:s20+$0x530] =	vst v14;
	v14 =	vld [tilespmem:s20+$0x920];
	v17 =	vadd.f32 v26, v17  }
0xf8: {  	v12 =	vadd.f32 v25, v12;
	[tilespmem:s20+$0x540] =	vst v15;
	v15 =	vld [tilespmem:s20+$0x930]  }
0xf9: {  	v18 =	vld [tilespmem:s20+$0x970];
	[tilespmem:s20+$0x560] =	vst v17;
	v13 =	vadd.f32 v28, v13  }
0xfa: {  	v16 =	vadd.f32 v29, v16;
	[tilespmem:s20+$0x550] =	vst v12;
	v12 =	vld [tilespmem:s20+$0x940]  }
0xfb: {  	v17 =	vld [tilespmem:s20+$0x950];
	[tilespmem:s20+$0x900] =	vst v13  }
0xfc: {  	[tilespmem:s20+$0x910] =	vst v16;
	v16 =	vld [tilespmem:s20+$0x960];
	v13 =	vadd.f32 v30, v14  }
0xfd: {  	v14 =	vld [tilespmem:s20+$0xD00];
	v15 =	vadd.f32 v31, v15  }
0xfe: {  	[tilespmem:s20+$0x920] =	vst v13;
	v13 =	vld [tilespmem:s20+$0xD10]  }
0xff: {  	v12 =	vadd.f32 v32, v12;
	[tilespmem:s20+$0x930] =	vst v15;
	v15 =	vld [tilespmem:s20+$0xD20]  }
0x100: {  	v3 =	vld [tilespmem:s20+$0xD570];
	v17 =	vadd.f32 v33, v17  }
0x101: {  	v16 =	vadd.f32 v34, v16;
	[tilespmem:s20+$0x940] =	vst v12;
	v12 =	vld [tilespmem:s20+$0xD30]  }
0x102: {  	[tilespmem:s20+$0x950] =	vst v17;
	v17 =	vld [tilespmem:s20+$0xD40];
	v14 =	vadd.f32 v36, v14  }
0x103: {  	v18 =	vadd.f32 v35, v18;
	[tilespmem:s20+$0x960] =	vst v16;
	v16 =	vld [tilespmem:s20+$0xD50]  }
0x104: {  	v13 =	vadd.f32 v37, v13;
	[tilespmem:s20+$0xD00] =	vst v14;
	v14 =	vadd.f32 v38, v15;
	v15 =	vld [tilespmem:s20+$0xD60]  }
0x105: {  	[tilespmem:s20+$0x970] =	vst v18;
	v18 =	vld [tilespmem:s20+$0xD70]  }
0x106: {  	[tilespmem:s20+$0xD10] =	vst v13;
	v13 =	vld [tilespmem:s20+$0x1100];
	v12 =	vadd.f32 v39, v12  }
0x107: {  	v17 =	vadd.f32 v40, v17;
	[tilespmem:s20+$0xD20] =	vst v14;
	v14 =	vld [tilespmem:s20+$0x1110]  }
0x108: {  	v16 =	vadd.f32 v41, v16;
	[tilespmem:s20+$0xD30] =	vst v12;
	v12 =	vld [tilespmem:s20+$0x1120]  }
0x109: {  	[tilespmem:s20+$0xD40] =	vst v17;
	v17 =	vld [tilespmem:s20+$0x1130];
	v15 =	vadd.f32 v42, v15  }
0x10a: {  	v19 =	vld [tilespmem:s20+$0x1140];
	[tilespmem:s20+$0xD50] =	vst v16;
	v16 =	vadd.f32 v43, v18  }
0x10b: {  	v18 =	vld [tilespmem:s20+$0x1150];
	v13 =	vadd.f32 v44, v13;
	[tilespmem:s20+$0xD60] =	vst v15  }
0x10c: {  	v20 =	vld [tilespmem:s20+$0x1160];
	[tilespmem:s20+$0xD70] =	vst v16;
	v14 =	vadd.f32 v45, v14  }
0x10d: {  	v16 =	vld [tilespmem:s20+$0x1170];
	[tilespmem:s20+$0x1100] =	vst v13;
	v12 =	vadd.f32 v46, v12  }
0x10e: {  	v15 =	vld [tilespmem:s20+$0x1500];
	v13 =	vadd.f32 v47, v17;
	[tilespmem:s20+$0x1110] =	vst v14  }
0x10f: {  	v14 =	vld [tilespmem:s20+$0x1510];
	[tilespmem:s20+$0x1120] =	vst v12;
	v12 =	vadd.f32 v48, v19  }
0x110: {  	[tilespmem:s20+$0x1130] =	vst v13;
	v13 =	vld [tilespmem:s20+$0x1520];
	v18 =	vadd.f32 v49, v18  }
0x111: {  	s21 =	simm.s32 $0x1;
	s22 =	simm.s32 $0x0;
	v17 =	vadd.f32 v50, v20;
	[tilespmem:s20+$0x1140] =	vst v12;
	v12 =	vld [tilespmem:s20+$0x1530]  }
.LBB2_2:
0x112: {  	s23 =	sshrl.u32 s21, $0x3;
	p0 =	sne.s32 s21, $0x3F;
	[tilespmem:s20+$0x1150] =	vst v18;
	v11 =	vadd.f32 v11, v16;
	v16 =	vld [tilespmem:s20+$0x1540]  }
0x113: {  	s22 =	sadd.s32 $0x80, s22;
	s23 =	smul.u32 $0x1800, s23;
	[tilespmem:s20+$0x1160] =	vst v17;
	v10 =	vadd.f32 v10, v15;
	v15 =	vld [tilespmem:s20+$0x1550]  }
0x114: {  	s24 =	sand.u32 $0x380, s22;
	[tilespmem:s20+$0x1170] =	vst v11;
	v9 =	vadd.f32 v9, v14;
	v11 =	vld [tilespmem:s20+$0x1560]  }
0x115: {  	s23 =	sor.u32 s24, s23;
	[tilespmem:s20+$0x1500] =	vst v10;
	v8 =	vadd.f32 v8, v13;
	v10 =	vld [tilespmem:s20+$0x1570]  }
0x116: {  	v39 =	vld [tilespmem:s23+$0xC100];
	[tilespmem:s20+$0x1510] =	vst v9;
	v7 =	vadd.f32 v7, v12  }
0x117: {  	v40 =	vld [tilespmem:s23+$0xC110];
	[tilespmem:s20+$0x1520] =	vst v8;
	v6 =	vadd.f32 v6, v16  }
0x118: {  	v41 =	vld [tilespmem:s23+$0xC120];
	[tilespmem:s20+$0x1530] =	vst v7;
	v5 =	vadd.f32 v5, v15  }
0x119: {  	v42 =	vld [tilespmem:s23+$0xC130];
	[tilespmem:s20+$0x1540] =	vst v6;
	v4 =	vadd.f32 v4, v11  }
0x11a: {  	v43 =	vld [tilespmem:s23+$0xC140];
	[tilespmem:s20+$0x1550] =	vst v5;
	v3 =	vadd.f32 v3, v10  }
0x11b: {  	v44 =	vld [tilespmem:s23+$0xC150];
	[tilespmem:s20+$0x1560] =	vst v4  }
0x11c: {  	v45 =	vld [tilespmem:s23+$0xC160];
	[tilespmem:s20+$0x1570] =	vst v3;
	s20 =	smov.u32 s23  }
0x11d: {  	v46 =	vld [tilespmem:s20+$0xC170]  }
0x11e: {  	v47 =	vld [tilespmem:s20+$0xC500]  }
0x11f: {  	v48 =	vld [tilespmem:s20+$0xC510]  }
0x120: {  	v49 =	vld [tilespmem:s20+$0xC520]  }
0x121: {  	v50 =	vld [tilespmem:s20+$0xC530]  }
0x122: {  	v38 =	vld [tilespmem:s20+$0xC540]  }
0x123: {  	v37 =	vld [tilespmem:s20+$0xC550]  }
0x124: {  	v36 =	vld [tilespmem:s20+$0xC560]  }
0x125: {  	v35 =	vld [tilespmem:s20+$0xC570]  }
0x126: {  	v34 =	vld [tilespmem:s20+$0xC900]  }
0x127: {  	v33 =	vld [tilespmem:s20+$0xC910]  }
0x128: {  	v32 =	vld [tilespmem:s20+$0xC920]  }
0x129: {  	v31 =	vld [tilespmem:s20+$0xC930]  }
0x12a: {  	v30 =	vld [tilespmem:s20+$0xC940]  }
0x12b: {  	v29 =	vld [tilespmem:s20+$0xC950]  }
0x12c: {  	v28 =	vld [tilespmem:s20+$0xC960]  }
0x12d: {  	v27 =	vld [tilespmem:s20+$0xC970]  }
0x12e: {  	v26 =	vld [tilespmem:s20+$0xCD00]  }
0x12f: {  	v25 =	vld [tilespmem:s20+$0xCD10]  }
0x130: {  	v24 =	vld [tilespmem:s20+$0xCD20]  }
0x131: {  	v23 =	vld [tilespmem:s20+$0xCD30]  }
0x132: {  	v22 =	vld [tilespmem:s20+$0xCD40]  }
0x133: {  	v21 =	vld [tilespmem:s20+$0xCD50]  }
0x134: {  	v20 =	vld [tilespmem:s20+$0xCD60]  }
0x135: {  	v19 =	vld [tilespmem:s20+$0xCD70]  }
0x136: {  	v18 =	vld [tilespmem:s20+$0xD100]  }
0x137: {  	v17 =	vld [tilespmem:s20+$0xD110]  }
0x138: {  	v16 =	vld [tilespmem:s20+$0xD120]  }
0x139: {  	v15 =	vld [tilespmem:s20+$0xD130]  }
0x13a: {  	v14 =	vld [tilespmem:s20+$0xD140]  }
0x13b: {  	v13 =	vld [tilespmem:s20+$0xD150]  }
0x13c: {  	v12 =	vld [tilespmem:s20+$0xD160]  }
0x13d: {  	v11 =	vld [tilespmem:s20+$0xD170]  }
0x13e: {  	v10 =	vld [tilespmem:s20+$0xD500]  }
0x13f: {  	v9 =	vld [tilespmem:s20+$0xD510]  }
0x140: {  	v8 =	vld [tilespmem:s20+$0xD520]  }
0x141: {  	v7 =	vld [tilespmem:s20+$0xD530]  }
0x142: {  	v6 =	vld [tilespmem:s20+$0xD540]  }
0x143: {  	v5 =	vld [tilespmem:s20+$0xD550]  }
0x144: {  	v4 =	vld [tilespmem:s20+$0xD560]  }
0x145: {  	v3 =	vld [tilespmem:s20+$0xD570]  }
0x146: {  	v51 =	vld [tilespmem:s20+$0x100]  }
0x147: {  	v52 =	vld [tilespmem:s20+$0x110]  }
0x148: {  	v53 =	vld [tilespmem:s20+$0x120]  }
0x149: {  	v54 =	vld [tilespmem:s20+$0x130]  }
0x14a: {  	v55 =	vld [tilespmem:s20+$0x140]  }
0x14b: {  	v39 =	vadd.f32 v39, v51;
	v51 =	vld [tilespmem:s20+$0x150]  }
0x14c: {  	v40 =	vadd.f32 v40, v52;
	v52 =	vld [tilespmem:s20+$0x160]  }
0x14d: {  	[tilespmem:s20+$0x100] =	vst v39;
	v39 =	vadd.f32 v41, v53;
	v41 =	vld [tilespmem:s20+$0x170]  }
0x14e: {  	[tilespmem:s20+$0x110] =	vst v40;
	v40 =	vadd.f32 v42, v54;
	v42 =	vld [tilespmem:s20+$0x500]  }
0x14f: {  	[tilespmem:s20+$0x120] =	vst v39;
	v39 =	vadd.f32 v43, v55;
	v43 =	vld [tilespmem:s20+$0x510]  }
0x150: {  	[tilespmem:s20+$0x130] =	vst v40;
	v40 =	vadd.f32 v44, v51;
	v44 =	vld [tilespmem:s20+$0x520]  }
0x151: {  	[tilespmem:s20+$0x140] =	vst v39;
	v39 =	vadd.f32 v45, v52;
	v45 =	vld [tilespmem:s20+$0x530]  }
0x152: {  	[tilespmem:s20+$0x150] =	vst v40;
	v40 =	vadd.f32 v46, v41;
	v41 =	vld [tilespmem:s20+$0x540]  }
0x153: {  	[tilespmem:s20+$0x160] =	vst v39;
	v39 =	vadd.f32 v47, v42;
	v42 =	vld [tilespmem:s20+$0x550]  }
0x154: {  	[tilespmem:s20+$0x170] =	vst v40;
	v40 =	vadd.f32 v48, v43;
	v43 =	vld [tilespmem:s20+$0x560]  }
0x155: {  	[tilespmem:s20+$0x500] =	vst v39;
	v39 =	vadd.f32 v49, v44;
	v44 =	vld [tilespmem:s20+$0x570]  }
0x156: {  	[tilespmem:s20+$0x510] =	vst v40;
	v40 =	vadd.f32 v50, v45;
	v45 =	vld [tilespmem:s20+$0x900]  }
0x157: {  	[tilespmem:s20+$0x520] =	vst v39;
	v38 =	vadd.f32 v38, v41;
	v39 =	vld [tilespmem:s20+$0x910]  }
0x158: {  	[tilespmem:s20+$0x530] =	vst v40;
	v37 =	vadd.f32 v37, v42;
	v40 =	vld [tilespmem:s20+$0x920]  }
0x159: {  	[tilespmem:s20+$0x540] =	vst v38;
	v36 =	vadd.f32 v36, v43;
	v38 =	vld [tilespmem:s20+$0x930]  }
0x15a: {  	[tilespmem:s20+$0x550] =	vst v37;
	v35 =	vadd.f32 v35, v44;
	v37 =	vld [tilespmem:s20+$0x940]  }
0x15b: {  	[tilespmem:s20+$0x560] =	vst v36;
	v34 =	vadd.f32 v34, v45;
	v36 =	vld [tilespmem:s20+$0x950]  }
0x15c: {  	[tilespmem:s20+$0x570] =	vst v35;
	v33 =	vadd.f32 v33, v39;
	v35 =	vld [tilespmem:s20+$0x960]  }
0x15d: {  	[tilespmem:s20+$0x900] =	vst v34;
	v32 =	vadd.f32 v32, v40;
	v34 =	vld [tilespmem:s20+$0x970]  }
0x15e: {  	[tilespmem:s20+$0x910] =	vst v33;
	v31 =	vadd.f32 v31, v38;
	v33 =	vld [tilespmem:s20+$0xD00]  }
0x15f: {  	[tilespmem:s20+$0x920] =	vst v32;
	v30 =	vadd.f32 v30, v37;
	v32 =	vld [tilespmem:s20+$0xD10]  }
0x160: {  	[tilespmem:s20+$0x930] =	vst v31;
	v29 =	vadd.f32 v29, v36;
	v31 =	vld [tilespmem:s20+$0xD20]  }
0x161: {  	[tilespmem:s20+$0x940] =	vst v30;
	v28 =	vadd.f32 v28, v35;
	v30 =	vld [tilespmem:s20+$0xD30]  }
0x162: {  	[tilespmem:s20+$0x950] =	vst v29;
	v27 =	vadd.f32 v27, v34;
	v29 =	vld [tilespmem:s20+$0xD40]  }
0x163: {  	[tilespmem:s20+$0x960] =	vst v28;
	v26 =	vadd.f32 v26, v33;
	v28 =	vld [tilespmem:s20+$0xD50]  }
0x164: {  	[tilespmem:s20+$0x970] =	vst v27;
	v25 =	vadd.f32 v25, v32;
	v27 =	vld [tilespmem:s20+$0xD60]  }
0x165: {  	[tilespmem:s20+$0xD00] =	vst v26;
	v24 =	vadd.f32 v24, v31;
	v26 =	vld [tilespmem:s20+$0xD70]  }
0x166: {  	[tilespmem:s20+$0xD10] =	vst v25;
	v23 =	vadd.f32 v23, v30;
	v25 =	vld [tilespmem:s20+$0x1100]  }
0x167: {  	[tilespmem:s20+$0xD20] =	vst v24;
	v22 =	vadd.f32 v22, v29;
	v24 =	vld [tilespmem:s20+$0x1110]  }
0x168: {  	[tilespmem:s20+$0xD30] =	vst v23;
	v21 =	vadd.f32 v21, v28;
	v23 =	vld [tilespmem:s20+$0x1120]  }
0x169: {  	[tilespmem:s20+$0xD40] =	vst v22;
	v20 =	vadd.f32 v20, v27;
	v22 =	vld [tilespmem:s20+$0x1130]  }
0x16a: {  	[tilespmem:s20+$0xD50] =	vst v21;
	v19 =	vadd.f32 v19, v26;
	v21 =	vld [tilespmem:s20+$0x1140]  }
0x16b: {  	[tilespmem:s20+$0xD60] =	vst v20;
	v18 =	vadd.f32 v18, v25;
	v20 =	vld [tilespmem:s20+$0x1150]  }
0x16c: {  	[tilespmem:s20+$0xD70] =	vst v19;
	v17 =	vadd.f32 v17, v24;
	v19 =	vld [tilespmem:s20+$0x1160]  }
.Ltmp0:
0x16d: {  	[tilespmem:s20+$0x1100] =	vst v18;
	v18 =	vadd.f32 v16, v23;
	v16 =	vld [tilespmem:s20+$0x1170];
	(pc) =	sbr.rel @p0 .LBB2_2-.Ltmp0, $4  }
0x16e: {  	[tilespmem:s20+$0x1110] =	vst v17;
	v17 =	vadd.f32 v15, v22;
	v15 =	vld [tilespmem:s20+$0x1500]  }
0x16f: {  	[tilespmem:s20+$0x1120] =	vst v18;
	v21 =	vadd.f32 v14, v21;
	v14 =	vld [tilespmem:s20+$0x1510]  }
0x170: {  	[tilespmem:s20+$0x1130] =	vst v17;
	v18 =	vadd.f32 v13, v20;
	v13 =	vld [tilespmem:s20+$0x1520]  }
0x171: {  	s21 =	sadd.s32 $0x1, s21;
	[tilespmem:s20+$0x1140] =	vst v21;
	v17 =	vadd.f32 v12, v19;
	v12 =	vld [tilespmem:s20+$0x1530]  }
0x172: {  	[tilespmem:s20+$0x1150] =	vst v18;
	v60 =	vld [tilespmem:s20+$0x1540];
	v11 =	vadd.f32 v11, v16  }
0x173: {  	v61 =	vld [tilespmem:s20+$0x1550];
	[tilespmem:s20+$0x1160] =	vst v17;
	v10 =	vadd.f32 v10, v15  }
0x174: {  	v62 =	vld [tilespmem:s20+$0x1560];
	[tilespmem:s20+$0x1170] =	vst v11;
	v9 =	vadd.f32 v9, v14  }
0x175: {  	v63 =	vld [tilespmem:s20+$0x1570];
	[tilespmem:s20+$0x1500] =	vst v10;
	v8 =	vadd.f32 v8, v13  }
0x176: {  	[tilespmem:s20+$0x1510] =	vst v9;
	v7 =	vadd.f32 v7, v12  }
0x177: {  	[tilespmem:s20+$0x1520] =	vst v8;
	v6 =	vadd.f32 v6, v60  }
0x178: {  	v5 =	vadd.f32 v5, v61;
	[tilespmem:s20+$0x1530] =	vst v7  }
0x179: {  	v4 =	vadd.f32 v4, v62;
	[tilespmem:s20+$0x1540] =	vst v6  }
0x17a: {  	s19 =	sadd.s32 $0x1, s19;
	v3 =	vadd.f32 v3, v63;
	[tilespmem:s20+$0x1550] =	vst v5  }
0x17b: {  	p0 =	sne.s32 s19, s9;
	[tilespmem:s20+$0x1560] =	vst v4  }
.Ltmp1:
0x17c: {  	[tilespmem:s20+$0x1570] =	vst v3;
	(pc) =	sbr.rel @p0 .LBB2_1-.Ltmp1, $4  }
0x17d: {  	[hbm4b:s8+s2] =	stream.linear.scatter [tilespmem:s12], [sflag:$0x2], $0xC000, $0x38;
	[tilespmem:$0x18100] =	vst v63  }
0x17e: {  	_ =	swait.ge [sflag:s10], $0xC000  }
0x17f: {  	[sflag:s10] =	ssyncset.done $0x0  }
0x180: {  	[sflag:s10] =	ssyncadd.s32 $0xFFFF4000  }
0x181: {  	_ =	sfence.sel $0x180000  }
0x182: {  	[bflag:$0x0] =	sbarrier.arrive $0xFFFF  }
0x183: {  	_ =	strace $0x9000004A  }
0x184: {  	s0 =	stileid.u32;
	[bflag:$0x2] =	sbarrier.arrive $0xFFFF  }
0x185: {  	p0 =	sne.s32 s0, $0x0;
	s0 =	rddreg [dreg:$0x2]  }
0x186: {  	s0 =	sadd.s32 @!p0 $0x100000, s0  }
0x187: {  	[sflag:s0] =	ssyncadd.tile.s32 @!p0 $0x1;
	_ =	shalt  }
.Lfunc_end2:
_tile_overlayer_lowered:
.L_overlay_start_2:
0x188: {  	(tag) =	ssettag $0x2  }
0x189: {  	s0 =	rddreg [dreg:$0x0];
	s2 =	stileid.u32  }
0x18a: {  	s1 =	rddreg [dreg:$0x1];
	p0 =	sne.s32 s2, $0x0  }
0x18b: {  	s3 =	rddreg [dreg:$0x2];
	[bflag:$0x3] =	sbarrier.arrive $0xFFFF;
	s2 =	simm.s32 @!p0 $0x1C02  }
0x18c: {  	[timem:s3], [sflag:s2] =	dma.local @!p0 [hbm:s0], s1  }
0x18d: {  	s0 =	simm.s32 @!p0 $0x2  }
0x18e: {  	_ =	swait.ge @!p0 [sflag:s0], s1  }
0x18f: {  	s1 =	ssub.s32 @!p0 $0x0, s1;
	[sflag:s0] =	ssyncset.done @!p0 $0x0  }
0x190: {  	[sflag:s0] =	ssyncadd.s32 @!p0 s1  }
0x191: {  	[bflag:$0x3] =	sbarrier.arrive $0xFFFF  }
0x192: {  	_ =	shalt  }

</sc_bundles>
